<compile_context>
chip_gen: v7x
topology: tpu7x:2x2x1
jax: 0.10.2.dev20260603
libtpu: 0.0.44.dev20260713+nightly
codegen_flags: <defaults>
</compile_context>

<pallas_src>
import jax
import jax.numpy as jnp
from jax import lax
from jax.experimental import pallas as pl
from jax.experimental.pallas import tpu as pltpu
from jax.experimental.pallas import tpu_sc as plsc

L = 16
NC = 2
NS = 16
NW = NC * NS
BS = 16
NQ = 900
NT = 1600
NCHUNK = NT // L
QB = 4

SC_BATCHES = 4
TC_BATCHES = BS - SC_BATCHES
S_SLICES = NW // SC_BATCHES
Q_BASE = (NQ // S_SLICES) // QB * QB
Q_LAST = NQ - Q_BASE * (S_SLICES - 1)
OUT_TGT_W = -(-Q_LAST // 16) * 16

NQPAD = 1024
TC_QTILE = 512
NQB = NQPAD // TC_QTILE

POINT_W = 5.0
GIOU_W = 2.0

_TCX, _TCY, _TX0, _TY0, _TX1, _TY1, _TAREA = (k * NT for k in range(7))


def _vsqrt(d2):
    ih = plsc.bitcast(d2, jnp.int32)
    r = plsc.bitcast(jnp.int32(0x5F3759DF) - (ih >> 1), jnp.float32)
    hx = 0.5 * d2
    r = r * (1.5 - hx * r * r)
    r = r * (1.5 - hx * r * r)
    r = r * (1.5 - hx * r * r)
    s = d2 * r
    return 0.5 * (s + d2 / s)



_SC_KWARGS = dict(
    out_type=(
        jax.ShapeDtypeStruct((NW, NT), jnp.float32),
        jax.ShapeDtypeStruct((NW, NT), jnp.int32),
        jax.ShapeDtypeStruct((NW, OUT_TGT_W), jnp.int32),
    ),
    mesh=plsc.VectorSubcoreMesh(core_axis_name="c", subcore_axis_name="s",
                                num_cores=NC, num_subcores=NS),
    scratch_types=(
        pltpu.VMEM((NQ * 4,), jnp.float32),
        pltpu.VMEM((NT * 4,), jnp.float32),
        pltpu.VMEM((7 * NT,), jnp.float32),
        pltpu.VMEM((NT,), jnp.float32),
        pltpu.VMEM((NT,), jnp.int32),
        pltpu.VMEM((OUT_TGT_W,), jnp.int32),
    ),
    compiler_params=pltpu.CompilerParams(needs_layout_passes=False),
)


def _sc_matcher(pred_hbm, tgt_hbm, out_pval, out_pq, out_tgt,
                pred_v, tgt_v, pre_v, bval_v, bq_v, srcidx_v):
    w = lax.axis_index("c") * NS + lax.axis_index("s")
    b = w // S_SLICES
    sl = w % S_SLICES
    q0 = sl * Q_BASE
    count = Q_BASE + (Q_LAST - Q_BASE) * (sl == S_SLICES - 1).astype(jnp.int32)
    ngroups = count // QB
    iota = lax.iota(jnp.int32, L)
    inf_v = jnp.full((L,), jnp.inf, jnp.float32)

    pltpu.sync_copy(tgt_hbm, tgt_v)
    pltpu.sync_copy(pred_hbm.at[pl.ds(b * (NQ * 4), NQ * 4)], pred_v)

    def pre_body(cc, carry):
        base4 = (cc * L + iota) * 4
        tcx = plsc.load_gather(tgt_v, [base4])
        tcy = plsc.load_gather(tgt_v, [base4 + 1])
        tw = plsc.load_gather(tgt_v, [base4 + 2])
        th = plsc.load_gather(tgt_v, [base4 + 3])
        x0 = tcx - 0.5 * tw
        y0 = tcy - 0.5 * th
        x1 = tcx + 0.5 * tw
        y1 = tcy + 0.5 * th
        off = cc * L
        pre_v[pl.ds(off + _TCX, L)] = tcx
        pre_v[pl.ds(off + _TCY, L)] = tcy
        pre_v[pl.ds(off + _TX0, L)] = x0
        pre_v[pl.ds(off + _TY0, L)] = y0
        pre_v[pl.ds(off + _TX1, L)] = x1
        pre_v[pl.ds(off + _TY1, L)] = y1
        pre_v[pl.ds(off + _TAREA, L)] = (x1 - x0) * (y1 - y0)
        bval_v[pl.ds(off, L)] = inf_v
        bq_v[pl.ds(off, L)] = jnp.zeros((L,), jnp.int32)
        return carry

    lax.fori_loop(0, NCHUNK, pre_body, 0)

    def q_body(qg, acc):
        qi = qg * QB
        qabs = q0 + qi
        qbc = []
        for k in range(QB):
            qidx = jnp.full((L,), (qabs + k) * 4, jnp.int32)
            qcx = plsc.load_gather(pred_v, [qidx])
            qcy = plsc.load_gather(pred_v, [qidx + 1])
            qw = plsc.load_gather(pred_v, [qidx + 2])
            qh_ = plsc.load_gather(pred_v, [qidx + 3])
            qx0 = qcx - 0.5 * qw
            qy0 = qcy - 0.5 * qh_
            qx1 = qcx + 0.5 * qw
            qy1 = qcy + 0.5 * qh_
            qarea = (qx1 - qx0) * (qy1 - qy0)
            qbc.append((qcx, qcy, qx0, qy0, qx1, qy1, qarea))
        qvec = jnp.full((L,), qabs, jnp.int32)

        def one_chunk(cc, bv, bj):
            off = cc * L
            tcx = pre_v[pl.ds(off + _TCX, L)]
            tcy = pre_v[pl.ds(off + _TCY, L)]
            tx0 = pre_v[pl.ds(off + _TX0, L)]
            ty0 = pre_v[pl.ds(off + _TY0, L)]
            tx1 = pre_v[pl.ds(off + _TX1, L)]
            ty1 = pre_v[pl.ds(off + _TY1, L)]
            tarea = pre_v[pl.ds(off + _TAREA, L)]
            jvec = iota + off
            tv = bval_v[pl.ds(off, L)]
            tq = bq_v[pl.ds(off, L)]
            for k in range(QB):
                qcx, qcy, qx0, qy0, qx1, qy1, qarea = qbc[k]
                dx = qcx - tcx
                dy = qcy - tcy
                dist = _vsqrt(dx * dx + dy * dy + 1e-12)
                iw = jnp.maximum(jnp.minimum(qx1, tx1) - jnp.maximum(qx0, tx0), 0.0)
                ih = jnp.maximum(jnp.minimum(qy1, ty1) - jnp.maximum(qy0, ty0), 0.0)
                inter = iw * ih
                union = qarea + tarea - inter + 1e-16
                iou = inter / union
                ew = jnp.maximum(qx1, tx1) - jnp.minimum(qx0, tx0)
                eh = jnp.maximum(qy1, ty1) - jnp.minimum(qy0, ty0)
                earea = ew * eh + 1e-16
                giou = iou - (earea - union) / earea
                cost = POINT_W * dist - GIOU_W * giou
                m = cost < bv[k]
                bv[k] = jnp.where(m, cost, bv[k])
                bj[k] = jnp.where(m, jvec, bj[k])
                mt = cost < tv
                tv = jnp.where(mt, cost, tv)
                tq = jnp.where(mt, qvec + k, tq)
            bval_v[pl.ds(off, L)] = tv
            bq_v[pl.ds(off, L)] = tq
            return bv, bj

        def t_body(cc, carry):
            bv, bj = one_chunk(cc, list(carry[:QB]), list(carry[QB:]))
            return tuple(bv) + tuple(bj)

        init = (inf_v,) * QB + (jnp.zeros((L,), jnp.int32),) * QB
        res = lax.fori_loop(0, NCHUNK, t_body, init)
        accn = acc
        for k in range(QB):
            bv, bj = res[k], res[QB + k]
            minv = jnp.min(bv)
            jbest = jnp.min(jnp.where(bv == minv, bj, jnp.int32(1 << 30)))
            accn = jnp.where(iota == ((qi + k) % L), jbest, accn)

        @pl.when(qi % L == L - QB)
        def _():
            srcidx_v[pl.ds(qi - (L - QB), L)] = accn

        return accn

    acc = lax.fori_loop(0, ngroups, q_body, jnp.zeros((L,), jnp.int32))
    srcidx_v[pl.ds((count - 1) // L * L, L)] = acc

    pltpu.sync_copy(srcidx_v, out_tgt.at[w])
    pltpu.sync_copy(bval_v, out_pval.at[w])
    pltpu.sync_copy(bq_v, out_pq.at[w])


_sc_matcher_call = pl.kernel(_sc_matcher, **_SC_KWARGS)



def _tc_matcher(pred_ref, tgtt_ref, out_src_ref, out_tgt_ref, accv, accq):
    qb = pl.program_id(1)
    qcx = pred_ref[0, :, 0:1]
    qcy = pred_ref[0, :, 1:2]
    qw = pred_ref[0, :, 2:3]
    qh = pred_ref[0, :, 3:4]
    qx0 = qcx - 0.5 * qw
    qy0 = qcy - 0.5 * qh
    qx1 = qcx + 0.5 * qw
    qy1 = qcy + 0.5 * qh
    qarea = (qx1 - qx0) * (qy1 - qy0)
    tcx = tgtt_ref[0:1, :]
    tcy = tgtt_ref[1:2, :]
    tw = tgtt_ref[2:3, :]
    th = tgtt_ref[3:4, :]
    tx0 = tcx - 0.5 * tw
    ty0 = tcy - 0.5 * th
    tx1 = tcx + 0.5 * tw
    ty1 = tcy + 0.5 * th
    tarea = (tx1 - tx0) * (ty1 - ty0)

    dx = qcx - tcx
    dy = qcy - tcy
    dist = jnp.sqrt(dx * dx + dy * dy + 1e-12)
    iw = jnp.maximum(jnp.minimum(qx1, tx1) - jnp.maximum(qx0, tx0), 0.0)
    ih = jnp.maximum(jnp.minimum(qy1, ty1) - jnp.maximum(qy0, ty0), 0.0)
    inter = iw * ih
    union = qarea + tarea - inter + 1e-16
    iou = inter / union
    ew = jnp.maximum(qx1, tx1) - jnp.minimum(qx0, tx0)
    eh = jnp.maximum(qy1, ty1) - jnp.minimum(qy0, ty0)
    earea = ew * eh + 1e-16
    giou = iou - (earea - union) / earea
    cost = POINT_W * dist - GIOU_W * giou

    big = jnp.int32(1 << 30)
    minv = jnp.min(cost, axis=1, keepdims=True)
    lidx = lax.broadcasted_iota(jnp.int32, (TC_QTILE, NT), 1)
    jbest = jnp.min(jnp.where(cost == minv, lidx, big), axis=1, keepdims=True)
    out_tgt_ref[0, :, :] = jbest

    qgidx = qb * TC_QTILE + lax.broadcasted_iota(jnp.int32, (TC_QTILE, NT), 0)
    costm = jnp.where(qgidx < NQ, cost, jnp.inf)
    bminv = jnp.min(costm, axis=0, keepdims=True)
    bargq = jnp.min(jnp.where(costm == bminv, qgidx, big), axis=0, keepdims=True)

    @pl.when(qb == 0)
    def _():
        accv[...] = bminv
        accq[...] = bargq

    @pl.when(qb > 0)
    def _():
        m = bminv < accv[...]
        accv[...] = jnp.where(m, bminv, accv[...])
        accq[...] = jnp.where(m, bargq, accq[...])

    @pl.when(qb == NQB - 1)
    def _():
        out_src_ref[0] = accq[...]


_tc_matcher_call = pl.pallas_call(
    _tc_matcher,
    grid=(TC_BATCHES, NQB),
    in_specs=[
        pl.BlockSpec((1, TC_QTILE, 4), lambda b, q: (b, q, 0)),
        pl.BlockSpec((4, NT), lambda b, q: (0, 0)),
    ],
    out_specs=[
        pl.BlockSpec((1, 1, NT), lambda b, q: (b, 0, 0)),
        pl.BlockSpec((1, TC_QTILE, 1), lambda b, q: (b, q, 0)),
    ],
    out_shape=[
        jax.ShapeDtypeStruct((TC_BATCHES, 1, NT), jnp.int32),
        jax.ShapeDtypeStruct((TC_BATCHES, NQPAD, 1), jnp.int32),
    ],
    scratch_shapes=[
        pltpu.VMEM((1, NT), jnp.float32),
        pltpu.VMEM((1, NT), jnp.int32),
    ],
)



def kernel(pred_boxes, tgt_boxes):
    pred_sc = pred_boxes[:SC_BATCHES]
    pred_tc = pred_boxes[SC_BATCHES:]
    tgt_flat = tgt_boxes.reshape(-1)

    out_pval, out_pq, out_tgt = _sc_matcher_call(pred_sc.reshape(-1), tgt_flat)

    pred_tc_pad = jnp.pad(pred_tc, ((0, 0), (0, NQPAD - NQ), (0, 0)))
    tgt_t = tgt_boxes.T
    src_tc, tgtidx_tc = _tc_matcher_call(pred_tc_pad, tgt_t)

    vals = out_pval.reshape(SC_BATCHES, S_SLICES, NT)
    qs = out_pq.reshape(SC_BATCHES, S_SLICES, NT)
    jsel = jnp.argmin(vals, axis=1)
    src_sc = jnp.take_along_axis(qs, jsel[:, None, :], axis=1)[:, 0, :]
    rows = out_tgt.reshape(SC_BATCHES, S_SLICES, OUT_TGT_W)
    parts = [rows[:, j, :Q_BASE] for j in range(S_SLICES - 1)]
    parts.append(rows[:, S_SLICES - 1, :Q_LAST])
    tgtidx_sc = jnp.concatenate(parts, axis=1)

    indices_src = jnp.concatenate([src_sc, src_tc[:, 0, :]], axis=0)
    indices_tgt = jnp.concatenate(
        [tgtidx_sc, tgtidx_tc[:, :NQ, 0]], axis=0)
    return indices_src, indices_tgt

# --- scband reference (transcript-rebuilt; emitter-appended) ---
"""Pipeline reference for scband-chamfer-distance-matching-24163486007424 (READ-ONLY COPY).

The authoritative reference and input builder live on the scoring server;
editing this copy changes nothing except your own understanding.
"""

import jax, jax.numpy as jnp
import numpy as np

POINT_COST = 5.0
GIOU_COST = 2.0


def box_cxcywh_to_xyxy(x):
    x_c, y_c, w, h = x[..., 0], x[..., 1], x[..., 2], x[..., 3]
    return jnp.stack([x_c - 0.5 * w, y_c - 0.5 * h, x_c + 0.5 * w, y_c + 0.5 * h], axis=-1)


def box_area(b):
    return (b[:, 2] - b[:, 0]) * (b[:, 3] - b[:, 1])


def box_iou(boxes1, boxes2):
    area1 = box_area(boxes1)
    area2 = box_area(boxes2)
    lt = jnp.maximum(boxes1[:, None, :2], boxes2[None, :, :2])
    rb = jnp.minimum(boxes1[:, None, 2:], boxes2[None, :, 2:])
    wh = jnp.clip(rb - lt, 0.0)
    inter = wh[:, :, 0] * wh[:, :, 1]
    union = area1[:, None] + area2[None, :] - inter + 1e-16
    iou = inter / union
    return iou, union


def generalized_box_iou(boxes1, boxes2):
    iou, union = box_iou(boxes1, boxes2)
    lt = jnp.minimum(boxes1[:, None, :2], boxes2[None, :, :2])
    rb = jnp.maximum(boxes1[:, None, 2:], boxes2[None, :, 2:])
    wh = jnp.clip(rb - lt, 0.0)
    area = wh[:, :, 0] * wh[:, :, 1] + 1e-16
    return iou - (area - union) / area


def cdist2(a, b):
    # torch.cdist p=2 on 2-D points
    d = a[:, None, :] - b[None, :, :]
    return jnp.sqrt(jnp.sum(d * d, axis=-1) + 1e-12)


def setup_inputs(seed: int = 0) -> dict:
    key = jax.random.key(seed)
    k1, k2 = jax.random.split(key)
    pred_boxes = jax.random.uniform(k1, (16, 900, 4), dtype=jnp.float32)
    tgt_boxes = jax.random.uniform(k2, (1600, 4), dtype=jnp.float32)
    return {"pred_boxes": pred_boxes, "tgt_boxes": tgt_boxes}


def reference(pred_boxes, tgt_boxes):
    bs, num_queries = pred_boxes.shape[:2]
    out_boxes = pred_boxes.reshape(bs * num_queries, 4)
    cost_points = cdist2(out_boxes[..., :2], tgt_boxes[..., :2])
    cost_giou = -generalized_box_iou(box_cxcywh_to_xyxy(out_boxes), box_cxcywh_to_xyxy(tgt_boxes))
    C = POINT_COST * cost_points + GIOU_COST * cost_giou
    C = C.reshape(bs, num_queries, -1)
    indices_src = jnp.argmin(C, axis=1)
    indices_tgt = jnp.argmin(C, axis=2)
    return (indices_src, indices_tgt)

if __name__ == "__main__":
    import jax
    _d = setup_inputs()
    print(jax.jit(kernel)(*tuple(_d.values())))

</pallas_src>

<mosaic_0001>
#map = affine_map<(d0, d1) -> (0)>
#map1 = affine_map<(d0, d1) -> (0, 0)>
module attributes {stable_mosaic.version = 14 : i64} {
  func.func @_sc_matcher(%arg0: i32, %arg1: i32, %arg2: memref<14400xf32, #tpu.memory_space<hbm>>, %arg3: memref<6400xf32, #tpu.memory_space<hbm>>, %arg4: memref<32x1600xf32, #tpu.memory_space<hbm>>, %arg5: memref<32x1600xi32, #tpu.memory_space<hbm>>, %arg6: memref<32x128xi32, #tpu.memory_space<hbm>>, %arg7: memref<3600xf32, #tpu.memory_space<vmem>>, %arg8: memref<6400xf32, #tpu.memory_space<vmem>>, %arg9: memref<11200xf32, #tpu.memory_space<vmem>>, %arg10: memref<1600xf32, #tpu.memory_space<vmem>>, %arg11: memref<1600xi32, #tpu.memory_space<vmem>>, %arg12: memref<128xi32, #tpu.memory_space<vmem>>) attributes {dimension_semantics = [#tpu.dimension_semantics<core_parallel>, #tpu.dimension_semantics<subcore_parallel>], iteration_bounds = array<i64: 2, 16>, scalar_prefetch = 0 : i64, scratch_operands = 6 : i64, tpu.core_type = #tpu.core_type<sc_vector_subcore>, window_params = [{transform_indices = #map}, {transform_indices = #map}, {transform_indices = #map1}, {transform_indices = #map1}, {transform_indices = #map1}]} {
    %mul3A = arith.constant 16 : i32
    %mul3A_0 = arith.muli %arg0, %mul3A : i32
    %add3A = arith.addi %mul3A_0, %arg1 : i32
    %jit3A = arith.constant 8 : i32
    %div3A = arith.divsi %add3A, %jit3A : i32
    %sign3A = arith.constant 0 : i32
    %sign3A_1 = arith.cmpi sgt, %add3A, %sign3A : i32
    %sign3A_2 = arith.extui %sign3A_1 : i1 to i32
    %sign3A_3 = arith.constant 0 : i32
    %sign3A_4 = arith.cmpi slt, %add3A, %sign3A_3 : i32
    %sign3A_5 = arith.extui %sign3A_4 : i1 to i32
    %sign3A_6 = arith.subi %sign3A_2, %sign3A_5 : i32
    %sign3A_7 = arith.constant 0 : i32
    %sign3A_8 = arith.cmpi sgt, %jit3A, %sign3A_7 : i32
    %sign3A_9 = arith.extui %sign3A_8 : i1 to i32
    %sign3A_10 = arith.constant 0 : i32
    %sign3A_11 = arith.cmpi slt, %jit3A, %sign3A_10 : i32
    %sign3A_12 = arith.extui %sign3A_11 : i1 to i32
    %sign3A_13 = arith.subi %sign3A_9, %sign3A_12 : i32
    %ne3A = arith.cmpi ne, %sign3A_6, %sign3A_13 : i32
    %rem3A = arith.remsi %add3A, %jit3A : i32
    %ne3A_14 = arith.constant 0 : i32
    %ne3A_15 = arith.cmpi ne, %rem3A, %ne3A_14 : i32
    %and3A = arith.andi %ne3A, %ne3A_15 : i1
    %sub3A = arith.constant 1 : i32
    %sub3A_16 = arith.subi %div3A, %sub3A : i32
    %select_n3A = arith.select %and3A, %sub3A_16, %div3A : i32
    %jit3A_17 = arith.constant 8 : i32
    %eq3A = arith.constant 0 : i32
    %eq3A_18 = arith.cmpi eq, %jit3A_17, %eq3A : i32
    %jit3A_19 = arith.constant 1 : i32
    %select_n3A_20 = arith.select %eq3A_18, %jit3A_19, %jit3A_17 : i32
    %rem3A_21 = arith.remsi %add3A, %select_n3A_20 : i32
    %ne3A_22 = arith.constant 0 : i32
    %ne3A_23 = arith.cmpi ne, %rem3A_21, %ne3A_22 : i32
    %lt3A = arith.constant 0 : i32
    %lt3A_24 = arith.cmpi slt, %rem3A_21, %lt3A : i32
    %lt3A_25 = arith.constant 0 : i32
    %lt3A_26 = arith.cmpi slt, %select_n3A_20, %lt3A_25 : i32
    %ne3A_27 = arith.xori %lt3A_24, %lt3A_26 : i1
    %and3A_28 = arith.andi %ne3A_27, %ne3A_23 : i1
    %add3A_29 = arith.addi %rem3A_21, %select_n3A_20 : i32
    %select_n3A_30 = arith.select %and3A_28, %add3A_29, %rem3A_21 : i32
    %mul3A_31 = arith.constant 112 : i32
    %mul3A_32 = arith.muli %select_n3A_30, %mul3A_31 : i32
    %eq3A_33 = arith.constant 7 : i32
    %eq3A_34 = arith.cmpi eq, %select_n3A_30, %eq3A_33 : i32
    %convert_element_type3A = arith.extui %eq3A_34 : i1 to i32
    %mul3A_35 = arith.constant 4 : i32
    %mul3A_36 = arith.muli %mul3A_35, %convert_element_type3A : i32
    %add3A_37 = arith.constant 112 : i32
    %add3A_38 = arith.addi %add3A_37, %mul3A_36 : i32
    %jit3A_39 = arith.constant 4 : i32
    %div3A_40 = arith.divsi %add3A_38, %jit3A_39 : i32
    %sign3A_41 = arith.constant 0 : i32
    %sign3A_42 = arith.cmpi sgt, %add3A_38, %sign3A_41 : i32
    %sign3A_43 = arith.extui %sign3A_42 : i1 to i32
    %sign3A_44 = arith.constant 0 : i32
    %sign3A_45 = arith.cmpi slt, %add3A_38, %sign3A_44 : i32
    %sign3A_46 = arith.extui %sign3A_45 : i1 to i32
    %sign3A_47 = arith.subi %sign3A_43, %sign3A_46 : i32
    %sign3A_48 = arith.constant 0 : i32
    %sign3A_49 = arith.cmpi sgt, %jit3A_39, %sign3A_48 : i32
    %sign3A_50 = arith.extui %sign3A_49 : i1 to i32
    %sign3A_51 = arith.constant 0 : i32
    %sign3A_52 = arith.cmpi slt, %jit3A_39, %sign3A_51 : i32
    %sign3A_53 = arith.extui %sign3A_52 : i1 to i32
    %sign3A_54 = arith.subi %sign3A_50, %sign3A_53 : i32
    %ne3A_55 = arith.cmpi ne, %sign3A_47, %sign3A_54 : i32
    %rem3A_56 = arith.remsi %add3A_38, %jit3A_39 : i32
    %ne3A_57 = arith.constant 0 : i32
    %ne3A_58 = arith.cmpi ne, %rem3A_56, %ne3A_57 : i32
    %and3A_59 = arith.andi %ne3A_55, %ne3A_58 : i1
    %sub3A_60 = arith.constant 1 : i32
    %sub3A_61 = arith.subi %div3A_40, %sub3A_60 : i32
    %select_n3A_62 = arith.select %and3A_59, %sub3A_61, %div3A_40 : i32
    %iota3A = tpu.iota {dimensions = array<i32: 0>} : vector<16xi32>
    %broadcast_in_dim3A = arith.constant 0x7F800000 : f32
    %broadcast_in_dim3A_63 = vector.broadcast %broadcast_in_dim3A : f32 to vector<16xf32>
    "tpu.region"() ({
      %run_scoped3A = tpu.sem_alloc : memref<!tpu.dma_semaphore, #tpu.memory_space<semaphore_mem>>
      tpu.enqueue_dma source(%arg3 : memref<6400xf32, #tpu.memory_space<hbm>>) target(%arg8 : memref<6400xf32, #tpu.memory_space<vmem>>) target_semaphore(%run_scoped3A : memref<!tpu.dma_semaphore, #tpu.memory_space<semaphore_mem>>)
      tpu.wait_dma2 semaphore(%run_scoped3A : memref<!tpu.dma_semaphore, #tpu.memory_space<semaphore_mem>>) src(%arg3 : memref<6400xf32, #tpu.memory_space<hbm>>) dst(%arg8 : memref<6400xf32, #tpu.memory_space<vmem>>)
      tpu.yield
    }) : () -> ()
    %mul3A_64 = arith.constant 3600 : i32
    %mul3A_65 = arith.muli %select_n3A, %mul3A_64 : i32
    "tpu.region"() ({
      %run_scoped3A = tpu.sem_alloc : memref<!tpu.dma_semaphore, #tpu.memory_space<semaphore_mem>>
      %dma_start3A = tpu.memref_slice %arg2[%mul3A_65] : memref<14400xf32, #tpu.memory_space<hbm>> -> memref<3600xf32, #tpu.memory_space<hbm>>
      %dma_start3A_112 = tpu.memref_slice %arg2[%mul3A_65] : memref<14400xf32, #tpu.memory_space<hbm>> -> memref<3600xf32, #tpu.memory_space<hbm>>
      tpu.enqueue_dma source(%dma_start3A_112 : memref<3600xf32, #tpu.memory_space<hbm>>) target(%arg7 : memref<3600xf32, #tpu.memory_space<vmem>>) target_semaphore(%run_scoped3A : memref<!tpu.dma_semaphore, #tpu.memory_space<semaphore_mem>>)
      %dma_wait3A = tpu.memref_slice %arg2[%mul3A_65] : memref<14400xf32, #tpu.memory_space<hbm>> -> memref<3600xf32, #tpu.memory_space<hbm>>
      %dma_wait3A_113 = tpu.memref_slice %arg2[%mul3A_65] : memref<14400xf32, #tpu.memory_space<hbm>> -> memref<3600xf32, #tpu.memory_space<hbm>>
      tpu.wait_dma2 semaphore(%run_scoped3A : memref<!tpu.dma_semaphore, #tpu.memory_space<semaphore_mem>>) src(%dma_wait3A_113 : memref<3600xf32, #tpu.memory_space<hbm>>) dst(%arg7 : memref<3600xf32, #tpu.memory_space<vmem>>)
      tpu.yield
    }) : () -> ()
    %scan3A = arith.constant 0 : i32
    %scan3A_66 = arith.constant 0 : i32
    %scan3A_67 = arith.constant 100 : i32
    %scan3A_68 = arith.addi %scan3A_66, %scan3A_67 : i32
    %scan3A_69 = arith.constant 1 : i32
    scf.for %scan3A_112 = %scan3A_66 to %scan3A_68 step %scan3A_69  : i32 {
      %mul3A_113 = arith.constant 16 : i32
      %mul3A_114 = arith.muli %scan3A_112, %mul3A_113 : i32
      %add3A_115 = vector.broadcast %mul3A_114 : i32 to vector<16xi32>
      %add3A_116 = arith.addi %add3A_115, %iota3A : vector<16xi32>
      %mul3A_117 = arith.constant 4 : i32
      %mul3A_118 = vector.broadcast %mul3A_117 : i32 to vector<16xi32>
      %mul3A_119 = arith.muli %add3A_116, %mul3A_118 : vector<16xi32>
      %gather3A = tpu.vector_load_idx %arg8[%mul3A_119] : memref<6400xf32, #tpu.memory_space<vmem>>[vector<16xi32>], vector<16xf32>,
      %add3A_120 = arith.constant 1 : i32
      %add3A_121 = vector.broadcast %add3A_120 : i32 to vector<16xi32>
      %add3A_122 = arith.addi %mul3A_119, %add3A_121 : vector<16xi32>
      %gather3A_123 = tpu.vector_load_idx %arg8[%add3A_122] : memref<6400xf32, #tpu.memory_space<vmem>>[vector<16xi32>], vector<16xf32>,
      %add3A_124 = arith.constant 2 : i32
      %add3A_125 = vector.broadcast %add3A_124 : i32 to vector<16xi32>
      %add3A_126 = arith.addi %mul3A_119, %add3A_125 : vector<16xi32>
      %gather3A_127 = tpu.vector_load_idx %arg8[%add3A_126] : memref<6400xf32, #tpu.memory_space<vmem>>[vector<16xi32>], vector<16xf32>,
      %add3A_128 = arith.constant 3 : i32
      %add3A_129 = vector.broadcast %add3A_128 : i32 to vector<16xi32>
      %add3A_130 = arith.addi %mul3A_119, %add3A_129 : vector<16xi32>
      %gather3A_131 = tpu.vector_load_idx %arg8[%add3A_130] : memref<6400xf32, #tpu.memory_space<vmem>>[vector<16xi32>], vector<16xf32>,
      %mul3A_132 = arith.constant 5.000000e-01 : f32
      %mul3A_133 = vector.broadcast %mul3A_132 : f32 to vector<16xf32>
      %mul3A_134 = arith.mulf %mul3A_133, %gather3A_127 : vector<16xf32>
      %sub3A_135 = arith.subf %gather3A, %mul3A_134 : vector<16xf32>
      %mul3A_136 = arith.constant 5.000000e-01 : f32
      %mul3A_137 = vector.broadcast %mul3A_136 : f32 to vector<16xf32>
      %mul3A_138 = arith.mulf %mul3A_137, %gather3A_131 : vector<16xf32>
      %sub3A_139 = arith.subf %gather3A_123, %mul3A_138 : vector<16xf32>
      %mul3A_140 = arith.constant 5.000000e-01 : f32
      %mul3A_141 = vector.broadcast %mul3A_140 : f32 to vector<16xf32>
      %mul3A_142 = arith.mulf %mul3A_141, %gather3A_127 : vector<16xf32>
      %add3A_143 = arith.addf %gather3A, %mul3A_142 : vector<16xf32>
      %mul3A_144 = arith.constant 5.000000e-01 : f32
      %mul3A_145 = vector.broadcast %mul3A_144 : f32 to vector<16xf32>
      %mul3A_146 = arith.mulf %mul3A_145, %gather3A_131 : vector<16xf32>
      %add3A_147 = arith.addf %gather3A_123, %mul3A_146 : vector<16xf32>
      %mul3A_148 = arith.constant 16 : i32
      %mul3A_149 = arith.muli %scan3A_112, %mul3A_148 : i32
      %add3A_150 = arith.constant 0 : i32
      %add3A_151 = arith.addi %mul3A_149, %add3A_150 : i32
      %swap3A_152 = arith.index_cast %add3A_151 : i32 to index
      %swap3A_153 = tpu.vector_load %arg9[%swap3A_152] {strides = array<i32>} : memref<11200xf32, #tpu.memory_space<vmem>>, vector<16xf32>,
      tpu.vector_store %arg9[%swap3A_152], %gather3A {strides = array<i32>} : memref<11200xf32, #tpu.memory_space<vmem>>, vector<16xf32>,
      %add3A_154 = arith.constant 1600 : i32
      %add3A_155 = arith.addi %mul3A_149, %add3A_154 : i32
      %swap3A_156 = arith.index_cast %add3A_155 : i32 to index
      %swap3A_157 = tpu.vector_load %arg9[%swap3A_156] {strides = array<i32>} : memref<11200xf32, #tpu.memory_space<vmem>>, vector<16xf32>,
      tpu.vector_store %arg9[%swap3A_156], %gather3A_123 {strides = array<i32>} : memref<11200xf32, #tpu.memory_space<vmem>>, vector<16xf32>,
      %add3A_158 = arith.constant 3200 : i32
      %add3A_159 = arith.addi %mul3A_149, %add3A_158 : i32
      %swap3A_160 = arith.index_cast %add3A_159 : i32 to index
      %swap3A_161 = tpu.vector_load %arg9[%swap3A_160] {strides = array<i32>} : memref<11200xf32, #tpu.memory_space<vmem>>, vector<16xf32>,
      tpu.vector_store %arg9[%swap3A_160], %sub3A_135 {strides = array<i32>} : memref<11200xf32, #tpu.memory_space<vmem>>, vector<16xf32>,
      %add3A_162 = arith.constant 4800 : i32
      %add3A_163 = arith.addi %mul3A_149, %add3A_162 : i32
      %swap3A_164 = arith.index_cast %add3A_163 : i32 to index
      %swap3A_165 = tpu.vector_load %arg9[%swap3A_164] {strides = array<i32>} : memref<11200xf32, #tpu.memory_space<vmem>>, vector<16xf32>,
      tpu.vector_store %arg9[%swap3A_164], %sub3A_139 {strides = array<i32>} : memref<11200xf32, #tpu.memory_space<vmem>>, vector<16xf32>,
      %add3A_166 = arith.constant 6400 : i32
      %add3A_167 = arith.addi %mul3A_149, %add3A_166 : i32
      %swap3A_168 = arith.index_cast %add3A_167 : i32 to index
      %swap3A_169 = tpu.vector_load %arg9[%swap3A_168] {strides = array<i32>} : memref<11200xf32, #tpu.memory_space<vmem>>, vector<16xf32>,
      tpu.vector_store %arg9[%swap3A_168], %add3A_143 {strides = array<i32>} : memref<11200xf32, #tpu.memory_space<vmem>>, vector<16xf32>,
      %add3A_170 = arith.constant 8000 : i32
      %add3A_171 = arith.addi %mul3A_149, %add3A_170 : i32
      %swap3A_172 = arith.index_cast %add3A_171 : i32 to index
      %swap3A_173 = tpu.vector_load %arg9[%swap3A_172] {strides = array<i32>} : memref<11200xf32, #tpu.memory_space<vmem>>, vector<16xf32>,
      tpu.vector_store %arg9[%swap3A_172], %add3A_147 {strides = array<i32>} : memref<11200xf32, #tpu.memory_space<vmem>>, vector<16xf32>,
      %sub3A_174 = arith.subf %add3A_143, %sub3A_135 : vector<16xf32>
      %sub3A_175 = arith.subf %add3A_147, %sub3A_139 : vector<16xf32>
      %mul3A_176 = arith.mulf %sub3A_174, %sub3A_175 : vector<16xf32>
      %add3A_177 = arith.constant 9600 : i32
      %add3A_178 = arith.addi %mul3A_149, %add3A_177 : i32
      %swap3A_179 = arith.index_cast %add3A_178 : i32 to index
      %swap3A_180 = tpu.vector_load %arg9[%swap3A_179] {strides = array<i32>} : memref<11200xf32, #tpu.memory_space<vmem>>, vector<16xf32>,
      tpu.vector_store %arg9[%swap3A_179], %mul3A_176 {strides = array<i32>} : memref<11200xf32, #tpu.memory_space<vmem>>, vector<16xf32>,
      %swap3A_181 = arith.index_cast %mul3A_149 : i32 to index
      %swap3A_182 = tpu.vector_load %arg10[%swap3A_181] {strides = array<i32>} : memref<1600xf32, #tpu.memory_space<vmem>>, vector<16xf32>,
      tpu.vector_store %arg10[%swap3A_181], %broadcast_in_dim3A_63 {strides = array<i32>} : memref<1600xf32, #tpu.memory_space<vmem>>, vector<16xf32>,
      %broadcast_in_dim3A_183 = arith.constant 0 : i32
      %broadcast_in_dim3A_184 = vector.broadcast %broadcast_in_dim3A_183 : i32 to vector<16xi32>
      %swap3A_185 = arith.index_cast %mul3A_149 : i32 to index
      %swap3A_186 = tpu.vector_load %arg11[%swap3A_185] {strides = array<i32>} : memref<1600xi32, #tpu.memory_space<vmem>>, vector<16xi32>,
      tpu.vector_store %arg11[%swap3A_185], %broadcast_in_dim3A_184 {strides = array<i32>} : memref<1600xi32, #tpu.memory_space<vmem>>, vector<16xi32>,
    }
    %scan3A_70 = arith.constant 100 : i32
    %broadcast_in_dim3A_71 = arith.constant 0 : i32
    %broadcast_in_dim3A_72 = vector.broadcast %broadcast_in_dim3A_71 : i32 to vector<16xi32>
    %while3A = arith.constant 0 : i32
    %while3A_73 = arith.subi %select_n3A_62, %while3A : i32
    %while3A_74 = arith.addi %while3A, %while3A_73 : i32
    %while3A_75 = arith.constant 1 : i32
    %while3A_76 = arith.divsi %while3A_73, %while3A_75 : i32
    %while3A_77 = arith.muli %while3A_76, %while3A_75 : i32
    %while3A_78 = arith.addi %while3A, %while3A_77 : i32
    %while3A_79 = arith.constant 1 : i32
    %while3A_80 = scf.for %while3A_112 = %while3A to %while3A_78 step %while3A_79 iter_args(%while3A_113 = %broadcast_in_dim3A_72) -> (vector<16xi32>)  : i32 {
      %mul3A_114 = arith.constant 4 : i32
      %mul3A_115 = arith.muli %while3A_112, %mul3A_114 : i32
      %add3A_116 = arith.addi %mul3A_32, %mul3A_115 : i32
      %add3A_117 = arith.constant 0 : i32
      %add3A_118 = arith.addi %add3A_116, %add3A_117 : i32
      %mul3A_119 = arith.constant 4 : i32
      %mul3A_120 = arith.muli %add3A_118, %mul3A_119 : i32
      %broadcast_in_dim3A_121 = vector.broadcast %mul3A_120 : i32 to vector<16xi32>
      %gather3A = tpu.vector_load_idx %arg7[%broadcast_in_dim3A_121] : memref<3600xf32, #tpu.memory_space<vmem>>[vector<16xi32>], vector<16xf32>,
      %add3A_122 = arith.constant 1 : i32
      %add3A_123 = vector.broadcast %add3A_122 : i32 to vector<16xi32>
      %add3A_124 = arith.addi %broadcast_in_dim3A_121, %add3A_123 : vector<16xi32>
      %gather3A_125 = tpu.vector_load_idx %arg7[%add3A_124] : memref<3600xf32, #tpu.memory_space<vmem>>[vector<16xi32>], vector<16xf32>,
      %add3A_126 = arith.constant 2 : i32
      %add3A_127 = vector.broadcast %add3A_126 : i32 to vector<16xi32>
      %add3A_128 = arith.addi %broadcast_in_dim3A_121, %add3A_127 : vector<16xi32>
      %gather3A_129 = tpu.vector_load_idx %arg7[%add3A_128] : memref<3600xf32, #tpu.memory_space<vmem>>[vector<16xi32>], vector<16xf32>,
      %add3A_130 = arith.constant 3 : i32
      %add3A_131 = vector.broadcast %add3A_130 : i32 to vector<16xi32>
      %add3A_132 = arith.addi %broadcast_in_dim3A_121, %add3A_131 : vector<16xi32>
      %gather3A_133 = tpu.vector_load_idx %arg7[%add3A_132] : memref<3600xf32, #tpu.memory_space<vmem>>[vector<16xi32>], vector<16xf32>,
      %mul3A_134 = arith.constant 5.000000e-01 : f32
      %mul3A_135 = vector.broadcast %mul3A_134 : f32 to vector<16xf32>
      %mul3A_136 = arith.mulf %mul3A_135, %gather3A_129 : vector<16xf32>
      %sub3A_137 = arith.subf %gather3A, %mul3A_136 : vector<16xf32>
      %mul3A_138 = arith.constant 5.000000e-01 : f32
      %mul3A_139 = vector.broadcast %mul3A_138 : f32 to vector<16xf32>
      %mul3A_140 = arith.mulf %mul3A_139, %gather3A_133 : vector<16xf32>
      %sub3A_141 = arith.subf %gather3A_125, %mul3A_140 : vector<16xf32>
      %mul3A_142 = arith.constant 5.000000e-01 : f32
      %mul3A_143 = vector.broadcast %mul3A_142 : f32 to vector<16xf32>
      %mul3A_144 = arith.mulf %mul3A_143, %gather3A_129 : vector<16xf32>
      %add3A_145 = arith.addf %gather3A, %mul3A_144 : vector<16xf32>
      %mul3A_146 = arith.constant 5.000000e-01 : f32
      %mul3A_147 = vector.broadcast %mul3A_146 : f32 to vector<16xf32>
      %mul3A_148 = arith.mulf %mul3A_147, %gather3A_133 : vector<16xf32>
      %add3A_149 = arith.addf %gather3A_125, %mul3A_148 : vector<16xf32>
      %sub3A_150 = arith.subf %add3A_145, %sub3A_137 : vector<16xf32>
      %sub3A_151 = arith.subf %add3A_149, %sub3A_141 : vector<16xf32>
      %mul3A_152 = arith.mulf %sub3A_150, %sub3A_151 : vector<16xf32>
      %add3A_153 = arith.constant 1 : i32
      %add3A_154 = arith.addi %add3A_116, %add3A_153 : i32
      %mul3A_155 = arith.constant 4 : i32
      %mul3A_156 = arith.muli %add3A_154, %mul3A_155 : i32
      %broadcast_in_dim3A_157 = vector.broadcast %mul3A_156 : i32 to vector<16xi32>
      %gather3A_158 = tpu.vector_load_idx %arg7[%broadcast_in_dim3A_157] : memref<3600xf32, #tpu.memory_space<vmem>>[vector<16xi32>], vector<16xf32>,
      %add3A_159 = arith.constant 1 : i32
      %add3A_160 = vector.broadcast %add3A_159 : i32 to vector<16xi32>
      %add3A_161 = arith.addi %broadcast_in_dim3A_157, %add3A_160 : vector<16xi32>
      %gather3A_162 = tpu.vector_load_idx %arg7[%add3A_161] : memref<3600xf32, #tpu.memory_space<vmem>>[vector<16xi32>], vector<16xf32>,
      %add3A_163 = arith.constant 2 : i32
      %add3A_164 = vector.broadcast %add3A_163 : i32 to vector<16xi32>
      %add3A_165 = arith.addi %broadcast_in_dim3A_157, %add3A_164 : vector<16xi32>
      %gather3A_166 = tpu.vector_load_idx %arg7[%add3A_165] : memref<3600xf32, #tpu.memory_space<vmem>>[vector<16xi32>], vector<16xf32>,
      %add3A_167 = arith.constant 3 : i32
      %add3A_168 = vector.broadcast %add3A_167 : i32 to vector<16xi32>
      %add3A_169 = arith.addi %broadcast_in_dim3A_157, %add3A_168 : vector<16xi32>
      %gather3A_170 = tpu.vector_load_idx %arg7[%add3A_169] : memref<3600xf32, #tpu.memory_space<vmem>>[vector<16xi32>], vector<16xf32>,
      %mul3A_171 = arith.constant 5.000000e-01 : f32
      %mul3A_172 = vector.broadcast %mul3A_171 : f32 to vector<16xf32>
      %mul3A_173 = arith.mulf %mul3A_172, %gather3A_166 : vector<16xf32>
      %sub3A_174 = arith.subf %gather3A_158, %mul3A_173 : vector<16xf32>
      %mul3A_175 = arith.constant 5.000000e-01 : f32
      %mul3A_176 = vector.broadcast %mul3A_175 : f32 to vector<16xf32>
      %mul3A_177 = arith.mulf %mul3A_176, %gather3A_170 : vector<16xf32>
      %sub3A_178 = arith.subf %gather3A_162, %mul3A_177 : vector<16xf32>
      %mul3A_179 = arith.constant 5.000000e-01 : f32
      %mul3A_180 = vector.broadcast %mul3A_179 : f32 to vector<16xf32>
      %mul3A_181 = arith.mulf %mul3A_180, %gather3A_166 : vector<16xf32>
      %add3A_182 = arith.addf %gather3A_158, %mul3A_181 : vector<16xf32>
      %mul3A_183 = arith.constant 5.000000e-01 : f32
      %mul3A_184 = vector.broadcast %mul3A_183 : f32 to vector<16xf32>
      %mul3A_185 = arith.mulf %mul3A_184, %gather3A_170 : vector<16xf32>
      %add3A_186 = arith.addf %gather3A_162, %mul3A_185 : vector<16xf32>
      %sub3A_187 = arith.subf %add3A_182, %sub3A_174 : vector<16xf32>
      %sub3A_188 = arith.subf %add3A_186, %sub3A_178 : vector<16xf32>
      %mul3A_189 = arith.mulf %sub3A_187, %sub3A_188 : vector<16xf32>
      %add3A_190 = arith.constant 2 : i32
      %add3A_191 = arith.addi %add3A_116, %add3A_190 : i32
      %mul3A_192 = arith.constant 4 : i32
      %mul3A_193 = arith.muli %add3A_191, %mul3A_192 : i32
      %broadcast_in_dim3A_194 = vector.broadcast %mul3A_193 : i32 to vector<16xi32>
      %gather3A_195 = tpu.vector_load_idx %arg7[%broadcast_in_dim3A_194] : memref<3600xf32, #tpu.memory_space<vmem>>[vector<16xi32>], vector<16xf32>,
      %add3A_196 = arith.constant 1 : i32
      %add3A_197 = vector.broadcast %add3A_196 : i32 to vector<16xi32>
      %add3A_198 = arith.addi %broadcast_in_dim3A_194, %add3A_197 : vector<16xi32>
      %gather3A_199 = tpu.vector_load_idx %arg7[%add3A_198] : memref<3600xf32, #tpu.memory_space<vmem>>[vector<16xi32>], vector<16xf32>,
      %add3A_200 = arith.constant 2 : i32
      %add3A_201 = vector.broadcast %add3A_200 : i32 to vector<16xi32>
      %add3A_202 = arith.addi %broadcast_in_dim3A_194, %add3A_201 : vector<16xi32>
      %gather3A_203 = tpu.vector_load_idx %arg7[%add3A_202] : memref<3600xf32, #tpu.memory_space<vmem>>[vector<16xi32>], vector<16xf32>,
      %add3A_204 = arith.constant 3 : i32
      %add3A_205 = vector.broadcast %add3A_204 : i32 to vector<16xi32>
      %add3A_206 = arith.addi %broadcast_in_dim3A_194, %add3A_205 : vector<16xi32>
      %gather3A_207 = tpu.vector_load_idx %arg7[%add3A_206] : memref<3600xf32, #tpu.memory_space<vmem>>[vector<16xi32>], vector<16xf32>,
      %mul3A_208 = arith.constant 5.000000e-01 : f32
      %mul3A_209 = vector.broadcast %mul3A_208 : f32 to vector<16xf32>
      %mul3A_210 = arith.mulf %mul3A_209, %gather3A_203 : vector<16xf32>
      %sub3A_211 = arith.subf %gather3A_195, %mul3A_210 : vector<16xf32>
      %mul3A_212 = arith.constant 5.000000e-01 : f32
      %mul3A_213 = vector.broadcast %mul3A_212 : f32 to vector<16xf32>
      %mul3A_214 = arith.mulf %mul3A_213, %gather3A_207 : vector<16xf32>
      %sub3A_215 = arith.subf %gather3A_199, %mul3A_214 : vector<16xf32>
      %mul3A_216 = arith.constant 5.000000e-01 : f32
      %mul3A_217 = vector.broadcast %mul3A_216 : f32 to vector<16xf32>
      %mul3A_218 = arith.mulf %mul3A_217, %gather3A_203 : vector<16xf32>
      %add3A_219 = arith.addf %gather3A_195, %mul3A_218 : vector<16xf32>
      %mul3A_220 = arith.constant 5.000000e-01 : f32
      %mul3A_221 = vector.broadcast %mul3A_220 : f32 to vector<16xf32>
      %mul3A_222 = arith.mulf %mul3A_221, %gather3A_207 : vector<16xf32>
      %add3A_223 = arith.addf %gather3A_199, %mul3A_222 : vector<16xf32>
      %sub3A_224 = arith.subf %add3A_219, %sub3A_211 : vector<16xf32>
      %sub3A_225 = arith.subf %add3A_223, %sub3A_215 : vector<16xf32>
      %mul3A_226 = arith.mulf %sub3A_224, %sub3A_225 : vector<16xf32>
      %add3A_227 = arith.constant 3 : i32
      %add3A_228 = arith.addi %add3A_116, %add3A_227 : i32
      %mul3A_229 = arith.constant 4 : i32
      %mul3A_230 = arith.muli %add3A_228, %mul3A_229 : i32
      %broadcast_in_dim3A_231 = vector.broadcast %mul3A_230 : i32 to vector<16xi32>
      %gather3A_232 = tpu.vector_load_idx %arg7[%broadcast_in_dim3A_231] : memref<3600xf32, #tpu.memory_space<vmem>>[vector<16xi32>], vector<16xf32>,
      %add3A_233 = arith.constant 1 : i32
      %add3A_234 = vector.broadcast %add3A_233 : i32 to vector<16xi32>
      %add3A_235 = arith.addi %broadcast_in_dim3A_231, %add3A_234 : vector<16xi32>
      %gather3A_236 = tpu.vector_load_idx %arg7[%add3A_235] : memref<3600xf32, #tpu.memory_space<vmem>>[vector<16xi32>], vector<16xf32>,
      %add3A_237 = arith.constant 2 : i32
      %add3A_238 = vector.broadcast %add3A_237 : i32 to vector<16xi32>
      %add3A_239 = arith.addi %broadcast_in_dim3A_231, %add3A_238 : vector<16xi32>
      %gather3A_240 = tpu.vector_load_idx %arg7[%add3A_239] : memref<3600xf32, #tpu.memory_space<vmem>>[vector<16xi32>], vector<16xf32>,
      %add3A_241 = arith.constant 3 : i32
      %add3A_242 = vector.broadcast %add3A_241 : i32 to vector<16xi32>
      %add3A_243 = arith.addi %broadcast_in_dim3A_231, %add3A_242 : vector<16xi32>
      %gather3A_244 = tpu.vector_load_idx %arg7[%add3A_243] : memref<3600xf32, #tpu.memory_space<vmem>>[vector<16xi32>], vector<16xf32>,
      %mul3A_245 = arith.constant 5.000000e-01 : f32
      %mul3A_246 = vector.broadcast %mul3A_245 : f32 to vector<16xf32>
      %mul3A_247 = arith.mulf %mul3A_246, %gather3A_240 : vector<16xf32>
      %sub3A_248 = arith.subf %gather3A_232, %mul3A_247 : vector<16xf32>
      %mul3A_249 = arith.constant 5.000000e-01 : f32
      %mul3A_250 = vector.broadcast %mul3A_249 : f32 to vector<16xf32>
      %mul3A_251 = arith.mulf %mul3A_250, %gather3A_244 : vector<16xf32>
      %sub3A_252 = arith.subf %gather3A_236, %mul3A_251 : vector<16xf32>
      %mul3A_253 = arith.constant 5.000000e-01 : f32
      %mul3A_254 = vector.broadcast %mul3A_253 : f32 to vector<16xf32>
      %mul3A_255 = arith.mulf %mul3A_254, %gather3A_240 : vector<16xf32>
      %add3A_256 = arith.addf %gather3A_232, %mul3A_255 : vector<16xf32>
      %mul3A_257 = arith.constant 5.000000e-01 : f32
      %mul3A_258 = vector.broadcast %mul3A_257 : f32 to vector<16xf32>
      %mul3A_259 = arith.mulf %mul3A_258, %gather3A_244 : vector<16xf32>
      %add3A_260 = arith.addf %gather3A_236, %mul3A_259 : vector<16xf32>
      %sub3A_261 = arith.subf %add3A_256, %sub3A_248 : vector<16xf32>
      %sub3A_262 = arith.subf %add3A_260, %sub3A_252 : vector<16xf32>
      %mul3A_263 = arith.mulf %sub3A_261, %sub3A_262 : vector<16xf32>
      %broadcast_in_dim3A_264 = vector.broadcast %add3A_116 : i32 to vector<16xi32>
      %broadcast_in_dim3A_265 = arith.constant 0 : i32
      %broadcast_in_dim3A_266 = vector.broadcast %broadcast_in_dim3A_265 : i32 to vector<16xi32>
      %scan3A_267 = arith.constant 0 : i32
      %scan3A_268 = arith.constant 100 : i32
      %scan3A_269 = arith.addi %scan3A_267, %scan3A_268 : i32
      %scan3A_270 = arith.constant 1 : i32
      %scan3A_271:8 = scf.for %scan3A_448 = %scan3A_267 to %scan3A_269 step %scan3A_270 iter_args(%scan3A_449 = %broadcast_in_dim3A_63, %scan3A_450 = %broadcast_in_dim3A_63, %scan3A_451 = %broadcast_in_dim3A_63, %scan3A_452 = %broadcast_in_dim3A_63, %scan3A_453 = %broadcast_in_dim3A_266, %scan3A_454 = %broadcast_in_dim3A_266, %scan3A_455 = %broadcast_in_dim3A_266, %scan3A_456 = %broadcast_in_dim3A_266) -> (vector<16xf32>, vector<16xf32>, vector<16xf32>, vector<16xf32>, vector<16xi32>, vector<16xi32>, vector<16xi32>, vector<16xi32>)  : i32 {
        %mul3A_457 = arith.constant 16 : i32
        %mul3A_458 = arith.muli %scan3A_448, %mul3A_457 : i32
        %add3A_459 = arith.constant 0 : i32
        %add3A_460 = arith.addi %mul3A_458, %add3A_459 : i32
        %get3A = arith.index_cast %add3A_460 : i32 to index
        %get3A_461 = tpu.vector_load %arg9[%get3A] {strides = array<i32>} : memref<11200xf32, #tpu.memory_space<vmem>>, vector<16xf32>,
        %add3A_462 = arith.constant 1600 : i32
        %add3A_463 = arith.addi %mul3A_458, %add3A_462 : i32
        %get3A_464 = arith.index_cast %add3A_463 : i32 to index
        %get3A_465 = tpu.vector_load %arg9[%get3A_464] {strides = array<i32>} : memref<11200xf32, #tpu.memory_space<vmem>>, vector<16xf32>,
        %add3A_466 = arith.constant 3200 : i32
        %add3A_467 = arith.addi %mul3A_458, %add3A_466 : i32
        %get3A_468 = arith.index_cast %add3A_467 : i32 to index
        %get3A_469 = tpu.vector_load %arg9[%get3A_468] {strides = array<i32>} : memref<11200xf32, #tpu.memory_space<vmem>>, vector<16xf32>,
        %add3A_470 = arith.constant 4800 : i32
        %add3A_471 = arith.addi %mul3A_458, %add3A_470 : i32
        %get3A_472 = arith.index_cast %add3A_471 : i32 to index
        %get3A_473 = tpu.vector_load %arg9[%get3A_472] {strides = array<i32>} : memref<11200xf32, #tpu.memory_space<vmem>>, vector<16xf32>,
        %add3A_474 = arith.constant 6400 : i32
        %add3A_475 = arith.addi %mul3A_458, %add3A_474 : i32
        %get3A_476 = arith.index_cast %add3A_475 : i32 to index
        %get3A_477 = tpu.vector_load %arg9[%get3A_476] {strides = array<i32>} : memref<11200xf32, #tpu.memory_space<vmem>>, vector<16xf32>,
        %add3A_478 = arith.constant 8000 : i32
        %add3A_479 = arith.addi %mul3A_458, %add3A_478 : i32
        %get3A_480 = arith.index_cast %add3A_479 : i32 to index
        %get3A_481 = tpu.vector_load %arg9[%get3A_480] {strides = array<i32>} : memref<11200xf32, #tpu.memory_space<vmem>>, vector<16xf32>,
        %add3A_482 = arith.constant 9600 : i32
        %add3A_483 = arith.addi %mul3A_458, %add3A_482 : i32
        %get3A_484 = arith.index_cast %add3A_483 : i32 to index
        %get3A_485 = tpu.vector_load %arg9[%get3A_484] {strides = array<i32>} : memref<11200xf32, #tpu.memory_space<vmem>>, vector<16xf32>,
        %add3A_486 = vector.broadcast %mul3A_458 : i32 to vector<16xi32>
        %add3A_487 = arith.addi %iota3A, %add3A_486 : vector<16xi32>
        %get3A_488 = arith.index_cast %mul3A_458 : i32 to index
        %get3A_489 = tpu.vector_load %arg10[%get3A_488] {strides = array<i32>} : memref<1600xf32, #tpu.memory_space<vmem>>, vector<16xf32>,
        %get3A_490 = arith.index_cast %mul3A_458 : i32 to index
        %get3A_491 = tpu.vector_load %arg11[%get3A_490] {strides = array<i32>} : memref<1600xi32, #tpu.memory_space<vmem>>, vector<16xi32>,
        %sub3A_492 = arith.subf %gather3A, %get3A_461 : vector<16xf32>
        %sub3A_493 = arith.subf %gather3A_125, %get3A_465 : vector<16xf32>
        %mul3A_494 = arith.mulf %sub3A_492, %sub3A_492 : vector<16xf32>
        %mul3A_495 = arith.mulf %sub3A_493, %sub3A_493 : vector<16xf32>
        %add3A_496 = arith.addf %mul3A_494, %mul3A_495 : vector<16xf32>
        %add3A_497 = arith.constant 9.99999996E-13 : f32
        %add3A_498 = vector.broadcast %add3A_497 : f32 to vector<16xf32>
        %add3A_499 = arith.addf %add3A_496, %add3A_498 : vector<16xf32>
        %bitcast3A = vector.bitcast %add3A_499 : vector<16xf32> to vector<16xi32>
        %shift_right_arithmetic3A = arith.constant 1 : i32
        %shift_right_arithmetic3A_500 = vector.broadcast %shift_right_arithmetic3A : i32 to vector<16xi32>
        %shift_right_arithmetic3A_501 = arith.shrsi %bitcast3A, %shift_right_arithmetic3A_500 : vector<16xi32>
        %sub3A_502 = arith.constant 1597463007 : i32
        %sub3A_503 = vector.broadcast %sub3A_502 : i32 to vector<16xi32>
        %sub3A_504 = arith.subi %sub3A_503, %shift_right_arithmetic3A_501 : vector<16xi32>
        %bitcast3A_505 = vector.bitcast %sub3A_504 : vector<16xi32> to vector<16xf32>
        %mul3A_506 = arith.constant 5.000000e-01 : f32
        %mul3A_507 = vector.broadcast %mul3A_506 : f32 to vector<16xf32>
        %mul3A_508 = arith.mulf %mul3A_507, %add3A_499 : vector<16xf32>
        %mul3A_509 = arith.mulf %mul3A_508, %bitcast3A_505 : vector<16xf32>
        %mul3A_510 = arith.mulf %mul3A_509, %bitcast3A_505 : vector<16xf32>
        %sub3A_511 = arith.constant 1.500000e+00 : f32
        %sub3A_512 = vector.broadcast %sub3A_511 : f32 to vector<16xf32>
        %sub3A_513 = arith.subf %sub3A_512, %mul3A_510 : vector<16xf32>
        %mul3A_514 = arith.mulf %bitcast3A_505, %sub3A_513 : vector<16xf32>
        %mul3A_515 = arith.mulf %mul3A_508, %mul3A_514 : vector<16xf32>
        %mul3A_516 = arith.mulf %mul3A_515, %mul3A_514 : vector<16xf32>
        %sub3A_517 = arith.constant 1.500000e+00 : f32
        %sub3A_518 = vector.broadcast %sub3A_517 : f32 to vector<16xf32>
        %sub3A_519 = arith.subf %sub3A_518, %mul3A_516 : vector<16xf32>
        %mul3A_520 = arith.mulf %mul3A_514, %sub3A_519 : vector<16xf32>
        %mul3A_521 = arith.mulf %mul3A_508, %mul3A_520 : vector<16xf32>
        %mul3A_522 = arith.mulf %mul3A_521, %mul3A_520 : vector<16xf32>
        %sub3A_523 = arith.constant 1.500000e+00 : f32
        %sub3A_524 = vector.broadcast %sub3A_523 : f32 to vector<16xf32>
        %sub3A_525 = arith.subf %sub3A_524, %mul3A_522 : vector<16xf32>
        %mul3A_526 = arith.mulf %mul3A_520, %sub3A_525 : vector<16xf32>
        %mul3A_527 = arith.mulf %add3A_499, %mul3A_526 : vector<16xf32>
        %div3A_528 = arith.divf %add3A_499, %mul3A_527 : vector<16xf32>
        %add3A_529 = arith.addf %mul3A_527, %div3A_528 : vector<16xf32>
        %mul3A_530 = arith.constant 5.000000e-01 : f32
        %mul3A_531 = vector.broadcast %mul3A_530 : f32 to vector<16xf32>
        %mul3A_532 = arith.mulf %mul3A_531, %add3A_529 : vector<16xf32>
        %min3A = arith.minimumf %add3A_145, %get3A_477 : vector<16xf32>
        %max3A = arith.maximumf %sub3A_137, %get3A_469 : vector<16xf32>
        %sub3A_533 = arith.subf %min3A, %max3A : vector<16xf32>
        %max3A_534 = arith.constant 0.000000e+00 : f32
        %max3A_535 = vector.broadcast %max3A_534 : f32 to vector<16xf32>
        %max3A_536 = arith.maximumf %sub3A_533, %max3A_535 : vector<16xf32>
        %min3A_537 = arith.minimumf %add3A_149, %get3A_481 : vector<16xf32>
        %max3A_538 = arith.maximumf %sub3A_141, %get3A_473 : vector<16xf32>
        %sub3A_539 = arith.subf %min3A_537, %max3A_538 : vector<16xf32>
        %max3A_540 = arith.constant 0.000000e+00 : f32
        %max3A_541 = vector.broadcast %max3A_540 : f32 to vector<16xf32>
        %max3A_542 = arith.maximumf %sub3A_539, %max3A_541 : vector<16xf32>
        %mul3A_543 = arith.mulf %max3A_536, %max3A_542 : vector<16xf32>
        %add3A_544 = arith.addf %mul3A_152, %get3A_485 : vector<16xf32>
        %sub3A_545 = arith.subf %add3A_544, %mul3A_543 : vector<16xf32>
        %add3A_546 = arith.constant 1.000000e-16 : f32
        %add3A_547 = vector.broadcast %add3A_546 : f32 to vector<16xf32>
        %add3A_548 = arith.addf %sub3A_545, %add3A_547 : vector<16xf32>
        %div3A_549 = arith.divf %mul3A_543, %add3A_548 : vector<16xf32>
        %max3A_550 = arith.maximumf %add3A_145, %get3A_477 : vector<16xf32>
        %min3A_551 = arith.minimumf %sub3A_137, %get3A_469 : vector<16xf32>
        %sub3A_552 = arith.subf %max3A_550, %min3A_551 : vector<16xf32>
        %max3A_553 = arith.maximumf %add3A_149, %get3A_481 : vector<16xf32>
        %min3A_554 = arith.minimumf %sub3A_141, %get3A_473 : vector<16xf32>
        %sub3A_555 = arith.subf %max3A_553, %min3A_554 : vector<16xf32>
        %mul3A_556 = arith.mulf %sub3A_552, %sub3A_555 : vector<16xf32>
        %add3A_557 = arith.constant 1.000000e-16 : f32
        %add3A_558 = vector.broadcast %add3A_557 : f32 to vector<16xf32>
        %add3A_559 = arith.addf %mul3A_556, %add3A_558 : vector<16xf32>
        %sub3A_560 = arith.subf %add3A_559, %add3A_548 : vector<16xf32>
        %div3A_561 = arith.divf %sub3A_560, %add3A_559 : vector<16xf32>
        %sub3A_562 = arith.subf %div3A_549, %div3A_561 : vector<16xf32>
        %mul3A_563 = arith.constant 5.000000e+00 : f32
        %mul3A_564 = vector.broadcast %mul3A_563 : f32 to vector<16xf32>
        %mul3A_565 = arith.mulf %mul3A_564, %mul3A_532 : vector<16xf32>
        %mul3A_566 = arith.constant 2.000000e+00 : f32
        %mul3A_567 = vector.broadcast %mul3A_566 : f32 to vector<16xf32>
        %mul3A_568 = arith.mulf %mul3A_567, %sub3A_562 : vector<16xf32>
        %sub3A_569 = arith.subf %mul3A_565, %mul3A_568 : vector<16xf32>
        %lt3A_570 = arith.cmpf olt, %sub3A_569, %scan3A_449 : vector<16xf32>
        %select_n3A_571 = arith.select %lt3A_570, %sub3A_569, %scan3A_449 : vector<16xi1>, vector<16xf32>
        %select_n3A_572 = arith.select %lt3A_570, %add3A_487, %scan3A_453 : vector<16xi1>, vector<16xi32>
        %lt3A_573 = arith.cmpf olt, %sub3A_569, %get3A_489 : vector<16xf32>
        %select_n3A_574 = arith.select %lt3A_573, %sub3A_569, %get3A_489 : vector<16xi1>, vector<16xf32>
        %add3A_575 = arith.constant 0 : i32
        %add3A_576 = vector.broadcast %add3A_575 : i32 to vector<16xi32>
        %add3A_577 = arith.addi %broadcast_in_dim3A_264, %add3A_576 : vector<16xi32>
        %select_n3A_578 = arith.select %lt3A_573, %add3A_577, %get3A_491 : vector<16xi1>, vector<16xi32>
        %sub3A_579 = arith.subf %gather3A_158, %get3A_461 : vector<16xf32>
        %sub3A_580 = arith.subf %gather3A_162, %get3A_465 : vector<16xf32>
        %mul3A_581 = arith.mulf %sub3A_579, %sub3A_579 : vector<16xf32>
        %mul3A_582 = arith.mulf %sub3A_580, %sub3A_580 : vector<16xf32>
        %add3A_583 = arith.addf %mul3A_581, %mul3A_582 : vector<16xf32>
        %add3A_584 = arith.constant 9.99999996E-13 : f32
        %add3A_585 = vector.broadcast %add3A_584 : f32 to vector<16xf32>
        %add3A_586 = arith.addf %add3A_583, %add3A_585 : vector<16xf32>
        %bitcast3A_587 = vector.bitcast %add3A_586 : vector<16xf32> to vector<16xi32>
        %shift_right_arithmetic3A_588 = arith.constant 1 : i32
        %shift_right_arithmetic3A_589 = vector.broadcast %shift_right_arithmetic3A_588 : i32 to vector<16xi32>
        %shift_right_arithmetic3A_590 = arith.shrsi %bitcast3A_587, %shift_right_arithmetic3A_589 : vector<16xi32>
        %sub3A_591 = arith.constant 1597463007 : i32
        %sub3A_592 = vector.broadcast %sub3A_591 : i32 to vector<16xi32>
        %sub3A_593 = arith.subi %sub3A_592, %shift_right_arithmetic3A_590 : vector<16xi32>
        %bitcast3A_594 = vector.bitcast %sub3A_593 : vector<16xi32> to vector<16xf32>
        %mul3A_595 = arith.constant 5.000000e-01 : f32
        %mul3A_596 = vector.broadcast %mul3A_595 : f32 to vector<16xf32>
        %mul3A_597 = arith.mulf %mul3A_596, %add3A_586 : vector<16xf32>
        %mul3A_598 = arith.mulf %mul3A_597, %bitcast3A_594 : vector<16xf32>
        %mul3A_599 = arith.mulf %mul3A_598, %bitcast3A_594 : vector<16xf32>
        %sub3A_600 = arith.constant 1.500000e+00 : f32
        %sub3A_601 = vector.broadcast %sub3A_600 : f32 to vector<16xf32>
        %sub3A_602 = arith.subf %sub3A_601, %mul3A_599 : vector<16xf32>
        %mul3A_603 = arith.mulf %bitcast3A_594, %sub3A_602 : vector<16xf32>
        %mul3A_604 = arith.mulf %mul3A_597, %mul3A_603 : vector<16xf32>
        %mul3A_605 = arith.mulf %mul3A_604, %mul3A_603 : vector<16xf32>
        %sub3A_606 = arith.constant 1.500000e+00 : f32
        %sub3A_607 = vector.broadcast %sub3A_606 : f32 to vector<16xf32>
        %sub3A_608 = arith.subf %sub3A_607, %mul3A_605 : vector<16xf32>
        %mul3A_609 = arith.mulf %mul3A_603, %sub3A_608 : vector<16xf32>
        %mul3A_610 = arith.mulf %mul3A_597, %mul3A_609 : vector<16xf32>
        %mul3A_611 = arith.mulf %mul3A_610, %mul3A_609 : vector<16xf32>
        %sub3A_612 = arith.constant 1.500000e+00 : f32
        %sub3A_613 = vector.broadcast %sub3A_612 : f32 to vector<16xf32>
        %sub3A_614 = arith.subf %sub3A_613, %mul3A_611 : vector<16xf32>
        %mul3A_615 = arith.mulf %mul3A_609, %sub3A_614 : vector<16xf32>
        %mul3A_616 = arith.mulf %add3A_586, %mul3A_615 : vector<16xf32>
        %div3A_617 = arith.divf %add3A_586, %mul3A_616 : vector<16xf32>
        %add3A_618 = arith.addf %mul3A_616, %div3A_617 : vector<16xf32>
        %mul3A_619 = arith.constant 5.000000e-01 : f32
        %mul3A_620 = vector.broadcast %mul3A_619 : f32 to vector<16xf32>
        %mul3A_621 = arith.mulf %mul3A_620, %add3A_618 : vector<16xf32>
        %min3A_622 = arith.minimumf %add3A_182, %get3A_477 : vector<16xf32>
        %max3A_623 = arith.maximumf %sub3A_174, %get3A_469 : vector<16xf32>
        %sub3A_624 = arith.subf %min3A_622, %max3A_623 : vector<16xf32>
        %max3A_625 = arith.constant 0.000000e+00 : f32
        %max3A_626 = vector.broadcast %max3A_625 : f32 to vector<16xf32>
        %max3A_627 = arith.maximumf %sub3A_624, %max3A_626 : vector<16xf32>
        %min3A_628 = arith.minimumf %add3A_186, %get3A_481 : vector<16xf32>
        %max3A_629 = arith.maximumf %sub3A_178, %get3A_473 : vector<16xf32>
        %sub3A_630 = arith.subf %min3A_628, %max3A_629 : vector<16xf32>
        %max3A_631 = arith.constant 0.000000e+00 : f32
        %max3A_632 = vector.broadcast %max3A_631 : f32 to vector<16xf32>
        %max3A_633 = arith.maximumf %sub3A_630, %max3A_632 : vector<16xf32>
        %mul3A_634 = arith.mulf %max3A_627, %max3A_633 : vector<16xf32>
        %add3A_635 = arith.addf %mul3A_189, %get3A_485 : vector<16xf32>
        %sub3A_636 = arith.subf %add3A_635, %mul3A_634 : vector<16xf32>
        %add3A_637 = arith.constant 1.000000e-16 : f32
        %add3A_638 = vector.broadcast %add3A_637 : f32 to vector<16xf32>
        %add3A_639 = arith.addf %sub3A_636, %add3A_638 : vector<16xf32>
        %div3A_640 = arith.divf %mul3A_634, %add3A_639 : vector<16xf32>
        %max3A_641 = arith.maximumf %add3A_182, %get3A_477 : vector<16xf32>
        %min3A_642 = arith.minimumf %sub3A_174, %get3A_469 : vector<16xf32>
        %sub3A_643 = arith.subf %max3A_641, %min3A_642 : vector<16xf32>
        %max3A_644 = arith.maximumf %add3A_186, %get3A_481 : vector<16xf32>
        %min3A_645 = arith.minimumf %sub3A_178, %get3A_473 : vector<16xf32>
        %sub3A_646 = arith.subf %max3A_644, %min3A_645 : vector<16xf32>
        %mul3A_647 = arith.mulf %sub3A_643, %sub3A_646 : vector<16xf32>
        %add3A_648 = arith.constant 1.000000e-16 : f32
        %add3A_649 = vector.broadcast %add3A_648 : f32 to vector<16xf32>
        %add3A_650 = arith.addf %mul3A_647, %add3A_649 : vector<16xf32>
        %sub3A_651 = arith.subf %add3A_650, %add3A_639 : vector<16xf32>
        %div3A_652 = arith.divf %sub3A_651, %add3A_650 : vector<16xf32>
        %sub3A_653 = arith.subf %div3A_640, %div3A_652 : vector<16xf32>
        %mul3A_654 = arith.constant 5.000000e+00 : f32
        %mul3A_655 = vector.broadcast %mul3A_654 : f32 to vector<16xf32>
        %mul3A_656 = arith.mulf %mul3A_655, %mul3A_621 : vector<16xf32>
        %mul3A_657 = arith.constant 2.000000e+00 : f32
        %mul3A_658 = vector.broadcast %mul3A_657 : f32 to vector<16xf32>
        %mul3A_659 = arith.mulf %mul3A_658, %sub3A_653 : vector<16xf32>
        %sub3A_660 = arith.subf %mul3A_656, %mul3A_659 : vector<16xf32>
        %lt3A_661 = arith.cmpf olt, %sub3A_660, %scan3A_450 : vector<16xf32>
        %select_n3A_662 = arith.select %lt3A_661, %sub3A_660, %scan3A_450 : vector<16xi1>, vector<16xf32>
        %select_n3A_663 = arith.select %lt3A_661, %add3A_487, %scan3A_454 : vector<16xi1>, vector<16xi32>
        %lt3A_664 = arith.cmpf olt, %sub3A_660, %select_n3A_574 : vector<16xf32>
        %select_n3A_665 = arith.select %lt3A_664, %sub3A_660, %select_n3A_574 : vector<16xi1>, vector<16xf32>
        %add3A_666 = arith.constant 1 : i32
        %add3A_667 = vector.broadcast %add3A_666 : i32 to vector<16xi32>
        %add3A_668 = arith.addi %broadcast_in_dim3A_264, %add3A_667 : vector<16xi32>
        %select_n3A_669 = arith.select %lt3A_664, %add3A_668, %select_n3A_578 : vector<16xi1>, vector<16xi32>
        %sub3A_670 = arith.subf %gather3A_195, %get3A_461 : vector<16xf32>
        %sub3A_671 = arith.subf %gather3A_199, %get3A_465 : vector<16xf32>
        %mul3A_672 = arith.mulf %sub3A_670, %sub3A_670 : vector<16xf32>
        %mul3A_673 = arith.mulf %sub3A_671, %sub3A_671 : vector<16xf32>
        %add3A_674 = arith.addf %mul3A_672, %mul3A_673 : vector<16xf32>
        %add3A_675 = arith.constant 9.99999996E-13 : f32
        %add3A_676 = vector.broadcast %add3A_675 : f32 to vector<16xf32>
        %add3A_677 = arith.addf %add3A_674, %add3A_676 : vector<16xf32>
        %bitcast3A_678 = vector.bitcast %add3A_677 : vector<16xf32> to vector<16xi32>
        %shift_right_arithmetic3A_679 = arith.constant 1 : i32
        %shift_right_arithmetic3A_680 = vector.broadcast %shift_right_arithmetic3A_679 : i32 to vector<16xi32>
        %shift_right_arithmetic3A_681 = arith.shrsi %bitcast3A_678, %shift_right_arithmetic3A_680 : vector<16xi32>
        %sub3A_682 = arith.constant 1597463007 : i32
        %sub3A_683 = vector.broadcast %sub3A_682 : i32 to vector<16xi32>
        %sub3A_684 = arith.subi %sub3A_683, %shift_right_arithmetic3A_681 : vector<16xi32>
        %bitcast3A_685 = vector.bitcast %sub3A_684 : vector<16xi32> to vector<16xf32>
        %mul3A_686 = arith.constant 5.000000e-01 : f32
        %mul3A_687 = vector.broadcast %mul3A_686 : f32 to vector<16xf32>
        %mul3A_688 = arith.mulf %mul3A_687, %add3A_677 : vector<16xf32>
        %mul3A_689 = arith.mulf %mul3A_688, %bitcast3A_685 : vector<16xf32>
        %mul3A_690 = arith.mulf %mul3A_689, %bitcast3A_685 : vector<16xf32>
        %sub3A_691 = arith.constant 1.500000e+00 : f32
        %sub3A_692 = vector.broadcast %sub3A_691 : f32 to vector<16xf32>
        %sub3A_693 = arith.subf %sub3A_692, %mul3A_690 : vector<16xf32>
        %mul3A_694 = arith.mulf %bitcast3A_685, %sub3A_693 : vector<16xf32>
        %mul3A_695 = arith.mulf %mul3A_688, %mul3A_694 : vector<16xf32>
        %mul3A_696 = arith.mulf %mul3A_695, %mul3A_694 : vector<16xf32>
        %sub3A_697 = arith.constant 1.500000e+00 : f32
        %sub3A_698 = vector.broadcast %sub3A_697 : f32 to vector<16xf32>
        %sub3A_699 = arith.subf %sub3A_698, %mul3A_696 : vector<16xf32>
        %mul3A_700 = arith.mulf %mul3A_694, %sub3A_699 : vector<16xf32>
        %mul3A_701 = arith.mulf %mul3A_688, %mul3A_700 : vector<16xf32>
        %mul3A_702 = arith.mulf %mul3A_701, %mul3A_700 : vector<16xf32>
        %sub3A_703 = arith.constant 1.500000e+00 : f32
        %sub3A_704 = vector.broadcast %sub3A_703 : f32 to vector<16xf32>
        %sub3A_705 = arith.subf %sub3A_704, %mul3A_702 : vector<16xf32>
        %mul3A_706 = arith.mulf %mul3A_700, %sub3A_705 : vector<16xf32>
        %mul3A_707 = arith.mulf %add3A_677, %mul3A_706 : vector<16xf32>
        %div3A_708 = arith.divf %add3A_677, %mul3A_707 : vector<16xf32>
        %add3A_709 = arith.addf %mul3A_707, %div3A_708 : vector<16xf32>
        %mul3A_710 = arith.constant 5.000000e-01 : f32
        %mul3A_711 = vector.broadcast %mul3A_710 : f32 to vector<16xf32>
        %mul3A_712 = arith.mulf %mul3A_711, %add3A_709 : vector<16xf32>
        %min3A_713 = arith.minimumf %add3A_219, %get3A_477 : vector<16xf32>
        %max3A_714 = arith.maximumf %sub3A_211, %get3A_469 : vector<16xf32>
        %sub3A_715 = arith.subf %min3A_713, %max3A_714 : vector<16xf32>
        %max3A_716 = arith.constant 0.000000e+00 : f32
        %max3A_717 = vector.broadcast %max3A_716 : f32 to vector<16xf32>
        %max3A_718 = arith.maximumf %sub3A_715, %max3A_717 : vector<16xf32>
        %min3A_719 = arith.minimumf %add3A_223, %get3A_481 : vector<16xf32>
        %max3A_720 = arith.maximumf %sub3A_215, %get3A_473 : vector<16xf32>
        %sub3A_721 = arith.subf %min3A_719, %max3A_720 : vector<16xf32>
        %max3A_722 = arith.constant 0.000000e+00 : f32
        %max3A_723 = vector.broadcast %max3A_722 : f32 to vector<16xf32>
        %max3A_724 = arith.maximumf %sub3A_721, %max3A_723 : vector<16xf32>
        %mul3A_725 = arith.mulf %max3A_718, %max3A_724 : vector<16xf32>
        %add3A_726 = arith.addf %mul3A_226, %get3A_485 : vector<16xf32>
        %sub3A_727 = arith.subf %add3A_726, %mul3A_725 : vector<16xf32>
        %add3A_728 = arith.constant 1.000000e-16 : f32
        %add3A_729 = vector.broadcast %add3A_728 : f32 to vector<16xf32>
        %add3A_730 = arith.addf %sub3A_727, %add3A_729 : vector<16xf32>
        %div3A_731 = arith.divf %mul3A_725, %add3A_730 : vector<16xf32>
        %max3A_732 = arith.maximumf %add3A_219, %get3A_477 : vector<16xf32>
        %min3A_733 = arith.minimumf %sub3A_211, %get3A_469 : vector<16xf32>
        %sub3A_734 = arith.subf %max3A_732, %min3A_733 : vector<16xf32>
        %max3A_735 = arith.maximumf %add3A_223, %get3A_481 : vector<16xf32>
        %min3A_736 = arith.minimumf %sub3A_215, %get3A_473 : vector<16xf32>
        %sub3A_737 = arith.subf %max3A_735, %min3A_736 : vector<16xf32>
        %mul3A_738 = arith.mulf %sub3A_734, %sub3A_737 : vector<16xf32>
        %add3A_739 = arith.constant 1.000000e-16 : f32
        %add3A_740 = vector.broadcast %add3A_739 : f32 to vector<16xf32>
        %add3A_741 = arith.addf %mul3A_738, %add3A_740 : vector<16xf32>
        %sub3A_742 = arith.subf %add3A_741, %add3A_730 : vector<16xf32>
        %div3A_743 = arith.divf %sub3A_742, %add3A_741 : vector<16xf32>
        %sub3A_744 = arith.subf %div3A_731, %div3A_743 : vector<16xf32>
        %mul3A_745 = arith.constant 5.000000e+00 : f32
        %mul3A_746 = vector.broadcast %mul3A_745 : f32 to vector<16xf32>
        %mul3A_747 = arith.mulf %mul3A_746, %mul3A_712 : vector<16xf32>
        %mul3A_748 = arith.constant 2.000000e+00 : f32
        %mul3A_749 = vector.broadcast %mul3A_748 : f32 to vector<16xf32>
        %mul3A_750 = arith.mulf %mul3A_749, %sub3A_744 : vector<16xf32>
        %sub3A_751 = arith.subf %mul3A_747, %mul3A_750 : vector<16xf32>
        %lt3A_752 = arith.cmpf olt, %sub3A_751, %scan3A_451 : vector<16xf32>
        %select_n3A_753 = arith.select %lt3A_752, %sub3A_751, %scan3A_451 : vector<16xi1>, vector<16xf32>
        %select_n3A_754 = arith.select %lt3A_752, %add3A_487, %scan3A_455 : vector<16xi1>, vector<16xi32>
        %lt3A_755 = arith.cmpf olt, %sub3A_751, %select_n3A_665 : vector<16xf32>
        %select_n3A_756 = arith.select %lt3A_755, %sub3A_751, %select_n3A_665 : vector<16xi1>, vector<16xf32>
        %add3A_757 = arith.constant 2 : i32
        %add3A_758 = vector.broadcast %add3A_757 : i32 to vector<16xi32>
        %add3A_759 = arith.addi %broadcast_in_dim3A_264, %add3A_758 : vector<16xi32>
        %select_n3A_760 = arith.select %lt3A_755, %add3A_759, %select_n3A_669 : vector<16xi1>, vector<16xi32>
        %sub3A_761 = arith.subf %gather3A_232, %get3A_461 : vector<16xf32>
        %sub3A_762 = arith.subf %gather3A_236, %get3A_465 : vector<16xf32>
        %mul3A_763 = arith.mulf %sub3A_761, %sub3A_761 : vector<16xf32>
        %mul3A_764 = arith.mulf %sub3A_762, %sub3A_762 : vector<16xf32>
        %add3A_765 = arith.addf %mul3A_763, %mul3A_764 : vector<16xf32>
        %add3A_766 = arith.constant 9.99999996E-13 : f32
        %add3A_767 = vector.broadcast %add3A_766 : f32 to vector<16xf32>
        %add3A_768 = arith.addf %add3A_765, %add3A_767 : vector<16xf32>
        %bitcast3A_769 = vector.bitcast %add3A_768 : vector<16xf32> to vector<16xi32>
        %shift_right_arithmetic3A_770 = arith.constant 1 : i32
        %shift_right_arithmetic3A_771 = vector.broadcast %shift_right_arithmetic3A_770 : i32 to vector<16xi32>
        %shift_right_arithmetic3A_772 = arith.shrsi %bitcast3A_769, %shift_right_arithmetic3A_771 : vector<16xi32>
        %sub3A_773 = arith.constant 1597463007 : i32
        %sub3A_774 = vector.broadcast %sub3A_773 : i32 to vector<16xi32>
        %sub3A_775 = arith.subi %sub3A_774, %shift_right_arithmetic3A_772 : vector<16xi32>
        %bitcast3A_776 = vector.bitcast %sub3A_775 : vector<16xi32> to vector<16xf32>
        %mul3A_777 = arith.constant 5.000000e-01 : f32
        %mul3A_778 = vector.broadcast %mul3A_777 : f32 to vector<16xf32>
        %mul3A_779 = arith.mulf %mul3A_778, %add3A_768 : vector<16xf32>
        %mul3A_780 = arith.mulf %mul3A_779, %bitcast3A_776 : vector<16xf32>
        %mul3A_781 = arith.mulf %mul3A_780, %bitcast3A_776 : vector<16xf32>
        %sub3A_782 = arith.constant 1.500000e+00 : f32
        %sub3A_783 = vector.broadcast %sub3A_782 : f32 to vector<16xf32>
        %sub3A_784 = arith.subf %sub3A_783, %mul3A_781 : vector<16xf32>
        %mul3A_785 = arith.mulf %bitcast3A_776, %sub3A_784 : vector<16xf32>
        %mul3A_786 = arith.mulf %mul3A_779, %mul3A_785 : vector<16xf32>
        %mul3A_787 = arith.mulf %mul3A_786, %mul3A_785 : vector<16xf32>
        %sub3A_788 = arith.constant 1.500000e+00 : f32
        %sub3A_789 = vector.broadcast %sub3A_788 : f32 to vector<16xf32>
        %sub3A_790 = arith.subf %sub3A_789, %mul3A_787 : vector<16xf32>
        %mul3A_791 = arith.mulf %mul3A_785, %sub3A_790 : vector<16xf32>
        %mul3A_792 = arith.mulf %mul3A_779, %mul3A_791 : vector<16xf32>
        %mul3A_793 = arith.mulf %mul3A_792, %mul3A_791 : vector<16xf32>
        %sub3A_794 = arith.constant 1.500000e+00 : f32
        %sub3A_795 = vector.broadcast %sub3A_794 : f32 to vector<16xf32>
        %sub3A_796 = arith.subf %sub3A_795, %mul3A_793 : vector<16xf32>
        %mul3A_797 = arith.mulf %mul3A_791, %sub3A_796 : vector<16xf32>
        %mul3A_798 = arith.mulf %add3A_768, %mul3A_797 : vector<16xf32>
        %div3A_799 = arith.divf %add3A_768, %mul3A_798 : vector<16xf32>
        %add3A_800 = arith.addf %mul3A_798, %div3A_799 : vector<16xf32>
        %mul3A_801 = arith.constant 5.000000e-01 : f32
        %mul3A_802 = vector.broadcast %mul3A_801 : f32 to vector<16xf32>
        %mul3A_803 = arith.mulf %mul3A_802, %add3A_800 : vector<16xf32>
        %min3A_804 = arith.minimumf %add3A_256, %get3A_477 : vector<16xf32>
        %max3A_805 = arith.maximumf %sub3A_248, %get3A_469 : vector<16xf32>
        %sub3A_806 = arith.subf %min3A_804, %max3A_805 : vector<16xf32>
        %max3A_807 = arith.constant 0.000000e+00 : f32
        %max3A_808 = vector.broadcast %max3A_807 : f32 to vector<16xf32>
        %max3A_809 = arith.maximumf %sub3A_806, %max3A_808 : vector<16xf32>
        %min3A_810 = arith.minimumf %add3A_260, %get3A_481 : vector<16xf32>
        %max3A_811 = arith.maximumf %sub3A_252, %get3A_473 : vector<16xf32>
        %sub3A_812 = arith.subf %min3A_810, %max3A_811 : vector<16xf32>
        %max3A_813 = arith.constant 0.000000e+00 : f32
        %max3A_814 = vector.broadcast %max3A_813 : f32 to vector<16xf32>
        %max3A_815 = arith.maximumf %sub3A_812, %max3A_814 : vector<16xf32>
        %mul3A_816 = arith.mulf %max3A_809, %max3A_815 : vector<16xf32>
        %add3A_817 = arith.addf %mul3A_263, %get3A_485 : vector<16xf32>
        %sub3A_818 = arith.subf %add3A_817, %mul3A_816 : vector<16xf32>
        %add3A_819 = arith.constant 1.000000e-16 : f32
        %add3A_820 = vector.broadcast %add3A_819 : f32 to vector<16xf32>
        %add3A_821 = arith.addf %sub3A_818, %add3A_820 : vector<16xf32>
        %div3A_822 = arith.divf %mul3A_816, %add3A_821 : vector<16xf32>
        %max3A_823 = arith.maximumf %add3A_256, %get3A_477 : vector<16xf32>
        %min3A_824 = arith.minimumf %sub3A_248, %get3A_469 : vector<16xf32>
        %sub3A_825 = arith.subf %max3A_823, %min3A_824 : vector<16xf32>
        %max3A_826 = arith.maximumf %add3A_260, %get3A_481 : vector<16xf32>
        %min3A_827 = arith.minimumf %sub3A_252, %get3A_473 : vector<16xf32>
        %sub3A_828 = arith.subf %max3A_826, %min3A_827 : vector<16xf32>
        %mul3A_829 = arith.mulf %sub3A_825, %sub3A_828 : vector<16xf32>
        %add3A_830 = arith.constant 1.000000e-16 : f32
        %add3A_831 = vector.broadcast %add3A_830 : f32 to vector<16xf32>
        %add3A_832 = arith.addf %mul3A_829, %add3A_831 : vector<16xf32>
        %sub3A_833 = arith.subf %add3A_832, %add3A_821 : vector<16xf32>
        %div3A_834 = arith.divf %sub3A_833, %add3A_832 : vector<16xf32>
        %sub3A_835 = arith.subf %div3A_822, %div3A_834 : vector<16xf32>
        %mul3A_836 = arith.constant 5.000000e+00 : f32
        %mul3A_837 = vector.broadcast %mul3A_836 : f32 to vector<16xf32>
        %mul3A_838 = arith.mulf %mul3A_837, %mul3A_803 : vector<16xf32>
        %mul3A_839 = arith.constant 2.000000e+00 : f32
        %mul3A_840 = vector.broadcast %mul3A_839 : f32 to vector<16xf32>
        %mul3A_841 = arith.mulf %mul3A_840, %sub3A_835 : vector<16xf32>
        %sub3A_842 = arith.subf %mul3A_838, %mul3A_841 : vector<16xf32>
        %lt3A_843 = arith.cmpf olt, %sub3A_842, %scan3A_452 : vector<16xf32>
        %select_n3A_844 = arith.select %lt3A_843, %sub3A_842, %scan3A_452 : vector<16xi1>, vector<16xf32>
        %select_n3A_845 = arith.select %lt3A_843, %add3A_487, %scan3A_456 : vector<16xi1>, vector<16xi32>
        %lt3A_846 = arith.cmpf olt, %sub3A_842, %select_n3A_756 : vector<16xf32>
        %select_n3A_847 = arith.select %lt3A_846, %sub3A_842, %select_n3A_756 : vector<16xi1>, vector<16xf32>
        %add3A_848 = arith.constant 3 : i32
        %add3A_849 = vector.broadcast %add3A_848 : i32 to vector<16xi32>
        %add3A_850 = arith.addi %broadcast_in_dim3A_264, %add3A_849 : vector<16xi32>
        %select_n3A_851 = arith.select %lt3A_846, %add3A_850, %select_n3A_760 : vector<16xi1>, vector<16xi32>
        %swap3A_852 = arith.index_cast %mul3A_458 : i32 to index
        %swap3A_853 = tpu.vector_load %arg10[%swap3A_852] {strides = array<i32>} : memref<1600xf32, #tpu.memory_space<vmem>>, vector<16xf32>,
        tpu.vector_store %arg10[%swap3A_852], %select_n3A_847 {strides = array<i32>} : memref<1600xf32, #tpu.memory_space<vmem>>, vector<16xf32>,
        %swap3A_854 = arith.index_cast %mul3A_458 : i32 to index
        %swap3A_855 = tpu.vector_load %arg11[%swap3A_854] {strides = array<i32>} : memref<1600xi32, #tpu.memory_space<vmem>>, vector<16xi32>,
        tpu.vector_store %arg11[%swap3A_854], %select_n3A_851 {strides = array<i32>} : memref<1600xi32, #tpu.memory_space<vmem>>, vector<16xi32>,
        scf.yield %select_n3A_571, %select_n3A_662, %select_n3A_753, %select_n3A_844, %select_n3A_572, %select_n3A_663, %select_n3A_754, %select_n3A_845 : vector<16xf32>, vector<16xf32>, vector<16xf32>, vector<16xf32>, vector<16xi32>, vector<16xi32>, vector<16xi32>, vector<16xi32>
      }
      %scan3A_272 = arith.constant 100 : i32
      %reduce_min3A = arith.constant true
      %reduce_min3A_273 = vector.broadcast %reduce_min3A : i1 to vector<16xi1>
      %reduce_min3A_274 = tpu.scan <min>, %scan3A_271#0 masked %reduce_min3A_273 : vector<16xf32>, vector<16xi1> -> vector<16xf32>
      %reduce_min3A_275 = vector.extract %reduce_min3A_274[15] : f32 from vector<16xf32>
      %eq3A_276 = vector.broadcast %reduce_min3A_275 : f32 to vector<16xf32>
      %eq3A_277 = arith.cmpf oeq, %scan3A_271#0, %eq3A_276 : vector<16xf32>
      %jit3A_278 = arith.constant 1073741824 : i32
      %broadcast_in_dim3A_279 = vector.broadcast %jit3A_278 : i32 to vector<16xi32>
      %select_n3A_280 = arith.select %eq3A_277, %scan3A_271#4, %broadcast_in_dim3A_279 : vector<16xi1>, vector<16xi32>
      %reduce_min3A_281 = arith.constant true
      %reduce_min3A_282 = vector.broadcast %reduce_min3A_281 : i1 to vector<16xi1>
      %reduce_min3A_283 = arith.constant -2147483648 : i32
      %reduce_min3A_284 = vector.broadcast %reduce_min3A_283 : i32 to vector<16xi32>
      %reduce_min3A_285 = arith.xori %select_n3A_280, %reduce_min3A_284 : vector<16xi32>
      %reduce_min3A_286 = tpu.scan <min>, %reduce_min3A_285 masked %reduce_min3A_282 : vector<16xi32>, vector<16xi1> -> vector<16xi32>
      %reduce_min3A_287 = arith.xori %reduce_min3A_286, %reduce_min3A_284 : vector<16xi32>
      %reduce_min3A_288 = vector.extract %reduce_min3A_287[15] : i32 from vector<16xi32>
      %add3A_289 = arith.constant 0 : i32
      %add3A_290 = arith.addi %mul3A_115, %add3A_289 : i32
      %jit3A_291 = arith.constant 16 : i32
      %eq3A_292 = arith.constant 0 : i32
      %eq3A_293 = arith.cmpi eq, %jit3A_291, %eq3A_292 : i32
      %jit3A_294 = arith.constant 1 : i32
      %select_n3A_295 = arith.select %eq3A_293, %jit3A_294, %jit3A_291 : i32
      %rem3A_296 = arith.remsi %add3A_290, %select_n3A_295 : i32
      %ne3A_297 = arith.constant 0 : i32
      %ne3A_298 = arith.cmpi ne, %rem3A_296, %ne3A_297 : i32
      %lt3A_299 = arith.constant 0 : i32
      %lt3A_300 = arith.cmpi slt, %rem3A_296, %lt3A_299 : i32
      %lt3A_301 = arith.constant 0 : i32
      %lt3A_302 = arith.cmpi slt, %select_n3A_295, %lt3A_301 : i32
      %ne3A_303 = arith.xori %lt3A_300, %lt3A_302 : i1
      %and3A_304 = arith.andi %ne3A_303, %ne3A_298 : i1
      %add3A_305 = arith.addi %rem3A_296, %select_n3A_295 : i32
      %select_n3A_306 = arith.select %and3A_304, %add3A_305, %rem3A_296 : i32
      %eq3A_307 = vector.broadcast %select_n3A_306 : i32 to vector<16xi32>
      %eq3A_308 = arith.cmpi eq, %iota3A, %eq3A_307 : vector<16xi32>
      %broadcast_in_dim3A_309 = vector.broadcast %reduce_min3A_288 : i32 to vector<16xi32>
      %select_n3A_310 = arith.select %eq3A_308, %broadcast_in_dim3A_309, %while3A_113 : vector<16xi1>, vector<16xi32>
      %reduce_min3A_311 = arith.constant true
      %reduce_min3A_312 = vector.broadcast %reduce_min3A_311 : i1 to vector<16xi1>
      %reduce_min3A_313 = tpu.scan <min>, %scan3A_271#1 masked %reduce_min3A_312 : vector<16xf32>, vector<16xi1> -> vector<16xf32>
      %reduce_min3A_314 = vector.extract %reduce_min3A_313[15] : f32 from vector<16xf32>
      %eq3A_315 = vector.broadcast %reduce_min3A_314 : f32 to vector<16xf32>
      %eq3A_316 = arith.cmpf oeq, %scan3A_271#1, %eq3A_315 : vector<16xf32>
      %jit3A_317 = arith.constant 1073741824 : i32
      %broadcast_in_dim3A_318 = vector.broadcast %jit3A_317 : i32 to vector<16xi32>
      %select_n3A_319 = arith.select %eq3A_316, %scan3A_271#5, %broadcast_in_dim3A_318 : vector<16xi1>, vector<16xi32>
      %reduce_min3A_320 = arith.constant true
      %reduce_min3A_321 = vector.broadcast %reduce_min3A_320 : i1 to vector<16xi1>
      %reduce_min3A_322 = arith.constant -2147483648 : i32
      %reduce_min3A_323 = vector.broadcast %reduce_min3A_322 : i32 to vector<16xi32>
      %reduce_min3A_324 = arith.xori %select_n3A_319, %reduce_min3A_323 : vector<16xi32>
      %reduce_min3A_325 = tpu.scan <min>, %reduce_min3A_324 masked %reduce_min3A_321 : vector<16xi32>, vector<16xi1> -> vector<16xi32>
      %reduce_min3A_326 = arith.xori %reduce_min3A_325, %reduce_min3A_323 : vector<16xi32>
      %reduce_min3A_327 = vector.extract %reduce_min3A_326[15] : i32 from vector<16xi32>
      %add3A_328 = arith.constant 1 : i32
      %add3A_329 = arith.addi %mul3A_115, %add3A_328 : i32
      %jit3A_330 = arith.constant 16 : i32
      %eq3A_331 = arith.constant 0 : i32
      %eq3A_332 = arith.cmpi eq, %jit3A_330, %eq3A_331 : i32
      %jit3A_333 = arith.constant 1 : i32
      %select_n3A_334 = arith.select %eq3A_332, %jit3A_333, %jit3A_330 : i32
      %rem3A_335 = arith.remsi %add3A_329, %select_n3A_334 : i32
      %ne3A_336 = arith.constant 0 : i32
      %ne3A_337 = arith.cmpi ne, %rem3A_335, %ne3A_336 : i32
      %lt3A_338 = arith.constant 0 : i32
      %lt3A_339 = arith.cmpi slt, %rem3A_335, %lt3A_338 : i32
      %lt3A_340 = arith.constant 0 : i32
      %lt3A_341 = arith.cmpi slt, %select_n3A_334, %lt3A_340 : i32
      %ne3A_342 = arith.xori %lt3A_339, %lt3A_341 : i1
      %and3A_343 = arith.andi %ne3A_342, %ne3A_337 : i1
      %add3A_344 = arith.addi %rem3A_335, %select_n3A_334 : i32
      %select_n3A_345 = arith.select %and3A_343, %add3A_344, %rem3A_335 : i32
      %eq3A_346 = vector.broadcast %select_n3A_345 : i32 to vector<16xi32>
      %eq3A_347 = arith.cmpi eq, %iota3A, %eq3A_346 : vector<16xi32>
      %broadcast_in_dim3A_348 = vector.broadcast %reduce_min3A_327 : i32 to vector<16xi32>
      %select_n3A_349 = arith.select %eq3A_347, %broadcast_in_dim3A_348, %select_n3A_310 : vector<16xi1>, vector<16xi32>
      %reduce_min3A_350 = arith.constant true
      %reduce_min3A_351 = vector.broadcast %reduce_min3A_350 : i1 to vector<16xi1>
      %reduce_min3A_352 = tpu.scan <min>, %scan3A_271#2 masked %reduce_min3A_351 : vector<16xf32>, vector<16xi1> -> vector<16xf32>
      %reduce_min3A_353 = vector.extract %reduce_min3A_352[15] : f32 from vector<16xf32>
      %eq3A_354 = vector.broadcast %reduce_min3A_353 : f32 to vector<16xf32>
      %eq3A_355 = arith.cmpf oeq, %scan3A_271#2, %eq3A_354 : vector<16xf32>
      %jit3A_356 = arith.constant 1073741824 : i32
      %broadcast_in_dim3A_357 = vector.broadcast %jit3A_356 : i32 to vector<16xi32>
      %select_n3A_358 = arith.select %eq3A_355, %scan3A_271#6, %broadcast_in_dim3A_357 : vector<16xi1>, vector<16xi32>
      %reduce_min3A_359 = arith.constant true
      %reduce_min3A_360 = vector.broadcast %reduce_min3A_359 : i1 to vector<16xi1>
      %reduce_min3A_361 = arith.constant -2147483648 : i32
      %reduce_min3A_362 = vector.broadcast %reduce_min3A_361 : i32 to vector<16xi32>
      %reduce_min3A_363 = arith.xori %select_n3A_358, %reduce_min3A_362 : vector<16xi32>
      %reduce_min3A_364 = tpu.scan <min>, %reduce_min3A_363 masked %reduce_min3A_360 : vector<16xi32>, vector<16xi1> -> vector<16xi32>
      %reduce_min3A_365 = arith.xori %reduce_min3A_364, %reduce_min3A_362 : vector<16xi32>
      %reduce_min3A_366 = vector.extract %reduce_min3A_365[15] : i32 from vector<16xi32>
      %add3A_367 = arith.constant 2 : i32
      %add3A_368 = arith.addi %mul3A_115, %add3A_367 : i32
      %jit3A_369 = arith.constant 16 : i32
      %eq3A_370 = arith.constant 0 : i32
      %eq3A_371 = arith.cmpi eq, %jit3A_369, %eq3A_370 : i32
      %jit3A_372 = arith.constant 1 : i32
      %select_n3A_373 = arith.select %eq3A_371, %jit3A_372, %jit3A_369 : i32
      %rem3A_374 = arith.remsi %add3A_368, %select_n3A_373 : i32
      %ne3A_375 = arith.constant 0 : i32
      %ne3A_376 = arith.cmpi ne, %rem3A_374, %ne3A_375 : i32
      %lt3A_377 = arith.constant 0 : i32
      %lt3A_378 = arith.cmpi slt, %rem3A_374, %lt3A_377 : i32
      %lt3A_379 = arith.constant 0 : i32
      %lt3A_380 = arith.cmpi slt, %select_n3A_373, %lt3A_379 : i32
      %ne3A_381 = arith.xori %lt3A_378, %lt3A_380 : i1
      %and3A_382 = arith.andi %ne3A_381, %ne3A_376 : i1
      %add3A_383 = arith.addi %rem3A_374, %select_n3A_373 : i32
      %select_n3A_384 = arith.select %and3A_382, %add3A_383, %rem3A_374 : i32
      %eq3A_385 = vector.broadcast %select_n3A_384 : i32 to vector<16xi32>
      %eq3A_386 = arith.cmpi eq, %iota3A, %eq3A_385 : vector<16xi32>
      %broadcast_in_dim3A_387 = vector.broadcast %reduce_min3A_366 : i32 to vector<16xi32>
      %select_n3A_388 = arith.select %eq3A_386, %broadcast_in_dim3A_387, %select_n3A_349 : vector<16xi1>, vector<16xi32>
      %reduce_min3A_389 = arith.constant true
      %reduce_min3A_390 = vector.broadcast %reduce_min3A_389 : i1 to vector<16xi1>
      %reduce_min3A_391 = tpu.scan <min>, %scan3A_271#3 masked %reduce_min3A_390 : vector<16xf32>, vector<16xi1> -> vector<16xf32>
      %reduce_min3A_392 = vector.extract %reduce_min3A_391[15] : f32 from vector<16xf32>
      %eq3A_393 = vector.broadcast %reduce_min3A_392 : f32 to vector<16xf32>
      %eq3A_394 = arith.cmpf oeq, %scan3A_271#3, %eq3A_393 : vector<16xf32>
      %jit3A_395 = arith.constant 1073741824 : i32
      %broadcast_in_dim3A_396 = vector.broadcast %jit3A_395 : i32 to vector<16xi32>
      %select_n3A_397 = arith.select %eq3A_394, %scan3A_271#7, %broadcast_in_dim3A_396 : vector<16xi1>, vector<16xi32>
      %reduce_min3A_398 = arith.constant true
      %reduce_min3A_399 = vector.broadcast %reduce_min3A_398 : i1 to vector<16xi1>
      %reduce_min3A_400 = arith.constant -2147483648 : i32
      %reduce_min3A_401 = vector.broadcast %reduce_min3A_400 : i32 to vector<16xi32>
      %reduce_min3A_402 = arith.xori %select_n3A_397, %reduce_min3A_401 : vector<16xi32>
      %reduce_min3A_403 = tpu.scan <min>, %reduce_min3A_402 masked %reduce_min3A_399 : vector<16xi32>, vector<16xi1> -> vector<16xi32>
      %reduce_min3A_404 = arith.xori %reduce_min3A_403, %reduce_min3A_401 : vector<16xi32>
      %reduce_min3A_405 = vector.extract %reduce_min3A_404[15] : i32 from vector<16xi32>
      %add3A_406 = arith.constant 3 : i32
      %add3A_407 = arith.addi %mul3A_115, %add3A_406 : i32
      %jit3A_408 = arith.constant 16 : i32
      %eq3A_409 = arith.constant 0 : i32
      %eq3A_410 = arith.cmpi eq, %jit3A_408, %eq3A_409 : i32
      %jit3A_411 = arith.constant 1 : i32
      %select_n3A_412 = arith.select %eq3A_410, %jit3A_411, %jit3A_408 : i32
      %rem3A_413 = arith.remsi %add3A_407, %select_n3A_412 : i32
      %ne3A_414 = arith.constant 0 : i32
      %ne3A_415 = arith.cmpi ne, %rem3A_413, %ne3A_414 : i32
      %lt3A_416 = arith.constant 0 : i32
      %lt3A_417 = arith.cmpi slt, %rem3A_413, %lt3A_416 : i32
      %lt3A_418 = arith.constant 0 : i32
      %lt3A_419 = arith.cmpi slt, %select_n3A_412, %lt3A_418 : i32
      %ne3A_420 = arith.xori %lt3A_417, %lt3A_419 : i1
      %and3A_421 = arith.andi %ne3A_420, %ne3A_415 : i1
      %add3A_422 = arith.addi %rem3A_413, %select_n3A_412 : i32
      %select_n3A_423 = arith.select %and3A_421, %add3A_422, %rem3A_413 : i32
      %eq3A_424 = vector.broadcast %select_n3A_423 : i32 to vector<16xi32>
      %eq3A_425 = arith.cmpi eq, %iota3A, %eq3A_424 : vector<16xi32>
      %broadcast_in_dim3A_426 = vector.broadcast %reduce_min3A_405 : i32 to vector<16xi32>
      %select_n3A_427 = arith.select %eq3A_425, %broadcast_in_dim3A_426, %select_n3A_388 : vector<16xi1>, vector<16xi32>
      %jit3A_428 = arith.constant 16 : i32
      %eq3A_429 = arith.constant 0 : i32
      %eq3A_430 = arith.cmpi eq, %jit3A_428, %eq3A_429 : i32
      %jit3A_431 = arith.constant 1 : i32
      %select_n3A_432 = arith.select %eq3A_430, %jit3A_431, %jit3A_428 : i32
      %rem3A_433 = arith.remsi %mul3A_115, %select_n3A_432 : i32
      %ne3A_434 = arith.constant 0 : i32
      %ne3A_435 = arith.cmpi ne, %rem3A_433, %ne3A_434 : i32
      %lt3A_436 = arith.constant 0 : i32
      %lt3A_437 = arith.cmpi slt, %rem3A_433, %lt3A_436 : i32
      %lt3A_438 = arith.constant 0 : i32
      %lt3A_439 = arith.cmpi slt, %select_n3A_432, %lt3A_438 : i32
      %ne3A_440 = arith.xori %lt3A_437, %lt3A_439 : i1
      %and3A_441 = arith.andi %ne3A_440, %ne3A_435 : i1
      %add3A_442 = arith.addi %rem3A_433, %select_n3A_432 : i32
      %select_n3A_443 = arith.select %and3A_441, %add3A_442, %rem3A_433 : i32
      %eq3A_444 = arith.constant 12 : i32
      %eq3A_445 = arith.cmpi eq, %select_n3A_443, %eq3A_444 : i32
      %convert_element_type3A_446 = arith.extui %eq3A_445 : i1 to i32
      %cond3A = arith.constant 0 : i32
      %cond3A_447 = arith.cmpi ne, %convert_element_type3A_446, %cond3A : i32
      scf.if %cond3A_447 {
        %sub3A_448 = arith.constant 12 : i32
        %sub3A_449 = arith.subi %mul3A_115, %sub3A_448 : i32
        %swap3A_450 = arith.index_cast %sub3A_449 : i32 to index
        %swap3A_451 = tpu.vector_load %arg12[%swap3A_450] {strides = array<i32>} : memref<128xi32, #tpu.memory_space<vmem>>, vector<16xi32>,
        tpu.vector_store %arg12[%swap3A_450], %select_n3A_427 {strides = array<i32>} : memref<128xi32, #tpu.memory_space<vmem>>, vector<16xi32>,
      } else {
      }
      scf.yield %select_n3A_427 : vector<16xi32>
    }
    %while3A_81 = arith.constant 1 : i32
    %while3A_82 = scf.for %while3A_112 = %while3A_78 to %while3A_74 step %while3A_81 iter_args(%while3A_113 = %while3A_80) -> (vector<16xi32>)  : i32 {
      %mul3A_114 = arith.constant 4 : i32
      %mul3A_115 = arith.muli %while3A_112, %mul3A_114 : i32
      %add3A_116 = arith.addi %mul3A_32, %mul3A_115 : i32
      %add3A_117 = arith.constant 0 : i32
      %add3A_118 = arith.addi %add3A_116, %add3A_117 : i32
      %mul3A_119 = arith.constant 4 : i32
      %mul3A_120 = arith.muli %add3A_118, %mul3A_119 : i32
      %broadcast_in_dim3A_121 = vector.broadcast %mul3A_120 : i32 to vector<16xi32>
      %gather3A = tpu.vector_load_idx %arg7[%broadcast_in_dim3A_121] : memref<3600xf32, #tpu.memory_space<vmem>>[vector<16xi32>], vector<16xf32>,
      %add3A_122 = arith.constant 1 : i32
      %add3A_123 = vector.broadcast %add3A_122 : i32 to vector<16xi32>
      %add3A_124 = arith.addi %broadcast_in_dim3A_121, %add3A_123 : vector<16xi32>
      %gather3A_125 = tpu.vector_load_idx %arg7[%add3A_124] : memref<3600xf32, #tpu.memory_space<vmem>>[vector<16xi32>], vector<16xf32>,
      %add3A_126 = arith.constant 2 : i32
      %add3A_127 = vector.broadcast %add3A_126 : i32 to vector<16xi32>
      %add3A_128 = arith.addi %broadcast_in_dim3A_121, %add3A_127 : vector<16xi32>
      %gather3A_129 = tpu.vector_load_idx %arg7[%add3A_128] : memref<3600xf32, #tpu.memory_space<vmem>>[vector<16xi32>], vector<16xf32>,
      %add3A_130 = arith.constant 3 : i32
      %add3A_131 = vector.broadcast %add3A_130 : i32 to vector<16xi32>
      %add3A_132 = arith.addi %broadcast_in_dim3A_121, %add3A_131 : vector<16xi32>
      %gather3A_133 = tpu.vector_load_idx %arg7[%add3A_132] : memref<3600xf32, #tpu.memory_space<vmem>>[vector<16xi32>], vector<16xf32>,
      %mul3A_134 = arith.constant 5.000000e-01 : f32
      %mul3A_135 = vector.broadcast %mul3A_134 : f32 to vector<16xf32>
      %mul3A_136 = arith.mulf %mul3A_135, %gather3A_129 : vector<16xf32>
      %sub3A_137 = arith.subf %gather3A, %mul3A_136 : vector<16xf32>
      %mul3A_138 = arith.constant 5.000000e-01 : f32
      %mul3A_139 = vector.broadcast %mul3A_138 : f32 to vector<16xf32>
      %mul3A_140 = arith.mulf %mul3A_139, %gather3A_133 : vector<16xf32>
      %sub3A_141 = arith.subf %gather3A_125, %mul3A_140 : vector<16xf32>
      %mul3A_142 = arith.constant 5.000000e-01 : f32
      %mul3A_143 = vector.broadcast %mul3A_142 : f32 to vector<16xf32>
      %mul3A_144 = arith.mulf %mul3A_143, %gather3A_129 : vector<16xf32>
      %add3A_145 = arith.addf %gather3A, %mul3A_144 : vector<16xf32>
      %mul3A_146 = arith.constant 5.000000e-01 : f32
      %mul3A_147 = vector.broadcast %mul3A_146 : f32 to vector<16xf32>
      %mul3A_148 = arith.mulf %mul3A_147, %gather3A_133 : vector<16xf32>
      %add3A_149 = arith.addf %gather3A_125, %mul3A_148 : vector<16xf32>
      %sub3A_150 = arith.subf %add3A_145, %sub3A_137 : vector<16xf32>
      %sub3A_151 = arith.subf %add3A_149, %sub3A_141 : vector<16xf32>
      %mul3A_152 = arith.mulf %sub3A_150, %sub3A_151 : vector<16xf32>
      %add3A_153 = arith.constant 1 : i32
      %add3A_154 = arith.addi %add3A_116, %add3A_153 : i32
      %mul3A_155 = arith.constant 4 : i32
      %mul3A_156 = arith.muli %add3A_154, %mul3A_155 : i32
      %broadcast_in_dim3A_157 = vector.broadcast %mul3A_156 : i32 to vector<16xi32>
      %gather3A_158 = tpu.vector_load_idx %arg7[%broadcast_in_dim3A_157] : memref<3600xf32, #tpu.memory_space<vmem>>[vector<16xi32>], vector<16xf32>,
      %add3A_159 = arith.constant 1 : i32
      %add3A_160 = vector.broadcast %add3A_159 : i32 to vector<16xi32>
      %add3A_161 = arith.addi %broadcast_in_dim3A_157, %add3A_160 : vector<16xi32>
      %gather3A_162 = tpu.vector_load_idx %arg7[%add3A_161] : memref<3600xf32, #tpu.memory_space<vmem>>[vector<16xi32>], vector<16xf32>,
      %add3A_163 = arith.constant 2 : i32
      %add3A_164 = vector.broadcast %add3A_163 : i32 to vector<16xi32>
      %add3A_165 = arith.addi %broadcast_in_dim3A_157, %add3A_164 : vector<16xi32>
      %gather3A_166 = tpu.vector_load_idx %arg7[%add3A_165] : memref<3600xf32, #tpu.memory_space<vmem>>[vector<16xi32>], vector<16xf32>,
      %add3A_167 = arith.constant 3 : i32
      %add3A_168 = vector.broadcast %add3A_167 : i32 to vector<16xi32>
      %add3A_169 = arith.addi %broadcast_in_dim3A_157, %add3A_168 : vector<16xi32>
      %gather3A_170 = tpu.vector_load_idx %arg7[%add3A_169] : memref<3600xf32, #tpu.memory_space<vmem>>[vector<16xi32>], vector<16xf32>,
      %mul3A_171 = arith.constant 5.000000e-01 : f32
      %mul3A_172 = vector.broadcast %mul3A_171 : f32 to vector<16xf32>
      %mul3A_173 = arith.mulf %mul3A_172, %gather3A_166 : vector<16xf32>
      %sub3A_174 = arith.subf %gather3A_158, %mul3A_173 : vector<16xf32>
      %mul3A_175 = arith.constant 5.000000e-01 : f32
      %mul3A_176 = vector.broadcast %mul3A_175 : f32 to vector<16xf32>
      %mul3A_177 = arith.mulf %mul3A_176, %gather3A_170 : vector<16xf32>
      %sub3A_178 = arith.subf %gather3A_162, %mul3A_177 : vector<16xf32>
      %mul3A_179 = arith.constant 5.000000e-01 : f32
      %mul3A_180 = vector.broadcast %mul3A_179 : f32 to vector<16xf32>
      %mul3A_181 = arith.mulf %mul3A_180, %gather3A_166 : vector<16xf32>
      %add3A_182 = arith.addf %gather3A_158, %mul3A_181 : vector<16xf32>
      %mul3A_183 = arith.constant 5.000000e-01 : f32
      %mul3A_184 = vector.broadcast %mul3A_183 : f32 to vector<16xf32>
      %mul3A_185 = arith.mulf %mul3A_184, %gather3A_170 : vector<16xf32>
      %add3A_186 = arith.addf %gather3A_162, %mul3A_185 : vector<16xf32>
      %sub3A_187 = arith.subf %add3A_182, %sub3A_174 : vector<16xf32>
      %sub3A_188 = arith.subf %add3A_186, %sub3A_178 : vector<16xf32>
      %mul3A_189 = arith.mulf %sub3A_187, %sub3A_188 : vector<16xf32>
      %add3A_190 = arith.constant 2 : i32
      %add3A_191 = arith.addi %add3A_116, %add3A_190 : i32
      %mul3A_192 = arith.constant 4 : i32
      %mul3A_193 = arith.muli %add3A_191, %mul3A_192 : i32
      %broadcast_in_dim3A_194 = vector.broadcast %mul3A_193 : i32 to vector<16xi32>
      %gather3A_195 = tpu.vector_load_idx %arg7[%broadcast_in_dim3A_194] : memref<3600xf32, #tpu.memory_space<vmem>>[vector<16xi32>], vector<16xf32>,
      %add3A_196 = arith.constant 1 : i32
      %add3A_197 = vector.broadcast %add3A_196 : i32 to vector<16xi32>
      %add3A_198 = arith.addi %broadcast_in_dim3A_194, %add3A_197 : vector<16xi32>
      %gather3A_199 = tpu.vector_load_idx %arg7[%add3A_198] : memref<3600xf32, #tpu.memory_space<vmem>>[vector<16xi32>], vector<16xf32>,
      %add3A_200 = arith.constant 2 : i32
      %add3A_201 = vector.broadcast %add3A_200 : i32 to vector<16xi32>
      %add3A_202 = arith.addi %broadcast_in_dim3A_194, %add3A_201 : vector<16xi32>
      %gather3A_203 = tpu.vector_load_idx %arg7[%add3A_202] : memref<3600xf32, #tpu.memory_space<vmem>>[vector<16xi32>], vector<16xf32>,
      %add3A_204 = arith.constant 3 : i32
      %add3A_205 = vector.broadcast %add3A_204 : i32 to vector<16xi32>
      %add3A_206 = arith.addi %broadcast_in_dim3A_194, %add3A_205 : vector<16xi32>
      %gather3A_207 = tpu.vector_load_idx %arg7[%add3A_206] : memref<3600xf32, #tpu.memory_space<vmem>>[vector<16xi32>], vector<16xf32>,
      %mul3A_208 = arith.constant 5.000000e-01 : f32
      %mul3A_209 = vector.broadcast %mul3A_208 : f32 to vector<16xf32>
      %mul3A_210 = arith.mulf %mul3A_209, %gather3A_203 : vector<16xf32>
      %sub3A_211 = arith.subf %gather3A_195, %mul3A_210 : vector<16xf32>
      %mul3A_212 = arith.constant 5.000000e-01 : f32
      %mul3A_213 = vector.broadcast %mul3A_212 : f32 to vector<16xf32>
      %mul3A_214 = arith.mulf %mul3A_213, %gather3A_207 : vector<16xf32>
      %sub3A_215 = arith.subf %gather3A_199, %mul3A_214 : vector<16xf32>
      %mul3A_216 = arith.constant 5.000000e-01 : f32
      %mul3A_217 = vector.broadcast %mul3A_216 : f32 to vector<16xf32>
      %mul3A_218 = arith.mulf %mul3A_217, %gather3A_203 : vector<16xf32>
      %add3A_219 = arith.addf %gather3A_195, %mul3A_218 : vector<16xf32>
      %mul3A_220 = arith.constant 5.000000e-01 : f32
      %mul3A_221 = vector.broadcast %mul3A_220 : f32 to vector<16xf32>
      %mul3A_222 = arith.mulf %mul3A_221, %gather3A_207 : vector<16xf32>
      %add3A_223 = arith.addf %gather3A_199, %mul3A_222 : vector<16xf32>
      %sub3A_224 = arith.subf %add3A_219, %sub3A_211 : vector<16xf32>
      %sub3A_225 = arith.subf %add3A_223, %sub3A_215 : vector<16xf32>
      %mul3A_226 = arith.mulf %sub3A_224, %sub3A_225 : vector<16xf32>
      %add3A_227 = arith.constant 3 : i32
      %add3A_228 = arith.addi %add3A_116, %add3A_227 : i32
      %mul3A_229 = arith.constant 4 : i32
      %mul3A_230 = arith.muli %add3A_228, %mul3A_229 : i32
      %broadcast_in_dim3A_231 = vector.broadcast %mul3A_230 : i32 to vector<16xi32>
      %gather3A_232 = tpu.vector_load_idx %arg7[%broadcast_in_dim3A_231] : memref<3600xf32, #tpu.memory_space<vmem>>[vector<16xi32>], vector<16xf32>,
      %add3A_233 = arith.constant 1 : i32
      %add3A_234 = vector.broadcast %add3A_233 : i32 to vector<16xi32>
      %add3A_235 = arith.addi %broadcast_in_dim3A_231, %add3A_234 : vector<16xi32>
      %gather3A_236 = tpu.vector_load_idx %arg7[%add3A_235] : memref<3600xf32, #tpu.memory_space<vmem>>[vector<16xi32>], vector<16xf32>,
      %add3A_237 = arith.constant 2 : i32
      %add3A_238 = vector.broadcast %add3A_237 : i32 to vector<16xi32>
      %add3A_239 = arith.addi %broadcast_in_dim3A_231, %add3A_238 : vector<16xi32>
      %gather3A_240 = tpu.vector_load_idx %arg7[%add3A_239] : memref<3600xf32, #tpu.memory_space<vmem>>[vector<16xi32>], vector<16xf32>,
      %add3A_241 = arith.constant 3 : i32
      %add3A_242 = vector.broadcast %add3A_241 : i32 to vector<16xi32>
      %add3A_243 = arith.addi %broadcast_in_dim3A_231, %add3A_242 : vector<16xi32>
      %gather3A_244 = tpu.vector_load_idx %arg7[%add3A_243] : memref<3600xf32, #tpu.memory_space<vmem>>[vector<16xi32>], vector<16xf32>,
      %mul3A_245 = arith.constant 5.000000e-01 : f32
      %mul3A_246 = vector.broadcast %mul3A_245 : f32 to vector<16xf32>
      %mul3A_247 = arith.mulf %mul3A_246, %gather3A_240 : vector<16xf32>
      %sub3A_248 = arith.subf %gather3A_232, %mul3A_247 : vector<16xf32>
      %mul3A_249 = arith.constant 5.000000e-01 : f32
      %mul3A_250 = vector.broadcast %mul3A_249 : f32 to vector<16xf32>
      %mul3A_251 = arith.mulf %mul3A_250, %gather3A_244 : vector<16xf32>
      %sub3A_252 = arith.subf %gather3A_236, %mul3A_251 : vector<16xf32>
      %mul3A_253 = arith.constant 5.000000e-01 : f32
      %mul3A_254 = vector.broadcast %mul3A_253 : f32 to vector<16xf32>
      %mul3A_255 = arith.mulf %mul3A_254, %gather3A_240 : vector<16xf32>
      %add3A_256 = arith.addf %gather3A_232, %mul3A_255 : vector<16xf32>
      %mul3A_257 = arith.constant 5.000000e-01 : f32
      %mul3A_258 = vector.broadcast %mul3A_257 : f32 to vector<16xf32>
      %mul3A_259 = arith.mulf %mul3A_258, %gather3A_244 : vector<16xf32>
      %add3A_260 = arith.addf %gather3A_236, %mul3A_259 : vector<16xf32>
      %sub3A_261 = arith.subf %add3A_256, %sub3A_248 : vector<16xf32>
      %sub3A_262 = arith.subf %add3A_260, %sub3A_252 : vector<16xf32>
      %mul3A_263 = arith.mulf %sub3A_261, %sub3A_262 : vector<16xf32>
      %broadcast_in_dim3A_264 = vector.broadcast %add3A_116 : i32 to vector<16xi32>
      %broadcast_in_dim3A_265 = arith.constant 0 : i32
      %broadcast_in_dim3A_266 = vector.broadcast %broadcast_in_dim3A_265 : i32 to vector<16xi32>
      %scan3A_267 = arith.constant 0 : i32
      %scan3A_268 = arith.constant 100 : i32
      %scan3A_269 = arith.addi %scan3A_267, %scan3A_268 : i32
      %scan3A_270 = arith.constant 1 : i32
      %scan3A_271:8 = scf.for %scan3A_448 = %scan3A_267 to %scan3A_269 step %scan3A_270 iter_args(%scan3A_449 = %broadcast_in_dim3A_63, %scan3A_450 = %broadcast_in_dim3A_63, %scan3A_451 = %broadcast_in_dim3A_63, %scan3A_452 = %broadcast_in_dim3A_63, %scan3A_453 = %broadcast_in_dim3A_266, %scan3A_454 = %broadcast_in_dim3A_266, %scan3A_455 = %broadcast_in_dim3A_266, %scan3A_456 = %broadcast_in_dim3A_266) -> (vector<16xf32>, vector<16xf32>, vector<16xf32>, vector<16xf32>, vector<16xi32>, vector<16xi32>, vector<16xi32>, vector<16xi32>)  : i32 {
        %mul3A_457 = arith.constant 16 : i32
        %mul3A_458 = arith.muli %scan3A_448, %mul3A_457 : i32
        %add3A_459 = arith.constant 0 : i32
        %add3A_460 = arith.addi %mul3A_458, %add3A_459 : i32
        %get3A = arith.index_cast %add3A_460 : i32 to index
        %get3A_461 = tpu.vector_load %arg9[%get3A] {strides = array<i32>} : memref<11200xf32, #tpu.memory_space<vmem>>, vector<16xf32>,
        %add3A_462 = arith.constant 1600 : i32
        %add3A_463 = arith.addi %mul3A_458, %add3A_462 : i32
        %get3A_464 = arith.index_cast %add3A_463 : i32 to index
        %get3A_465 = tpu.vector_load %arg9[%get3A_464] {strides = array<i32>} : memref<11200xf32, #tpu.memory_space<vmem>>, vector<16xf32>,
        %add3A_466 = arith.constant 3200 : i32
        %add3A_467 = arith.addi %mul3A_458, %add3A_466 : i32
        %get3A_468 = arith.index_cast %add3A_467 : i32 to index
        %get3A_469 = tpu.vector_load %arg9[%get3A_468] {strides = array<i32>} : memref<11200xf32, #tpu.memory_space<vmem>>, vector<16xf32>,
        %add3A_470 = arith.constant 4800 : i32
        %add3A_471 = arith.addi %mul3A_458, %add3A_470 : i32
        %get3A_472 = arith.index_cast %add3A_471 : i32 to index
        %get3A_473 = tpu.vector_load %arg9[%get3A_472] {strides = array<i32>} : memref<11200xf32, #tpu.memory_space<vmem>>, vector<16xf32>,
        %add3A_474 = arith.constant 6400 : i32
        %add3A_475 = arith.addi %mul3A_458, %add3A_474 : i32
        %get3A_476 = arith.index_cast %add3A_475 : i32 to index
        %get3A_477 = tpu.vector_load %arg9[%get3A_476] {strides = array<i32>} : memref<11200xf32, #tpu.memory_space<vmem>>, vector<16xf32>,
        %add3A_478 = arith.constant 8000 : i32
        %add3A_479 = arith.addi %mul3A_458, %add3A_478 : i32
        %get3A_480 = arith.index_cast %add3A_479 : i32 to index
        %get3A_481 = tpu.vector_load %arg9[%get3A_480] {strides = array<i32>} : memref<11200xf32, #tpu.memory_space<vmem>>, vector<16xf32>,
        %add3A_482 = arith.constant 9600 : i32
        %add3A_483 = arith.addi %mul3A_458, %add3A_482 : i32
        %get3A_484 = arith.index_cast %add3A_483 : i32 to index
        %get3A_485 = tpu.vector_load %arg9[%get3A_484] {strides = array<i32>} : memref<11200xf32, #tpu.memory_space<vmem>>, vector<16xf32>,
        %add3A_486 = vector.broadcast %mul3A_458 : i32 to vector<16xi32>
        %add3A_487 = arith.addi %iota3A, %add3A_486 : vector<16xi32>
        %get3A_488 = arith.index_cast %mul3A_458 : i32 to index
        %get3A_489 = tpu.vector_load %arg10[%get3A_488] {strides = array<i32>} : memref<1600xf32, #tpu.memory_space<vmem>>, vector<16xf32>,
        %get3A_490 = arith.index_cast %mul3A_458 : i32 to index
        %get3A_491 = tpu.vector_load %arg11[%get3A_490] {strides = array<i32>} : memref<1600xi32, #tpu.memory_space<vmem>>, vector<16xi32>,
        %sub3A_492 = arith.subf %gather3A, %get3A_461 : vector<16xf32>
        %sub3A_493 = arith.subf %gather3A_125, %get3A_465 : vector<16xf32>
        %mul3A_494 = arith.mulf %sub3A_492, %sub3A_492 : vector<16xf32>
        %mul3A_495 = arith.mulf %sub3A_493, %sub3A_493 : vector<16xf32>
        %add3A_496 = arith.addf %mul3A_494, %mul3A_495 : vector<16xf32>
        %add3A_497 = arith.constant 9.99999996E-13 : f32
        %add3A_498 = vector.broadcast %add3A_497 : f32 to vector<16xf32>
        %add3A_499 = arith.addf %add3A_496, %add3A_498 : vector<16xf32>
        %bitcast3A = vector.bitcast %add3A_499 : vector<16xf32> to vector<16xi32>
        %shift_right_arithmetic3A = arith.constant 1 : i32
        %shift_right_arithmetic3A_500 = vector.broadcast %shift_right_arithmetic3A : i32 to vector<16xi32>
        %shift_right_arithmetic3A_501 = arith.shrsi %bitcast3A, %shift_right_arithmetic3A_500 : vector<16xi32>
        %sub3A_502 = arith.constant 1597463007 : i32
        %sub3A_503 = vector.broadcast %sub3A_502 : i32 to vector<16xi32>
        %sub3A_504 = arith.subi %sub3A_503, %shift_right_arithmetic3A_501 : vector<16xi32>
        %bitcast3A_505 = vector.bitcast %sub3A_504 : vector<16xi32> to vector<16xf32>
        %mul3A_506 = arith.constant 5.000000e-01 : f32
        %mul3A_507 = vector.broadcast %mul3A_506 : f32 to vector<16xf32>
        %mul3A_508 = arith.mulf %mul3A_507, %add3A_499 : vector<16xf32>
        %mul3A_509 = arith.mulf %mul3A_508, %bitcast3A_505 : vector<16xf32>
        %mul3A_510 = arith.mulf %mul3A_509, %bitcast3A_505 : vector<16xf32>
        %sub3A_511 = arith.constant 1.500000e+00 : f32
        %sub3A_512 = vector.broadcast %sub3A_511 : f32 to vector<16xf32>
        %sub3A_513 = arith.subf %sub3A_512, %mul3A_510 : vector<16xf32>
        %mul3A_514 = arith.mulf %bitcast3A_505, %sub3A_513 : vector<16xf32>
        %mul3A_515 = arith.mulf %mul3A_508, %mul3A_514 : vector<16xf32>
        %mul3A_516 = arith.mulf %mul3A_515, %mul3A_514 : vector<16xf32>
        %sub3A_517 = arith.constant 1.500000e+00 : f32
        %sub3A_518 = vector.broadcast %sub3A_517 : f32 to vector<16xf32>
        %sub3A_519 = arith.subf %sub3A_518, %mul3A_516 : vector<16xf32>
        %mul3A_520 = arith.mulf %mul3A_514, %sub3A_519 : vector<16xf32>
        %mul3A_521 = arith.mulf %mul3A_508, %mul3A_520 : vector<16xf32>
        %mul3A_522 = arith.mulf %mul3A_521, %mul3A_520 : vector<16xf32>
        %sub3A_523 = arith.constant 1.500000e+00 : f32
        %sub3A_524 = vector.broadcast %sub3A_523 : f32 to vector<16xf32>
        %sub3A_525 = arith.subf %sub3A_524, %mul3A_522 : vector<16xf32>
        %mul3A_526 = arith.mulf %mul3A_520, %sub3A_525 : vector<16xf32>
        %mul3A_527 = arith.mulf %add3A_499, %mul3A_526 : vector<16xf32>
        %div3A_528 = arith.divf %add3A_499, %mul3A_527 : vector<16xf32>
        %add3A_529 = arith.addf %mul3A_527, %div3A_528 : vector<16xf32>
        %mul3A_530 = arith.constant 5.000000e-01 : f32
        %mul3A_531 = vector.broadcast %mul3A_530 : f32 to vector<16xf32>
        %mul3A_532 = arith.mulf %mul3A_531, %add3A_529 : vector<16xf32>
        %min3A = arith.minimumf %add3A_145, %get3A_477 : vector<16xf32>
        %max3A = arith.maximumf %sub3A_137, %get3A_469 : vector<16xf32>
        %sub3A_533 = arith.subf %min3A, %max3A : vector<16xf32>
        %max3A_534 = arith.constant 0.000000e+00 : f32
        %max3A_535 = vector.broadcast %max3A_534 : f32 to vector<16xf32>
        %max3A_536 = arith.maximumf %sub3A_533, %max3A_535 : vector<16xf32>
        %min3A_537 = arith.minimumf %add3A_149, %get3A_481 : vector<16xf32>
        %max3A_538 = arith.maximumf %sub3A_141, %get3A_473 : vector<16xf32>
        %sub3A_539 = arith.subf %min3A_537, %max3A_538 : vector<16xf32>
        %max3A_540 = arith.constant 0.000000e+00 : f32
        %max3A_541 = vector.broadcast %max3A_540 : f32 to vector<16xf32>
        %max3A_542 = arith.maximumf %sub3A_539, %max3A_541 : vector<16xf32>
        %mul3A_543 = arith.mulf %max3A_536, %max3A_542 : vector<16xf32>
        %add3A_544 = arith.addf %mul3A_152, %get3A_485 : vector<16xf32>
        %sub3A_545 = arith.subf %add3A_544, %mul3A_543 : vector<16xf32>
        %add3A_546 = arith.constant 1.000000e-16 : f32
        %add3A_547 = vector.broadcast %add3A_546 : f32 to vector<16xf32>
        %add3A_548 = arith.addf %sub3A_545, %add3A_547 : vector<16xf32>
        %div3A_549 = arith.divf %mul3A_543, %add3A_548 : vector<16xf32>
        %max3A_550 = arith.maximumf %add3A_145, %get3A_477 : vector<16xf32>
        %min3A_551 = arith.minimumf %sub3A_137, %get3A_469 : vector<16xf32>
        %sub3A_552 = arith.subf %max3A_550, %min3A_551 : vector<16xf32>
        %max3A_553 = arith.maximumf %add3A_149, %get3A_481 : vector<16xf32>
        %min3A_554 = arith.minimumf %sub3A_141, %get3A_473 : vector<16xf32>
        %sub3A_555 = arith.subf %max3A_553, %min3A_554 : vector<16xf32>
        %mul3A_556 = arith.mulf %sub3A_552, %sub3A_555 : vector<16xf32>
        %add3A_557 = arith.constant 1.000000e-16 : f32
        %add3A_558 = vector.broadcast %add3A_557 : f32 to vector<16xf32>
        %add3A_559 = arith.addf %mul3A_556, %add3A_558 : vector<16xf32>
        %sub3A_560 = arith.subf %add3A_559, %add3A_548 : vector<16xf32>
        %div3A_561 = arith.divf %sub3A_560, %add3A_559 : vector<16xf32>
        %sub3A_562 = arith.subf %div3A_549, %div3A_561 : vector<16xf32>
        %mul3A_563 = arith.constant 5.000000e+00 : f32
        %mul3A_564 = vector.broadcast %mul3A_563 : f32 to vector<16xf32>
        %mul3A_565 = arith.mulf %mul3A_564, %mul3A_532 : vector<16xf32>
        %mul3A_566 = arith.constant 2.000000e+00 : f32
        %mul3A_567 = vector.broadcast %mul3A_566 : f32 to vector<16xf32>
        %mul3A_568 = arith.mulf %mul3A_567, %sub3A_562 : vector<16xf32>
        %sub3A_569 = arith.subf %mul3A_565, %mul3A_568 : vector<16xf32>
        %lt3A_570 = arith.cmpf olt, %sub3A_569, %scan3A_449 : vector<16xf32>
        %select_n3A_571 = arith.select %lt3A_570, %sub3A_569, %scan3A_449 : vector<16xi1>, vector<16xf32>
        %select_n3A_572 = arith.select %lt3A_570, %add3A_487, %scan3A_453 : vector<16xi1>, vector<16xi32>
        %lt3A_573 = arith.cmpf olt, %sub3A_569, %get3A_489 : vector<16xf32>
        %select_n3A_574 = arith.select %lt3A_573, %sub3A_569, %get3A_489 : vector<16xi1>, vector<16xf32>
        %add3A_575 = arith.constant 0 : i32
        %add3A_576 = vector.broadcast %add3A_575 : i32 to vector<16xi32>
        %add3A_577 = arith.addi %broadcast_in_dim3A_264, %add3A_576 : vector<16xi32>
        %select_n3A_578 = arith.select %lt3A_573, %add3A_577, %get3A_491 : vector<16xi1>, vector<16xi32>
        %sub3A_579 = arith.subf %gather3A_158, %get3A_461 : vector<16xf32>
        %sub3A_580 = arith.subf %gather3A_162, %get3A_465 : vector<16xf32>
        %mul3A_581 = arith.mulf %sub3A_579, %sub3A_579 : vector<16xf32>
        %mul3A_582 = arith.mulf %sub3A_580, %sub3A_580 : vector<16xf32>
        %add3A_583 = arith.addf %mul3A_581, %mul3A_582 : vector<16xf32>
        %add3A_584 = arith.constant 9.99999996E-13 : f32
        %add3A_585 = vector.broadcast %add3A_584 : f32 to vector<16xf32>
        %add3A_586 = arith.addf %add3A_583, %add3A_585 : vector<16xf32>
        %bitcast3A_587 = vector.bitcast %add3A_586 : vector<16xf32> to vector<16xi32>
        %shift_right_arithmetic3A_588 = arith.constant 1 : i32
        %shift_right_arithmetic3A_589 = vector.broadcast %shift_right_arithmetic3A_588 : i32 to vector<16xi32>
        %shift_right_arithmetic3A_590 = arith.shrsi %bitcast3A_587, %shift_right_arithmetic3A_589 : vector<16xi32>
        %sub3A_591 = arith.constant 1597463007 : i32
        %sub3A_592 = vector.broadcast %sub3A_591 : i32 to vector<16xi32>
        %sub3A_593 = arith.subi %sub3A_592, %shift_right_arithmetic3A_590 : vector<16xi32>
        %bitcast3A_594 = vector.bitcast %sub3A_593 : vector<16xi32> to vector<16xf32>
        %mul3A_595 = arith.constant 5.000000e-01 : f32
        %mul3A_596 = vector.broadcast %mul3A_595 : f32 to vector<16xf32>
        %mul3A_597 = arith.mulf %mul3A_596, %add3A_586 : vector<16xf32>
        %mul3A_598 = arith.mulf %mul3A_597, %bitcast3A_594 : vector<16xf32>
        %mul3A_599 = arith.mulf %mul3A_598, %bitcast3A_594 : vector<16xf32>
        %sub3A_600 = arith.constant 1.500000e+00 : f32
        %sub3A_601 = vector.broadcast %sub3A_600 : f32 to vector<16xf32>
        %sub3A_602 = arith.subf %sub3A_601, %mul3A_599 : vector<16xf32>
        %mul3A_603 = arith.mulf %bitcast3A_594, %sub3A_602 : vector<16xf32>
        %mul3A_604 = arith.mulf %mul3A_597, %mul3A_603 : vector<16xf32>
        %mul3A_605 = arith.mulf %mul3A_604, %mul3A_603 : vector<16xf32>
        %sub3A_606 = arith.constant 1.500000e+00 : f32
        %sub3A_607 = vector.broadcast %sub3A_606 : f32 to vector<16xf32>
        %sub3A_608 = arith.subf %sub3A_607, %mul3A_605 : vector<16xf32>
        %mul3A_609 = arith.mulf %mul3A_603, %sub3A_608 : vector<16xf32>
        %mul3A_610 = arith.mulf %mul3A_597, %mul3A_609 : vector<16xf32>
        %mul3A_611 = arith.mulf %mul3A_610, %mul3A_609 : vector<16xf32>
        %sub3A_612 = arith.constant 1.500000e+00 : f32
        %sub3A_613 = vector.broadcast %sub3A_612 : f32 to vector<16xf32>
        %sub3A_614 = arith.subf %sub3A_613, %mul3A_611 : vector<16xf32>
        %mul3A_615 = arith.mulf %mul3A_609, %sub3A_614 : vector<16xf32>
        %mul3A_616 = arith.mulf %add3A_586, %mul3A_615 : vector<16xf32>
        %div3A_617 = arith.divf %add3A_586, %mul3A_616 : vector<16xf32>
        %add3A_618 = arith.addf %mul3A_616, %div3A_617 : vector<16xf32>
        %mul3A_619 = arith.constant 5.000000e-01 : f32
        %mul3A_620 = vector.broadcast %mul3A_619 : f32 to vector<16xf32>
        %mul3A_621 = arith.mulf %mul3A_620, %add3A_618 : vector<16xf32>
        %min3A_622 = arith.minimumf %add3A_182, %get3A_477 : vector<16xf32>
        %max3A_623 = arith.maximumf %sub3A_174, %get3A_469 : vector<16xf32>
        %sub3A_624 = arith.subf %min3A_622, %max3A_623 : vector<16xf32>
        %max3A_625 = arith.constant 0.000000e+00 : f32
        %max3A_626 = vector.broadcast %max3A_625 : f32 to vector<16xf32>
        %max3A_627 = arith.maximumf %sub3A_624, %max3A_626 : vector<16xf32>
        %min3A_628 = arith.minimumf %add3A_186, %get3A_481 : vector<16xf32>
        %max3A_629 = arith.maximumf %sub3A_178, %get3A_473 : vector<16xf32>
        %sub3A_630 = arith.subf %min3A_628, %max3A_629 : vector<16xf32>
        %max3A_631 = arith.constant 0.000000e+00 : f32
        %max3A_632 = vector.broadcast %max3A_631 : f32 to vector<16xf32>
        %max3A_633 = arith.maximumf %sub3A_630, %max3A_632 : vector<16xf32>
        %mul3A_634 = arith.mulf %max3A_627, %max3A_633 : vector<16xf32>
        %add3A_635 = arith.addf %mul3A_189, %get3A_485 : vector<16xf32>
        %sub3A_636 = arith.subf %add3A_635, %mul3A_634 : vector<16xf32>
        %add3A_637 = arith.constant 1.000000e-16 : f32
        %add3A_638 = vector.broadcast %add3A_637 : f32 to vector<16xf32>
        %add3A_639 = arith.addf %sub3A_636, %add3A_638 : vector<16xf32>
        %div3A_640 = arith.divf %mul3A_634, %add3A_639 : vector<16xf32>
        %max3A_641 = arith.maximumf %add3A_182, %get3A_477 : vector<16xf32>
        %min3A_642 = arith.minimumf %sub3A_174, %get3A_469 : vector<16xf32>
        %sub3A_643 = arith.subf %max3A_641, %min3A_642 : vector<16xf32>
        %max3A_644 = arith.maximumf %add3A_186, %get3A_481 : vector<16xf32>
        %min3A_645 = arith.minimumf %sub3A_178, %get3A_473 : vector<16xf32>
        %sub3A_646 = arith.subf %max3A_644, %min3A_645 : vector<16xf32>
        %mul3A_647 = arith.mulf %sub3A_643, %sub3A_646 : vector<16xf32>
        %add3A_648 = arith.constant 1.000000e-16 : f32
        %add3A_649 = vector.broadcast %add3A_648 : f32 to vector<16xf32>
        %add3A_650 = arith.addf %mul3A_647, %add3A_649 : vector<16xf32>
        %sub3A_651 = arith.subf %add3A_650, %add3A_639 : vector<16xf32>
        %div3A_652 = arith.divf %sub3A_651, %add3A_650 : vector<16xf32>
        %sub3A_653 = arith.subf %div3A_640, %div3A_652 : vector<16xf32>
        %mul3A_654 = arith.constant 5.000000e+00 : f32
        %mul3A_655 = vector.broadcast %mul3A_654 : f32 to vector<16xf32>
        %mul3A_656 = arith.mulf %mul3A_655, %mul3A_621 : vector<16xf32>
        %mul3A_657 = arith.constant 2.000000e+00 : f32
        %mul3A_658 = vector.broadcast %mul3A_657 : f32 to vector<16xf32>
        %mul3A_659 = arith.mulf %mul3A_658, %sub3A_653 : vector<16xf32>
        %sub3A_660 = arith.subf %mul3A_656, %mul3A_659 : vector<16xf32>
        %lt3A_661 = arith.cmpf olt, %sub3A_660, %scan3A_450 : vector<16xf32>
        %select_n3A_662 = arith.select %lt3A_661, %sub3A_660, %scan3A_450 : vector<16xi1>, vector<16xf32>
        %select_n3A_663 = arith.select %lt3A_661, %add3A_487, %scan3A_454 : vector<16xi1>, vector<16xi32>
        %lt3A_664 = arith.cmpf olt, %sub3A_660, %select_n3A_574 : vector<16xf32>
        %select_n3A_665 = arith.select %lt3A_664, %sub3A_660, %select_n3A_574 : vector<16xi1>, vector<16xf32>
        %add3A_666 = arith.constant 1 : i32
        %add3A_667 = vector.broadcast %add3A_666 : i32 to vector<16xi32>
        %add3A_668 = arith.addi %broadcast_in_dim3A_264, %add3A_667 : vector<16xi32>
        %select_n3A_669 = arith.select %lt3A_664, %add3A_668, %select_n3A_578 : vector<16xi1>, vector<16xi32>
        %sub3A_670 = arith.subf %gather3A_195, %get3A_461 : vector<16xf32>
        %sub3A_671 = arith.subf %gather3A_199, %get3A_465 : vector<16xf32>
        %mul3A_672 = arith.mulf %sub3A_670, %sub3A_670 : vector<16xf32>
        %mul3A_673 = arith.mulf %sub3A_671, %sub3A_671 : vector<16xf32>
        %add3A_674 = arith.addf %mul3A_672, %mul3A_673 : vector<16xf32>
        %add3A_675 = arith.constant 9.99999996E-13 : f32
        %add3A_676 = vector.broadcast %add3A_675 : f32 to vector<16xf32>
        %add3A_677 = arith.addf %add3A_674, %add3A_676 : vector<16xf32>
        %bitcast3A_678 = vector.bitcast %add3A_677 : vector<16xf32> to vector<16xi32>
        %shift_right_arithmetic3A_679 = arith.constant 1 : i32
        %shift_right_arithmetic3A_680 = vector.broadcast %shift_right_arithmetic3A_679 : i32 to vector<16xi32>
        %shift_right_arithmetic3A_681 = arith.shrsi %bitcast3A_678, %shift_right_arithmetic3A_680 : vector<16xi32>
        %sub3A_682 = arith.constant 1597463007 : i32
        %sub3A_683 = vector.broadcast %sub3A_682 : i32 to vector<16xi32>
        %sub3A_684 = arith.subi %sub3A_683, %shift_right_arithmetic3A_681 : vector<16xi32>
        %bitcast3A_685 = vector.bitcast %sub3A_684 : vector<16xi32> to vector<16xf32>
        %mul3A_686 = arith.constant 5.000000e-01 : f32
        %mul3A_687 = vector.broadcast %mul3A_686 : f32 to vector<16xf32>
        %mul3A_688 = arith.mulf %mul3A_687, %add3A_677 : vector<16xf32>
        %mul3A_689 = arith.mulf %mul3A_688, %bitcast3A_685 : vector<16xf32>
        %mul3A_690 = arith.mulf %mul3A_689, %bitcast3A_685 : vector<16xf32>
        %sub3A_691 = arith.constant 1.500000e+00 : f32
        %sub3A_692 = vector.broadcast %sub3A_691 : f32 to vector<16xf32>
        %sub3A_693 = arith.subf %sub3A_692, %mul3A_690 : vector<16xf32>
        %mul3A_694 = arith.mulf %bitcast3A_685, %sub3A_693 : vector<16xf32>
        %mul3A_695 = arith.mulf %mul3A_688, %mul3A_694 : vector<16xf32>
        %mul3A_696 = arith.mulf %mul3A_695, %mul3A_694 : vector<16xf32>
        %sub3A_697 = arith.constant 1.500000e+00 : f32
        %sub3A_698 = vector.broadcast %sub3A_697 : f32 to vector<16xf32>
        %sub3A_699 = arith.subf %sub3A_698, %mul3A_696 : vector<16xf32>
        %mul3A_700 = arith.mulf %mul3A_694, %sub3A_699 : vector<16xf32>
        %mul3A_701 = arith.mulf %mul3A_688, %mul3A_700 : vector<16xf32>
        %mul3A_702 = arith.mulf %mul3A_701, %mul3A_700 : vector<16xf32>
        %sub3A_703 = arith.constant 1.500000e+00 : f32
        %sub3A_704 = vector.broadcast %sub3A_703 : f32 to vector<16xf32>
        %sub3A_705 = arith.subf %sub3A_704, %mul3A_702 : vector<16xf32>
        %mul3A_706 = arith.mulf %mul3A_700, %sub3A_705 : vector<16xf32>
        %mul3A_707 = arith.mulf %add3A_677, %mul3A_706 : vector<16xf32>
        %div3A_708 = arith.divf %add3A_677, %mul3A_707 : vector<16xf32>
        %add3A_709 = arith.addf %mul3A_707, %div3A_708 : vector<16xf32>
        %mul3A_710 = arith.constant 5.000000e-01 : f32
        %mul3A_711 = vector.broadcast %mul3A_710 : f32 to vector<16xf32>
        %mul3A_712 = arith.mulf %mul3A_711, %add3A_709 : vector<16xf32>
        %min3A_713 = arith.minimumf %add3A_219, %get3A_477 : vector<16xf32>
        %max3A_714 = arith.maximumf %sub3A_211, %get3A_469 : vector<16xf32>
        %sub3A_715 = arith.subf %min3A_713, %max3A_714 : vector<16xf32>
        %max3A_716 = arith.constant 0.000000e+00 : f32
        %max3A_717 = vector.broadcast %max3A_716 : f32 to vector<16xf32>
        %max3A_718 = arith.maximumf %sub3A_715, %max3A_717 : vector<16xf32>
        %min3A_719 = arith.minimumf %add3A_223, %get3A_481 : vector<16xf32>
        %max3A_720 = arith.maximumf %sub3A_215, %get3A_473 : vector<16xf32>
        %sub3A_721 = arith.subf %min3A_719, %max3A_720 : vector<16xf32>
        %max3A_722 = arith.constant 0.000000e+00 : f32
        %max3A_723 = vector.broadcast %max3A_722 : f32 to vector<16xf32>
        %max3A_724 = arith.maximumf %sub3A_721, %max3A_723 : vector<16xf32>
        %mul3A_725 = arith.mulf %max3A_718, %max3A_724 : vector<16xf32>
        %add3A_726 = arith.addf %mul3A_226, %get3A_485 : vector<16xf32>
        %sub3A_727 = arith.subf %add3A_726, %mul3A_725 : vector<16xf32>
        %add3A_728 = arith.constant 1.000000e-16 : f32
        %add3A_729 = vector.broadcast %add3A_728 : f32 to vector<16xf32>
        %add3A_730 = arith.addf %sub3A_727, %add3A_729 : vector<16xf32>
        %div3A_731 = arith.divf %mul3A_725, %add3A_730 : vector<16xf32>
        %max3A_732 = arith.maximumf %add3A_219, %get3A_477 : vector<16xf32>
        %min3A_733 = arith.minimumf %sub3A_211, %get3A_469 : vector<16xf32>
        %sub3A_734 = arith.subf %max3A_732, %min3A_733 : vector<16xf32>
        %max3A_735 = arith.maximumf %add3A_223, %get3A_481 : vector<16xf32>
        %min3A_736 = arith.minimumf %sub3A_215, %get3A_473 : vector<16xf32>
        %sub3A_737 = arith.subf %max3A_735, %min3A_736 : vector<16xf32>
        %mul3A_738 = arith.mulf %sub3A_734, %sub3A_737 : vector<16xf32>
        %add3A_739 = arith.constant 1.000000e-16 : f32
        %add3A_740 = vector.broadcast %add3A_739 : f32 to vector<16xf32>
        %add3A_741 = arith.addf %mul3A_738, %add3A_740 : vector<16xf32>
        %sub3A_742 = arith.subf %add3A_741, %add3A_730 : vector<16xf32>
        %div3A_743 = arith.divf %sub3A_742, %add3A_741 : vector<16xf32>
        %sub3A_744 = arith.subf %div3A_731, %div3A_743 : vector<16xf32>
        %mul3A_745 = arith.constant 5.000000e+00 : f32
        %mul3A_746 = vector.broadcast %mul3A_745 : f32 to vector<16xf32>
        %mul3A_747 = arith.mulf %mul3A_746, %mul3A_712 : vector<16xf32>
        %mul3A_748 = arith.constant 2.000000e+00 : f32
        %mul3A_749 = vector.broadcast %mul3A_748 : f32 to vector<16xf32>
        %mul3A_750 = arith.mulf %mul3A_749, %sub3A_744 : vector<16xf32>
        %sub3A_751 = arith.subf %mul3A_747, %mul3A_750 : vector<16xf32>
        %lt3A_752 = arith.cmpf olt, %sub3A_751, %scan3A_451 : vector<16xf32>
        %select_n3A_753 = arith.select %lt3A_752, %sub3A_751, %scan3A_451 : vector<16xi1>, vector<16xf32>
        %select_n3A_754 = arith.select %lt3A_752, %add3A_487, %scan3A_455 : vector<16xi1>, vector<16xi32>
        %lt3A_755 = arith.cmpf olt, %sub3A_751, %select_n3A_665 : vector<16xf32>
        %select_n3A_756 = arith.select %lt3A_755, %sub3A_751, %select_n3A_665 : vector<16xi1>, vector<16xf32>
        %add3A_757 = arith.constant 2 : i32
        %add3A_758 = vector.broadcast %add3A_757 : i32 to vector<16xi32>
        %add3A_759 = arith.addi %broadcast_in_dim3A_264, %add3A_758 : vector<16xi32>
        %select_n3A_760 = arith.select %lt3A_755, %add3A_759, %select_n3A_669 : vector<16xi1>, vector<16xi32>
        %sub3A_761 = arith.subf %gather3A_232, %get3A_461 : vector<16xf32>
        %sub3A_762 = arith.subf %gather3A_236, %get3A_465 : vector<16xf32>
        %mul3A_763 = arith.mulf %sub3A_761, %sub3A_761 : vector<16xf32>
        %mul3A_764 = arith.mulf %sub3A_762, %sub3A_762 : vector<16xf32>
        %add3A_765 = arith.addf %mul3A_763, %mul3A_764 : vector<16xf32>
        %add3A_766 = arith.constant 9.99999996E-13 : f32
        %add3A_767 = vector.broadcast %add3A_766 : f32 to vector<16xf32>
        %add3A_768 = arith.addf %add3A_765, %add3A_767 : vector<16xf32>
        %bitcast3A_769 = vector.bitcast %add3A_768 : vector<16xf32> to vector<16xi32>
        %shift_right_arithmetic3A_770 = arith.constant 1 : i32
        %shift_right_arithmetic3A_771 = vector.broadcast %shift_right_arithmetic3A_770 : i32 to vector<16xi32>
        %shift_right_arithmetic3A_772 = arith.shrsi %bitcast3A_769, %shift_right_arithmetic3A_771 : vector<16xi32>
        %sub3A_773 = arith.constant 1597463007 : i32
        %sub3A_774 = vector.broadcast %sub3A_773 : i32 to vector<16xi32>
        %sub3A_775 = arith.subi %sub3A_774, %shift_right_arithmetic3A_772 : vector<16xi32>
        %bitcast3A_776 = vector.bitcast %sub3A_775 : vector<16xi32> to vector<16xf32>
        %mul3A_777 = arith.constant 5.000000e-01 : f32
        %mul3A_778 = vector.broadcast %mul3A_777 : f32 to vector<16xf32>
        %mul3A_779 = arith.mulf %mul3A_778, %add3A_768 : vector<16xf32>
        %mul3A_780 = arith.mulf %mul3A_779, %bitcast3A_776 : vector<16xf32>
        %mul3A_781 = arith.mulf %mul3A_780, %bitcast3A_776 : vector<16xf32>
        %sub3A_782 = arith.constant 1.500000e+00 : f32
        %sub3A_783 = vector.broadcast %sub3A_782 : f32 to vector<16xf32>
        %sub3A_784 = arith.subf %sub3A_783, %mul3A_781 : vector<16xf32>
        %mul3A_785 = arith.mulf %bitcast3A_776, %sub3A_784 : vector<16xf32>
        %mul3A_786 = arith.mulf %mul3A_779, %mul3A_785 : vector<16xf32>
        %mul3A_787 = arith.mulf %mul3A_786, %mul3A_785 : vector<16xf32>
        %sub3A_788 = arith.constant 1.500000e+00 : f32
        %sub3A_789 = vector.broadcast %sub3A_788 : f32 to vector<16xf32>
        %sub3A_790 = arith.subf %sub3A_789, %mul3A_787 : vector<16xf32>
        %mul3A_791 = arith.mulf %mul3A_785, %sub3A_790 : vector<16xf32>
        %mul3A_792 = arith.mulf %mul3A_779, %mul3A_791 : vector<16xf32>
        %mul3A_793 = arith.mulf %mul3A_792, %mul3A_791 : vector<16xf32>
        %sub3A_794 = arith.constant 1.500000e+00 : f32
        %sub3A_795 = vector.broadcast %sub3A_794 : f32 to vector<16xf32>
        %sub3A_796 = arith.subf %sub3A_795, %mul3A_793 : vector<16xf32>
        %mul3A_797 = arith.mulf %mul3A_791, %sub3A_796 : vector<16xf32>
        %mul3A_798 = arith.mulf %add3A_768, %mul3A_797 : vector<16xf32>
        %div3A_799 = arith.divf %add3A_768, %mul3A_798 : vector<16xf32>
        %add3A_800 = arith.addf %mul3A_798, %div3A_799 : vector<16xf32>
        %mul3A_801 = arith.constant 5.000000e-01 : f32
        %mul3A_802 = vector.broadcast %mul3A_801 : f32 to vector<16xf32>
        %mul3A_803 = arith.mulf %mul3A_802, %add3A_800 : vector<16xf32>
        %min3A_804 = arith.minimumf %add3A_256, %get3A_477 : vector<16xf32>
        %max3A_805 = arith.maximumf %sub3A_248, %get3A_469 : vector<16xf32>
        %sub3A_806 = arith.subf %min3A_804, %max3A_805 : vector<16xf32>
        %max3A_807 = arith.constant 0.000000e+00 : f32
        %max3A_808 = vector.broadcast %max3A_807 : f32 to vector<16xf32>
        %max3A_809 = arith.maximumf %sub3A_806, %max3A_808 : vector<16xf32>
        %min3A_810 = arith.minimumf %add3A_260, %get3A_481 : vector<16xf32>
        %max3A_811 = arith.maximumf %sub3A_252, %get3A_473 : vector<16xf32>
        %sub3A_812 = arith.subf %min3A_810, %max3A_811 : vector<16xf32>
        %max3A_813 = arith.constant 0.000000e+00 : f32
        %max3A_814 = vector.broadcast %max3A_813 : f32 to vector<16xf32>
        %max3A_815 = arith.maximumf %sub3A_812, %max3A_814 : vector<16xf32>
        %mul3A_816 = arith.mulf %max3A_809, %max3A_815 : vector<16xf32>
        %add3A_817 = arith.addf %mul3A_263, %get3A_485 : vector<16xf32>
        %sub3A_818 = arith.subf %add3A_817, %mul3A_816 : vector<16xf32>
        %add3A_819 = arith.constant 1.000000e-16 : f32
        %add3A_820 = vector.broadcast %add3A_819 : f32 to vector<16xf32>
        %add3A_821 = arith.addf %sub3A_818, %add3A_820 : vector<16xf32>
        %div3A_822 = arith.divf %mul3A_816, %add3A_821 : vector<16xf32>
        %max3A_823 = arith.maximumf %add3A_256, %get3A_477 : vector<16xf32>
        %min3A_824 = arith.minimumf %sub3A_248, %get3A_469 : vector<16xf32>
        %sub3A_825 = arith.subf %max3A_823, %min3A_824 : vector<16xf32>
        %max3A_826 = arith.maximumf %add3A_260, %get3A_481 : vector<16xf32>
        %min3A_827 = arith.minimumf %sub3A_252, %get3A_473 : vector<16xf32>
        %sub3A_828 = arith.subf %max3A_826, %min3A_827 : vector<16xf32>
        %mul3A_829 = arith.mulf %sub3A_825, %sub3A_828 : vector<16xf32>
        %add3A_830 = arith.constant 1.000000e-16 : f32
        %add3A_831 = vector.broadcast %add3A_830 : f32 to vector<16xf32>
        %add3A_832 = arith.addf %mul3A_829, %add3A_831 : vector<16xf32>
        %sub3A_833 = arith.subf %add3A_832, %add3A_821 : vector<16xf32>
        %div3A_834 = arith.divf %sub3A_833, %add3A_832 : vector<16xf32>
        %sub3A_835 = arith.subf %div3A_822, %div3A_834 : vector<16xf32>
        %mul3A_836 = arith.constant 5.000000e+00 : f32
        %mul3A_837 = vector.broadcast %mul3A_836 : f32 to vector<16xf32>
        %mul3A_838 = arith.mulf %mul3A_837, %mul3A_803 : vector<16xf32>
        %mul3A_839 = arith.constant 2.000000e+00 : f32
        %mul3A_840 = vector.broadcast %mul3A_839 : f32 to vector<16xf32>
        %mul3A_841 = arith.mulf %mul3A_840, %sub3A_835 : vector<16xf32>
        %sub3A_842 = arith.subf %mul3A_838, %mul3A_841 : vector<16xf32>
        %lt3A_843 = arith.cmpf olt, %sub3A_842, %scan3A_452 : vector<16xf32>
        %select_n3A_844 = arith.select %lt3A_843, %sub3A_842, %scan3A_452 : vector<16xi1>, vector<16xf32>
        %select_n3A_845 = arith.select %lt3A_843, %add3A_487, %scan3A_456 : vector<16xi1>, vector<16xi32>
        %lt3A_846 = arith.cmpf olt, %sub3A_842, %select_n3A_756 : vector<16xf32>
        %select_n3A_847 = arith.select %lt3A_846, %sub3A_842, %select_n3A_756 : vector<16xi1>, vector<16xf32>
        %add3A_848 = arith.constant 3 : i32
        %add3A_849 = vector.broadcast %add3A_848 : i32 to vector<16xi32>
        %add3A_850 = arith.addi %broadcast_in_dim3A_264, %add3A_849 : vector<16xi32>
        %select_n3A_851 = arith.select %lt3A_846, %add3A_850, %select_n3A_760 : vector<16xi1>, vector<16xi32>
        %swap3A_852 = arith.index_cast %mul3A_458 : i32 to index
        %swap3A_853 = tpu.vector_load %arg10[%swap3A_852] {strides = array<i32>} : memref<1600xf32, #tpu.memory_space<vmem>>, vector<16xf32>,
        tpu.vector_store %arg10[%swap3A_852], %select_n3A_847 {strides = array<i32>} : memref<1600xf32, #tpu.memory_space<vmem>>, vector<16xf32>,
        %swap3A_854 = arith.index_cast %mul3A_458 : i32 to index
        %swap3A_855 = tpu.vector_load %arg11[%swap3A_854] {strides = array<i32>} : memref<1600xi32, #tpu.memory_space<vmem>>, vector<16xi32>,
        tpu.vector_store %arg11[%swap3A_854], %select_n3A_851 {strides = array<i32>} : memref<1600xi32, #tpu.memory_space<vmem>>, vector<16xi32>,
        scf.yield %select_n3A_571, %select_n3A_662, %select_n3A_753, %select_n3A_844, %select_n3A_572, %select_n3A_663, %select_n3A_754, %select_n3A_845 : vector<16xf32>, vector<16xf32>, vector<16xf32>, vector<16xf32>, vector<16xi32>, vector<16xi32>, vector<16xi32>, vector<16xi32>
      }
      %scan3A_272 = arith.constant 100 : i32
      %reduce_min3A = arith.constant true
      %reduce_min3A_273 = vector.broadcast %reduce_min3A : i1 to vector<16xi1>
      %reduce_min3A_274 = tpu.scan <min>, %scan3A_271#0 masked %reduce_min3A_273 : vector<16xf32>, vector<16xi1> -> vector<16xf32>
      %reduce_min3A_275 = vector.extract %reduce_min3A_274[15] : f32 from vector<16xf32>
      %eq3A_276 = vector.broadcast %reduce_min3A_275 : f32 to vector<16xf32>
      %eq3A_277 = arith.cmpf oeq, %scan3A_271#0, %eq3A_276 : vector<16xf32>
      %jit3A_278 = arith.constant 1073741824 : i32
      %broadcast_in_dim3A_279 = vector.broadcast %jit3A_278 : i32 to vector<16xi32>
      %select_n3A_280 = arith.select %eq3A_277, %scan3A_271#4, %broadcast_in_dim3A_279 : vector<16xi1>, vector<16xi32>
      %reduce_min3A_281 = arith.constant true
      %reduce_min3A_282 = vector.broadcast %reduce_min3A_281 : i1 to vector<16xi1>
      %reduce_min3A_283 = arith.constant -2147483648 : i32
      %reduce_min3A_284 = vector.broadcast %reduce_min3A_283 : i32 to vector<16xi32>
      %reduce_min3A_285 = arith.xori %select_n3A_280, %reduce_min3A_284 : vector<16xi32>
      %reduce_min3A_286 = tpu.scan <min>, %reduce_min3A_285 masked %reduce_min3A_282 : vector<16xi32>, vector<16xi1> -> vector<16xi32>
      %reduce_min3A_287 = arith.xori %reduce_min3A_286, %reduce_min3A_284 : vector<16xi32>
      %reduce_min3A_288 = vector.extract %reduce_min3A_287[15] : i32 from vector<16xi32>
      %add3A_289 = arith.constant 0 : i32
      %add3A_290 = arith.addi %mul3A_115, %add3A_289 : i32
      %jit3A_291 = arith.constant 16 : i32
      %eq3A_292 = arith.constant 0 : i32
      %eq3A_293 = arith.cmpi eq, %jit3A_291, %eq3A_292 : i32
      %jit3A_294 = arith.constant 1 : i32
      %select_n3A_295 = arith.select %eq3A_293, %jit3A_294, %jit3A_291 : i32
      %rem3A_296 = arith.remsi %add3A_290, %select_n3A_295 : i32
      %ne3A_297 = arith.constant 0 : i32
      %ne3A_298 = arith.cmpi ne, %rem3A_296, %ne3A_297 : i32
      %lt3A_299 = arith.constant 0 : i32
      %lt3A_300 = arith.cmpi slt, %rem3A_296, %lt3A_299 : i32
      %lt3A_301 = arith.constant 0 : i32
      %lt3A_302 = arith.cmpi slt, %select_n3A_295, %lt3A_301 : i32
      %ne3A_303 = arith.xori %lt3A_300, %lt3A_302 : i1
      %and3A_304 = arith.andi %ne3A_303, %ne3A_298 : i1
      %add3A_305 = arith.addi %rem3A_296, %select_n3A_295 : i32
      %select_n3A_306 = arith.select %and3A_304, %add3A_305, %rem3A_296 : i32
      %eq3A_307 = vector.broadcast %select_n3A_306 : i32 to vector<16xi32>
      %eq3A_308 = arith.cmpi eq, %iota3A, %eq3A_307 : vector<16xi32>
      %broadcast_in_dim3A_309 = vector.broadcast %reduce_min3A_288 : i32 to vector<16xi32>
      %select_n3A_310 = arith.select %eq3A_308, %broadcast_in_dim3A_309, %while3A_113 : vector<16xi1>, vector<16xi32>
      %reduce_min3A_311 = arith.constant true
      %reduce_min3A_312 = vector.broadcast %reduce_min3A_311 : i1 to vector<16xi1>
      %reduce_min3A_313 = tpu.scan <min>, %scan3A_271#1 masked %reduce_min3A_312 : vector<16xf32>, vector<16xi1> -> vector<16xf32>
      %reduce_min3A_314 = vector.extract %reduce_min3A_313[15] : f32 from vector<16xf32>
      %eq3A_315 = vector.broadcast %reduce_min3A_314 : f32 to vector<16xf32>
      %eq3A_316 = arith.cmpf oeq, %scan3A_271#1, %eq3A_315 : vector<16xf32>
      %jit3A_317 = arith.constant 1073741824 : i32
      %broadcast_in_dim3A_318 = vector.broadcast %jit3A_317 : i32 to vector<16xi32>
      %select_n3A_319 = arith.select %eq3A_316, %scan3A_271#5, %broadcast_in_dim3A_318 : vector<16xi1>, vector<16xi32>
      %reduce_min3A_320 = arith.constant true
      %reduce_min3A_321 = vector.broadcast %reduce_min3A_320 : i1 to vector<16xi1>
      %reduce_min3A_322 = arith.constant -2147483648 : i32
      %reduce_min3A_323 = vector.broadcast %reduce_min3A_322 : i32 to vector<16xi32>
      %reduce_min3A_324 = arith.xori %select_n3A_319, %reduce_min3A_323 : vector<16xi32>
      %reduce_min3A_325 = tpu.scan <min>, %reduce_min3A_324 masked %reduce_min3A_321 : vector<16xi32>, vector<16xi1> -> vector<16xi32>
      %reduce_min3A_326 = arith.xori %reduce_min3A_325, %reduce_min3A_323 : vector<16xi32>
      %reduce_min3A_327 = vector.extract %reduce_min3A_326[15] : i32 from vector<16xi32>
      %add3A_328 = arith.constant 1 : i32
      %add3A_329 = arith.addi %mul3A_115, %add3A_328 : i32
      %jit3A_330 = arith.constant 16 : i32
      %eq3A_331 = arith.constant 0 : i32
      %eq3A_332 = arith.cmpi eq, %jit3A_330, %eq3A_331 : i32
      %jit3A_333 = arith.constant 1 : i32
      %select_n3A_334 = arith.select %eq3A_332, %jit3A_333, %jit3A_330 : i32
      %rem3A_335 = arith.remsi %add3A_329, %select_n3A_334 : i32
      %ne3A_336 = arith.constant 0 : i32
      %ne3A_337 = arith.cmpi ne, %rem3A_335, %ne3A_336 : i32
      %lt3A_338 = arith.constant 0 : i32
      %lt3A_339 = arith.cmpi slt, %rem3A_335, %lt3A_338 : i32
      %lt3A_340 = arith.constant 0 : i32
      %lt3A_341 = arith.cmpi slt, %select_n3A_334, %lt3A_340 : i32
      %ne3A_342 = arith.xori %lt3A_339, %lt3A_341 : i1
      %and3A_343 = arith.andi %ne3A_342, %ne3A_337 : i1
      %add3A_344 = arith.addi %rem3A_335, %select_n3A_334 : i32
      %select_n3A_345 = arith.select %and3A_343, %add3A_344, %rem3A_335 : i32
      %eq3A_346 = vector.broadcast %select_n3A_345 : i32 to vector<16xi32>
      %eq3A_347 = arith.cmpi eq, %iota3A, %eq3A_346 : vector<16xi32>
      %broadcast_in_dim3A_348 = vector.broadcast %reduce_min3A_327 : i32 to vector<16xi32>
      %select_n3A_349 = arith.select %eq3A_347, %broadcast_in_dim3A_348, %select_n3A_310 : vector<16xi1>, vector<16xi32>
      %reduce_min3A_350 = arith.constant true
      %reduce_min3A_351 = vector.broadcast %reduce_min3A_350 : i1 to vector<16xi1>
      %reduce_min3A_352 = tpu.scan <min>, %scan3A_271#2 masked %reduce_min3A_351 : vector<16xf32>, vector<16xi1> -> vector<16xf32>
      %reduce_min3A_353 = vector.extract %reduce_min3A_352[15] : f32 from vector<16xf32>
      %eq3A_354 = vector.broadcast %reduce_min3A_353 : f32 to vector<16xf32>
      %eq3A_355 = arith.cmpf oeq, %scan3A_271#2, %eq3A_354 : vector<16xf32>
      %jit3A_356 = arith.constant 1073741824 : i32
      %broadcast_in_dim3A_357 = vector.broadcast %jit3A_356 : i32 to vector<16xi32>
      %select_n3A_358 = arith.select %eq3A_355, %scan3A_271#6, %broadcast_in_dim3A_357 : vector<16xi1>, vector<16xi32>
      %reduce_min3A_359 = arith.constant true
      %reduce_min3A_360 = vector.broadcast %reduce_min3A_359 : i1 to vector<16xi1>
      %reduce_min3A_361 = arith.constant -2147483648 : i32
      %reduce_min3A_362 = vector.broadcast %reduce_min3A_361 : i32 to vector<16xi32>
      %reduce_min3A_363 = arith.xori %select_n3A_358, %reduce_min3A_362 : vector<16xi32>
      %reduce_min3A_364 = tpu.scan <min>, %reduce_min3A_363 masked %reduce_min3A_360 : vector<16xi32>, vector<16xi1> -> vector<16xi32>
      %reduce_min3A_365 = arith.xori %reduce_min3A_364, %reduce_min3A_362 : vector<16xi32>
      %reduce_min3A_366 = vector.extract %reduce_min3A_365[15] : i32 from vector<16xi32>
      %add3A_367 = arith.constant 2 : i32
      %add3A_368 = arith.addi %mul3A_115, %add3A_367 : i32
      %jit3A_369 = arith.constant 16 : i32
      %eq3A_370 = arith.constant 0 : i32
      %eq3A_371 = arith.cmpi eq, %jit3A_369, %eq3A_370 : i32
      %jit3A_372 = arith.constant 1 : i32
      %select_n3A_373 = arith.select %eq3A_371, %jit3A_372, %jit3A_369 : i32
      %rem3A_374 = arith.remsi %add3A_368, %select_n3A_373 : i32
      %ne3A_375 = arith.constant 0 : i32
      %ne3A_376 = arith.cmpi ne, %rem3A_374, %ne3A_375 : i32
      %lt3A_377 = arith.constant 0 : i32
      %lt3A_378 = arith.cmpi slt, %rem3A_374, %lt3A_377 : i32
      %lt3A_379 = arith.constant 0 : i32
      %lt3A_380 = arith.cmpi slt, %select_n3A_373, %lt3A_379 : i32
      %ne3A_381 = arith.xori %lt3A_378, %lt3A_380 : i1
      %and3A_382 = arith.andi %ne3A_381, %ne3A_376 : i1
      %add3A_383 = arith.addi %rem3A_374, %select_n3A_373 : i32
      %select_n3A_384 = arith.select %and3A_382, %add3A_383, %rem3A_374 : i32
      %eq3A_385 = vector.broadcast %select_n3A_384 : i32 to vector<16xi32>
      %eq3A_386 = arith.cmpi eq, %iota3A, %eq3A_385 : vector<16xi32>
      %broadcast_in_dim3A_387 = vector.broadcast %reduce_min3A_366 : i32 to vector<16xi32>
      %select_n3A_388 = arith.select %eq3A_386, %broadcast_in_dim3A_387, %select_n3A_349 : vector<16xi1>, vector<16xi32>
      %reduce_min3A_389 = arith.constant true
      %reduce_min3A_390 = vector.broadcast %reduce_min3A_389 : i1 to vector<16xi1>
      %reduce_min3A_391 = tpu.scan <min>, %scan3A_271#3 masked %reduce_min3A_390 : vector<16xf32>, vector<16xi1> -> vector<16xf32>
      %reduce_min3A_392 = vector.extract %reduce_min3A_391[15] : f32 from vector<16xf32>
      %eq3A_393 = vector.broadcast %reduce_min3A_392 : f32 to vector<16xf32>
      %eq3A_394 = arith.cmpf oeq, %scan3A_271#3, %eq3A_393 : vector<16xf32>
      %jit3A_395 = arith.constant 1073741824 : i32
      %broadcast_in_dim3A_396 = vector.broadcast %jit3A_395 : i32 to vector<16xi32>
      %select_n3A_397 = arith.select %eq3A_394, %scan3A_271#7, %broadcast_in_dim3A_396 : vector<16xi1>, vector<16xi32>
      %reduce_min3A_398 = arith.constant true
      %reduce_min3A_399 = vector.broadcast %reduce_min3A_398 : i1 to vector<16xi1>
      %reduce_min3A_400 = arith.constant -2147483648 : i32
      %reduce_min3A_401 = vector.broadcast %reduce_min3A_400 : i32 to vector<16xi32>
      %reduce_min3A_402 = arith.xori %select_n3A_397, %reduce_min3A_401 : vector<16xi32>
      %reduce_min3A_403 = tpu.scan <min>, %reduce_min3A_402 masked %reduce_min3A_399 : vector<16xi32>, vector<16xi1> -> vector<16xi32>
      %reduce_min3A_404 = arith.xori %reduce_min3A_403, %reduce_min3A_401 : vector<16xi32>
      %reduce_min3A_405 = vector.extract %reduce_min3A_404[15] : i32 from vector<16xi32>
      %add3A_406 = arith.constant 3 : i32
      %add3A_407 = arith.addi %mul3A_115, %add3A_406 : i32
      %jit3A_408 = arith.constant 16 : i32
      %eq3A_409 = arith.constant 0 : i32
      %eq3A_410 = arith.cmpi eq, %jit3A_408, %eq3A_409 : i32
      %jit3A_411 = arith.constant 1 : i32
      %select_n3A_412 = arith.select %eq3A_410, %jit3A_411, %jit3A_408 : i32
      %rem3A_413 = arith.remsi %add3A_407, %select_n3A_412 : i32
      %ne3A_414 = arith.constant 0 : i32
      %ne3A_415 = arith.cmpi ne, %rem3A_413, %ne3A_414 : i32
      %lt3A_416 = arith.constant 0 : i32
      %lt3A_417 = arith.cmpi slt, %rem3A_413, %lt3A_416 : i32
      %lt3A_418 = arith.constant 0 : i32
      %lt3A_419 = arith.cmpi slt, %select_n3A_412, %lt3A_418 : i32
      %ne3A_420 = arith.xori %lt3A_417, %lt3A_419 : i1
      %and3A_421 = arith.andi %ne3A_420, %ne3A_415 : i1
      %add3A_422 = arith.addi %rem3A_413, %select_n3A_412 : i32
      %select_n3A_423 = arith.select %and3A_421, %add3A_422, %rem3A_413 : i32
      %eq3A_424 = vector.broadcast %select_n3A_423 : i32 to vector<16xi32>
      %eq3A_425 = arith.cmpi eq, %iota3A, %eq3A_424 : vector<16xi32>
      %broadcast_in_dim3A_426 = vector.broadcast %reduce_min3A_405 : i32 to vector<16xi32>
      %select_n3A_427 = arith.select %eq3A_425, %broadcast_in_dim3A_426, %select_n3A_388 : vector<16xi1>, vector<16xi32>
      %jit3A_428 = arith.constant 16 : i32
      %eq3A_429 = arith.constant 0 : i32
      %eq3A_430 = arith.cmpi eq, %jit3A_428, %eq3A_429 : i32
      %jit3A_431 = arith.constant 1 : i32
      %select_n3A_432 = arith.select %eq3A_430, %jit3A_431, %jit3A_428 : i32
      %rem3A_433 = arith.remsi %mul3A_115, %select_n3A_432 : i32
      %ne3A_434 = arith.constant 0 : i32
      %ne3A_435 = arith.cmpi ne, %rem3A_433, %ne3A_434 : i32
      %lt3A_436 = arith.constant 0 : i32
      %lt3A_437 = arith.cmpi slt, %rem3A_433, %lt3A_436 : i32
      %lt3A_438 = arith.constant 0 : i32
      %lt3A_439 = arith.cmpi slt, %select_n3A_432, %lt3A_438 : i32
      %ne3A_440 = arith.xori %lt3A_437, %lt3A_439 : i1
      %and3A_441 = arith.andi %ne3A_440, %ne3A_435 : i1
      %add3A_442 = arith.addi %rem3A_433, %select_n3A_432 : i32
      %select_n3A_443 = arith.select %and3A_441, %add3A_442, %rem3A_433 : i32
      %eq3A_444 = arith.constant 12 : i32
      %eq3A_445 = arith.cmpi eq, %select_n3A_443, %eq3A_444 : i32
      %convert_element_type3A_446 = arith.extui %eq3A_445 : i1 to i32
      %cond3A = arith.constant 0 : i32
      %cond3A_447 = arith.cmpi ne, %convert_element_type3A_446, %cond3A : i32
      scf.if %cond3A_447 {
        %sub3A_448 = arith.constant 12 : i32
        %sub3A_449 = arith.subi %mul3A_115, %sub3A_448 : i32
        %swap3A_450 = arith.index_cast %sub3A_449 : i32 to index
        %swap3A_451 = tpu.vector_load %arg12[%swap3A_450] {strides = array<i32>} : memref<128xi32, #tpu.memory_space<vmem>>, vector<16xi32>,
        tpu.vector_store %arg12[%swap3A_450], %select_n3A_427 {strides = array<i32>} : memref<128xi32, #tpu.memory_space<vmem>>, vector<16xi32>,
      } else {
      }
      scf.yield %select_n3A_427 : vector<16xi32>
    }
    %sub3A_83 = arith.constant 1 : i32
    %sub3A_84 = arith.subi %add3A_38, %sub3A_83 : i32
    %jit3A_85 = arith.constant 16 : i32
    %div3A_86 = arith.divsi %sub3A_84, %jit3A_85 : i32
    %sign3A_87 = arith.constant 0 : i32
    %sign3A_88 = arith.cmpi sgt, %sub3A_84, %sign3A_87 : i32
    %sign3A_89 = arith.extui %sign3A_88 : i1 to i32
    %sign3A_90 = arith.constant 0 : i32
    %sign3A_91 = arith.cmpi slt, %sub3A_84, %sign3A_90 : i32
    %sign3A_92 = arith.extui %sign3A_91 : i1 to i32
    %sign3A_93 = arith.subi %sign3A_89, %sign3A_92 : i32
    %sign3A_94 = arith.constant 0 : i32
    %sign3A_95 = arith.cmpi sgt, %jit3A_85, %sign3A_94 : i32
    %sign3A_96 = arith.extui %sign3A_95 : i1 to i32
    %sign3A_97 = arith.constant 0 : i32
    %sign3A_98 = arith.cmpi slt, %jit3A_85, %sign3A_97 : i32
    %sign3A_99 = arith.extui %sign3A_98 : i1 to i32
    %sign3A_100 = arith.subi %sign3A_96, %sign3A_99 : i32
    %ne3A_101 = arith.cmpi ne, %sign3A_93, %sign3A_100 : i32
    %rem3A_102 = arith.remsi %sub3A_84, %jit3A_85 : i32
    %ne3A_103 = arith.constant 0 : i32
    %ne3A_104 = arith.cmpi ne, %rem3A_102, %ne3A_103 : i32
    %and3A_105 = arith.andi %ne3A_101, %ne3A_104 : i1
    %sub3A_106 = arith.constant 1 : i32
    %sub3A_107 = arith.subi %div3A_86, %sub3A_106 : i32
    %select_n3A_108 = arith.select %and3A_105, %sub3A_107, %div3A_86 : i32
    %mul3A_109 = arith.constant 16 : i32
    %mul3A_110 = arith.muli %select_n3A_108, %mul3A_109 : i32
    %swap3A = arith.index_cast %mul3A_110 : i32 to index
    %swap3A_111 = tpu.vector_load %arg12[%swap3A] {strides = array<i32>} : memref<128xi32, #tpu.memory_space<vmem>>, vector<16xi32>,
    tpu.vector_store %arg12[%swap3A], %while3A_82 {strides = array<i32>} : memref<128xi32, #tpu.memory_space<vmem>>, vector<16xi32>,
    "tpu.region"() ({
      %run_scoped3A = tpu.sem_alloc : memref<!tpu.dma_semaphore, #tpu.memory_space<semaphore_mem>>
      %dma_start3A = arith.constant 0 : i32
      %dma_start3A_112 = tpu.memref_slice %arg6[%add3A, %dma_start3A] : memref<32x128xi32, #tpu.memory_space<hbm>> -> memref<1x128xi32, #tpu.memory_space<hbm>>
      %dma_start3A_113 = tpu.memref_squeeze %dma_start3A_112 : memref<1x128xi32, #tpu.memory_space<hbm>> -> memref<128xi32, #tpu.memory_space<hbm>>
      %dma_start3A_114 = arith.constant 0 : i32
      %dma_start3A_115 = tpu.memref_slice %arg6[%add3A, %dma_start3A_114] : memref<32x128xi32, #tpu.memory_space<hbm>> -> memref<1x128xi32, #tpu.memory_space<hbm>>
      %dma_start3A_116 = tpu.memref_squeeze %dma_start3A_115 : memref<1x128xi32, #tpu.memory_space<hbm>> -> memref<128xi32, #tpu.memory_space<hbm>>
      tpu.enqueue_dma source(%arg12 : memref<128xi32, #tpu.memory_space<vmem>>) target(%dma_start3A_116 : memref<128xi32, #tpu.memory_space<hbm>>) target_semaphore(%run_scoped3A : memref<!tpu.dma_semaphore, #tpu.memory_space<semaphore_mem>>)
      %dma_wait3A = arith.constant 0 : i32
      %dma_wait3A_117 = tpu.memref_slice %arg6[%add3A, %dma_wait3A] : memref<32x128xi32, #tpu.memory_space<hbm>> -> memref<1x128xi32, #tpu.memory_space<hbm>>
      %dma_wait3A_118 = tpu.memref_squeeze %dma_wait3A_117 : memref<1x128xi32, #tpu.memory_space<hbm>> -> memref<128xi32, #tpu.memory_space<hbm>>
      %dma_wait3A_119 = arith.constant 0 : i32
      %dma_wait3A_120 = tpu.memref_slice %arg6[%add3A, %dma_wait3A_119] : memref<32x128xi32, #tpu.memory_space<hbm>> -> memref<1x128xi32, #tpu.memory_space<hbm>>
      %dma_wait3A_121 = tpu.memref_squeeze %dma_wait3A_120 : memref<1x128xi32, #tpu.memory_space<hbm>> -> memref<128xi32, #tpu.memory_space<hbm>>
      tpu.wait_dma2 semaphore(%run_scoped3A : memref<!tpu.dma_semaphore, #tpu.memory_space<semaphore_mem>>) src(%arg12 : memref<128xi32, #tpu.memory_space<vmem>>) dst(%dma_wait3A_121 : memref<128xi32, #tpu.memory_space<hbm>>)
      tpu.yield
    }) : () -> ()
    "tpu.region"() ({
      %run_scoped3A = tpu.sem_alloc : memref<!tpu.dma_semaphore, #tpu.memory_space<semaphore_mem>>
      %dma_start3A = arith.constant 0 : i32
      %dma_start3A_112 = tpu.memref_slice %arg4[%add3A, %dma_start3A] : memref<32x1600xf32, #tpu.memory_space<hbm>> -> memref<1x1600xf32, #tpu.memory_space<hbm>>
      %dma_start3A_113 = tpu.memref_squeeze %dma_start3A_112 : memref<1x1600xf32, #tpu.memory_space<hbm>> -> memref<1600xf32, #tpu.memory_space<hbm>>
      %dma_start3A_114 = arith.constant 0 : i32
      %dma_start3A_115 = tpu.memref_slice %arg4[%add3A, %dma_start3A_114] : memref<32x1600xf32, #tpu.memory_space<hbm>> -> memref<1x1600xf32, #tpu.memory_space<hbm>>
      %dma_start3A_116 = tpu.memref_squeeze %dma_start3A_115 : memref<1x1600xf32, #tpu.memory_space<hbm>> -> memref<1600xf32, #tpu.memory_space<hbm>>
      tpu.enqueue_dma source(%arg10 : memref<1600xf32, #tpu.memory_space<vmem>>) target(%dma_start3A_116 : memref<1600xf32, #tpu.memory_space<hbm>>) target_semaphore(%run_scoped3A : memref<!tpu.dma_semaphore, #tpu.memory_space<semaphore_mem>>)
      %dma_wait3A = arith.constant 0 : i32
      %dma_wait3A_117 = tpu.memref_slice %arg4[%add3A, %dma_wait3A] : memref<32x1600xf32, #tpu.memory_space<hbm>> -> memref<1x1600xf32, #tpu.memory_space<hbm>>
      %dma_wait3A_118 = tpu.memref_squeeze %dma_wait3A_117 : memref<1x1600xf32, #tpu.memory_space<hbm>> -> memref<1600xf32, #tpu.memory_space<hbm>>
      %dma_wait3A_119 = arith.constant 0 : i32
      %dma_wait3A_120 = tpu.memref_slice %arg4[%add3A, %dma_wait3A_119] : memref<32x1600xf32, #tpu.memory_space<hbm>> -> memref<1x1600xf32, #tpu.memory_space<hbm>>
      %dma_wait3A_121 = tpu.memref_squeeze %dma_wait3A_120 : memref<1x1600xf32, #tpu.memory_space<hbm>> -> memref<1600xf32, #tpu.memory_space<hbm>>
      tpu.wait_dma2 semaphore(%run_scoped3A : memref<!tpu.dma_semaphore, #tpu.memory_space<semaphore_mem>>) src(%arg10 : memref<1600xf32, #tpu.memory_space<vmem>>) dst(%dma_wait3A_121 : memref<1600xf32, #tpu.memory_space<hbm>>)
      tpu.yield
    }) : () -> ()
    "tpu.region"() ({
      %run_scoped3A = tpu.sem_alloc : memref<!tpu.dma_semaphore, #tpu.memory_space<semaphore_mem>>
      %dma_start3A = arith.constant 0 : i32
      %dma_start3A_112 = tpu.memref_slice %arg5[%add3A, %dma_start3A] : memref<32x1600xi32, #tpu.memory_space<hbm>> -> memref<1x1600xi32, #tpu.memory_space<hbm>>
      %dma_start3A_113 = tpu.memref_squeeze %dma_start3A_112 : memref<1x1600xi32, #tpu.memory_space<hbm>> -> memref<1600xi32, #tpu.memory_space<hbm>>
      %dma_start3A_114 = arith.constant 0 : i32
      %dma_start3A_115 = tpu.memref_slice %arg5[%add3A, %dma_start3A_114] : memref<32x1600xi32, #tpu.memory_space<hbm>> -> memref<1x1600xi32, #tpu.memory_space<hbm>>
      %dma_start3A_116 = tpu.memref_squeeze %dma_start3A_115 : memref<1x1600xi32, #tpu.memory_space<hbm>> -> memref<1600xi32, #tpu.memory_space<hbm>>
      tpu.enqueue_dma source(%arg11 : memref<1600xi32, #tpu.memory_space<vmem>>) target(%dma_start3A_116 : memref<1600xi32, #tpu.memory_space<hbm>>) target_semaphore(%run_scoped3A : memref<!tpu.dma_semaphore, #tpu.memory_space<semaphore_mem>>)
      %dma_wait3A = arith.constant 0 : i32
      %dma_wait3A_117 = tpu.memref_slice %arg5[%add3A, %dma_wait3A] : memref<32x1600xi32, #tpu.memory_space<hbm>> -> memref<1x1600xi32, #tpu.memory_space<hbm>>
      %dma_wait3A_118 = tpu.memref_squeeze %dma_wait3A_117 : memref<1x1600xi32, #tpu.memory_space<hbm>> -> memref<1600xi32, #tpu.memory_space<hbm>>
      %dma_wait3A_119 = arith.constant 0 : i32
      %dma_wait3A_120 = tpu.memref_slice %arg5[%add3A, %dma_wait3A_119] : memref<32x1600xi32, #tpu.memory_space<hbm>> -> memref<1x1600xi32, #tpu.memory_space<hbm>>
      %dma_wait3A_121 = tpu.memref_squeeze %dma_wait3A_120 : memref<1x1600xi32, #tpu.memory_space<hbm>> -> memref<1600xi32, #tpu.memory_space<hbm>>
      tpu.wait_dma2 semaphore(%run_scoped3A : memref<!tpu.dma_semaphore, #tpu.memory_space<semaphore_mem>>) src(%arg11 : memref<1600xi32, #tpu.memory_space<vmem>>) dst(%dma_wait3A_121 : memref<1600xi32, #tpu.memory_space<hbm>>)
      tpu.yield
    }) : () -> ()
    return
  }
}

module attributes {stable_mosaic.version = 14 : i64} {
  func.func @_tc_matcher(%arg0: i32, %arg1: i32, %arg2: memref<1x512x4xf32, #tpu.memory_space<vmem>>, %arg3: memref<4x1600xf32, #tpu.memory_space<vmem>>, %arg4: memref<1x1x1600xi32, #tpu.memory_space<vmem>>, %arg5: memref<1x512x1xi32, #tpu.memory_space<vmem>>, %arg6: memref<1x1600xf32, #tpu.memory_space<vmem>>, %arg7: memref<1x1600xi32, #tpu.memory_space<vmem>>) attributes {dimension_semantics = [#tpu.dimension_semantics<arbitrary>, #tpu.dimension_semantics<arbitrary>], iteration_bounds = array<i64: 12, 2>, scalar_prefetch = 0 : i64, scratch_operands = 2 : i64, tpu.core_type = #tpu.core_type<tc>, window_params = [{transform_indices = @transform_0, window_bounds = array<i64: 1, 512, 4>}, {pipeline_mode = #tpu.pipeline_mode<synchronous>, transform_indices = @transform_1, window_bounds = array<i64: 4, 1600>}, {transform_indices = @transform_2, window_bounds = array<i64: 1, 1, 1600>}, {transform_indices = @transform_3, window_bounds = array<i64: 1, 512, 1>}]} {
    %get3A = arith.constant 0 : index
    %get3A_0 = arith.constant 0 : index
    %get3A_1 = arith.constant 0 : index
    %get3A_2 = vector.load %arg2[%get3A, %get3A_0, %get3A_1] : memref<1x512x4xf32, #tpu.memory_space<vmem>>, vector<1x512x1xf32>
    %get3A_3 = vector.shape_cast %get3A_2 : vector<1x512x1xf32> to vector<512x1xf32>
    %get3A_4 = arith.constant 0 : index
    %get3A_5 = arith.constant 0 : index
    %get3A_6 = arith.constant 1 : index
    %get3A_7 = vector.load %arg2[%get3A_4, %get3A_5, %get3A_6] : memref<1x512x4xf32, #tpu.memory_space<vmem>>, vector<1x512x1xf32>
    %get3A_8 = vector.shape_cast %get3A_7 : vector<1x512x1xf32> to vector<512x1xf32>
    %get3A_9 = arith.constant 0 : index
    %get3A_10 = arith.constant 0 : index
    %get3A_11 = arith.constant 2 : index
    %get3A_12 = vector.load %arg2[%get3A_9, %get3A_10, %get3A_11] : memref<1x512x4xf32, #tpu.memory_space<vmem>>, vector<1x512x1xf32>
    %get3A_13 = vector.shape_cast %get3A_12 : vector<1x512x1xf32> to vector<512x1xf32>
    %get3A_14 = arith.constant 0 : index
    %get3A_15 = arith.constant 0 : index
    %get3A_16 = arith.constant 3 : index
    %get3A_17 = vector.load %arg2[%get3A_14, %get3A_15, %get3A_16] : memref<1x512x4xf32, #tpu.memory_space<vmem>>, vector<1x512x1xf32>
    %get3A_18 = vector.shape_cast %get3A_17 : vector<1x512x1xf32> to vector<512x1xf32>
    %mul3A = arith.constant 5.000000e-01 : f32
    %mul3A_19 = vector.broadcast %mul3A : f32 to vector<512x1xf32>
    %mul3A_20 = arith.mulf %mul3A_19, %get3A_13 : vector<512x1xf32>
    %sub3A = arith.subf %get3A_3, %mul3A_20 : vector<512x1xf32>
    %mul3A_21 = arith.constant 5.000000e-01 : f32
    %mul3A_22 = vector.broadcast %mul3A_21 : f32 to vector<512x1xf32>
    %mul3A_23 = arith.mulf %mul3A_22, %get3A_18 : vector<512x1xf32>
    %sub3A_24 = arith.subf %get3A_8, %mul3A_23 : vector<512x1xf32>
    %mul3A_25 = arith.constant 5.000000e-01 : f32
    %mul3A_26 = vector.broadcast %mul3A_25 : f32 to vector<512x1xf32>
    %mul3A_27 = arith.mulf %mul3A_26, %get3A_13 : vector<512x1xf32>
    %add3A = arith.addf %get3A_3, %mul3A_27 : vector<512x1xf32>
    %mul3A_28 = arith.constant 5.000000e-01 : f32
    %mul3A_29 = vector.broadcast %mul3A_28 : f32 to vector<512x1xf32>
    %mul3A_30 = arith.mulf %mul3A_29, %get3A_18 : vector<512x1xf32>
    %add3A_31 = arith.addf %get3A_8, %mul3A_30 : vector<512x1xf32>
    %sub3A_32 = arith.subf %add3A, %sub3A : vector<512x1xf32>
    %sub3A_33 = arith.subf %add3A_31, %sub3A_24 : vector<512x1xf32>
    %mul3A_34 = arith.mulf %sub3A_32, %sub3A_33 : vector<512x1xf32>
    %get3A_35 = arith.constant 0 : index
    %get3A_36 = arith.constant 0 : index
    %get3A_37 = vector.load %arg3[%get3A_35, %get3A_36] : memref<4x1600xf32, #tpu.memory_space<vmem>>, vector<1x1600xf32>
    %get3A_38 = arith.constant 1 : index
    %get3A_39 = arith.constant 0 : index
    %get3A_40 = vector.load %arg3[%get3A_38, %get3A_39] : memref<4x1600xf32, #tpu.memory_space<vmem>>, vector<1x1600xf32>
    %get3A_41 = arith.constant 2 : index
    %get3A_42 = arith.constant 0 : index
    %get3A_43 = vector.load %arg3[%get3A_41, %get3A_42] : memref<4x1600xf32, #tpu.memory_space<vmem>>, vector<1x1600xf32>
    %get3A_44 = arith.constant 3 : index
    %get3A_45 = arith.constant 0 : index
    %get3A_46 = vector.load %arg3[%get3A_44, %get3A_45] : memref<4x1600xf32, #tpu.memory_space<vmem>>, vector<1x1600xf32>
    %mul3A_47 = arith.constant 5.000000e-01 : f32
    %mul3A_48 = vector.broadcast %mul3A_47 : f32 to vector<1x1600xf32>
    %mul3A_49 = arith.mulf %mul3A_48, %get3A_43 : vector<1x1600xf32>
    %sub3A_50 = arith.subf %get3A_37, %mul3A_49 : vector<1x1600xf32>
    %mul3A_51 = arith.constant 5.000000e-01 : f32
    %mul3A_52 = vector.broadcast %mul3A_51 : f32 to vector<1x1600xf32>
    %mul3A_53 = arith.mulf %mul3A_52, %get3A_46 : vector<1x1600xf32>
    %sub3A_54 = arith.subf %get3A_40, %mul3A_53 : vector<1x1600xf32>
    %mul3A_55 = arith.constant 5.000000e-01 : f32
    %mul3A_56 = vector.broadcast %mul3A_55 : f32 to vector<1x1600xf32>
    %mul3A_57 = arith.mulf %mul3A_56, %get3A_43 : vector<1x1600xf32>
    %add3A_58 = arith.addf %get3A_37, %mul3A_57 : vector<1x1600xf32>
    %mul3A_59 = arith.constant 5.000000e-01 : f32
    %mul3A_60 = vector.broadcast %mul3A_59 : f32 to vector<1x1600xf32>
    %mul3A_61 = arith.mulf %mul3A_60, %get3A_46 : vector<1x1600xf32>
    %add3A_62 = arith.addf %get3A_40, %mul3A_61 : vector<1x1600xf32>
    %sub3A_63 = arith.subf %add3A_58, %sub3A_50 : vector<1x1600xf32>
    %sub3A_64 = arith.subf %add3A_62, %sub3A_54 : vector<1x1600xf32>
    %mul3A_65 = arith.mulf %sub3A_63, %sub3A_64 : vector<1x1600xf32>
    %sub3A_66 = vector.broadcast %get3A_3 : vector<512x1xf32> to vector<512x1600xf32>
    %sub3A_67 = vector.broadcast %get3A_37 : vector<1x1600xf32> to vector<512x1600xf32>
    %sub3A_68 = arith.subf %sub3A_66, %sub3A_67 : vector<512x1600xf32>
    %sub3A_69 = vector.broadcast %get3A_8 : vector<512x1xf32> to vector<512x1600xf32>
    %sub3A_70 = vector.broadcast %get3A_40 : vector<1x1600xf32> to vector<512x1600xf32>
    %sub3A_71 = arith.subf %sub3A_69, %sub3A_70 : vector<512x1600xf32>
    %mul3A_72 = arith.mulf %sub3A_68, %sub3A_68 : vector<512x1600xf32>
    %mul3A_73 = arith.mulf %sub3A_71, %sub3A_71 : vector<512x1600xf32>
    %add3A_74 = arith.addf %mul3A_72, %mul3A_73 : vector<512x1600xf32>
    %add3A_75 = arith.constant 9.99999996E-13 : f32
    %add3A_76 = vector.broadcast %add3A_75 : f32 to vector<512x1600xf32>
    %add3A_77 = arith.addf %add3A_74, %add3A_76 : vector<512x1600xf32>
    %sqrt3A = math.sqrt %add3A_77 : vector<512x1600xf32>
    %min3A = vector.broadcast %add3A : vector<512x1xf32> to vector<512x1600xf32>
    %min3A_78 = vector.broadcast %add3A_58 : vector<1x1600xf32> to vector<512x1600xf32>
    %min3A_79 = arith.minimumf %min3A, %min3A_78 : vector<512x1600xf32>
    %max3A = vector.broadcast %sub3A : vector<512x1xf32> to vector<512x1600xf32>
    %max3A_80 = vector.broadcast %sub3A_50 : vector<1x1600xf32> to vector<512x1600xf32>
    %max3A_81 = arith.maximumf %max3A, %max3A_80 : vector<512x1600xf32>
    %sub3A_82 = arith.subf %min3A_79, %max3A_81 : vector<512x1600xf32>
    %max3A_83 = arith.constant 0.000000e+00 : f32
    %max3A_84 = vector.broadcast %max3A_83 : f32 to vector<512x1600xf32>
    %max3A_85 = arith.maximumf %sub3A_82, %max3A_84 : vector<512x1600xf32>
    %min3A_86 = vector.broadcast %add3A_31 : vector<512x1xf32> to vector<512x1600xf32>
    %min3A_87 = vector.broadcast %add3A_62 : vector<1x1600xf32> to vector<512x1600xf32>
    %min3A_88 = arith.minimumf %min3A_86, %min3A_87 : vector<512x1600xf32>
    %max3A_89 = vector.broadcast %sub3A_24 : vector<512x1xf32> to vector<512x1600xf32>
    %max3A_90 = vector.broadcast %sub3A_54 : vector<1x1600xf32> to vector<512x1600xf32>
    %max3A_91 = arith.maximumf %max3A_89, %max3A_90 : vector<512x1600xf32>
    %sub3A_92 = arith.subf %min3A_88, %max3A_91 : vector<512x1600xf32>
    %max3A_93 = arith.constant 0.000000e+00 : f32
    %max3A_94 = vector.broadcast %max3A_93 : f32 to vector<512x1600xf32>
    %max3A_95 = arith.maximumf %sub3A_92, %max3A_94 : vector<512x1600xf32>
    %mul3A_96 = arith.mulf %max3A_85, %max3A_95 : vector<512x1600xf32>
    %add3A_97 = vector.broadcast %mul3A_34 : vector<512x1xf32> to vector<512x1600xf32>
    %add3A_98 = vector.broadcast %mul3A_65 : vector<1x1600xf32> to vector<512x1600xf32>
    %add3A_99 = arith.addf %add3A_97, %add3A_98 : vector<512x1600xf32>
    %sub3A_100 = arith.subf %add3A_99, %mul3A_96 : vector<512x1600xf32>
    %add3A_101 = arith.constant 1.000000e-16 : f32
    %add3A_102 = vector.broadcast %add3A_101 : f32 to vector<512x1600xf32>
    %add3A_103 = arith.addf %sub3A_100, %add3A_102 : vector<512x1600xf32>
    %div3A = arith.divf %mul3A_96, %add3A_103 : vector<512x1600xf32>
    %max3A_104 = vector.broadcast %add3A : vector<512x1xf32> to vector<512x1600xf32>
    %max3A_105 = vector.broadcast %add3A_58 : vector<1x1600xf32> to vector<512x1600xf32>
    %max3A_106 = arith.maximumf %max3A_104, %max3A_105 : vector<512x1600xf32>
    %min3A_107 = vector.broadcast %sub3A : vector<512x1xf32> to vector<512x1600xf32>
    %min3A_108 = vector.broadcast %sub3A_50 : vector<1x1600xf32> to vector<512x1600xf32>
    %min3A_109 = arith.minimumf %min3A_107, %min3A_108 : vector<512x1600xf32>
    %sub3A_110 = arith.subf %max3A_106, %min3A_109 : vector<512x1600xf32>
    %max3A_111 = vector.broadcast %add3A_31 : vector<512x1xf32> to vector<512x1600xf32>
    %max3A_112 = vector.broadcast %add3A_62 : vector<1x1600xf32> to vector<512x1600xf32>
    %max3A_113 = arith.maximumf %max3A_111, %max3A_112 : vector<512x1600xf32>
    %min3A_114 = vector.broadcast %sub3A_24 : vector<512x1xf32> to vector<512x1600xf32>
    %min3A_115 = vector.broadcast %sub3A_54 : vector<1x1600xf32> to vector<512x1600xf32>
    %min3A_116 = arith.minimumf %min3A_114, %min3A_115 : vector<512x1600xf32>
    %sub3A_117 = arith.subf %max3A_113, %min3A_116 : vector<512x1600xf32>
    %mul3A_118 = arith.mulf %sub3A_110, %sub3A_117 : vector<512x1600xf32>
    %add3A_119 = arith.constant 1.000000e-16 : f32
    %add3A_120 = vector.broadcast %add3A_119 : f32 to vector<512x1600xf32>
    %add3A_121 = arith.addf %mul3A_118, %add3A_120 : vector<512x1600xf32>
    %sub3A_122 = arith.subf %add3A_121, %add3A_103 : vector<512x1600xf32>
    %div3A_123 = arith.divf %sub3A_122, %add3A_121 : vector<512x1600xf32>
    %sub3A_124 = arith.subf %div3A, %div3A_123 : vector<512x1600xf32>
    %mul3A_125 = arith.constant 5.000000e+00 : f32
    %mul3A_126 = vector.broadcast %mul3A_125 : f32 to vector<512x1600xf32>
    %mul3A_127 = arith.mulf %mul3A_126, %sqrt3A : vector<512x1600xf32>
    %mul3A_128 = arith.constant 2.000000e+00 : f32
    %mul3A_129 = vector.broadcast %mul3A_128 : f32 to vector<512x1600xf32>
    %mul3A_130 = arith.mulf %mul3A_129, %sub3A_124 : vector<512x1600xf32>
    %sub3A_131 = arith.subf %mul3A_127, %mul3A_130 : vector<512x1600xf32>
    %reduce_min3A = arith.constant dense<0x7F800000> : vector<512xf32>
    %reduce_min3A_132 = vector.multi_reduction <minimumf>, %sub3A_131, %reduce_min3A [1] : vector<512x1600xf32> to vector<512xf32>
    %broadcast_in_dim3A = vector.shape_cast %reduce_min3A_132 : vector<512xf32> to vector<512x1xf32>
    %iota3A = tpu.iota {dimensions = array<i32: 1>} : vector<512x1600xi32>
    %eq3A = vector.broadcast %broadcast_in_dim3A : vector<512x1xf32> to vector<512x1600xf32>
    %eq3A_133 = arith.cmpf oeq, %sub3A_131, %eq3A : vector<512x1600xf32>
    %jit3A = arith.constant 1073741824 : i32
    %broadcast_in_dim3A_134 = vector.broadcast %jit3A : i32 to vector<512x1600xi32>
    %select_n3A = arith.select %eq3A_133, %iota3A, %broadcast_in_dim3A_134 : vector<512x1600xi1>, vector<512x1600xi32>
    %reduce_min3A_135 = arith.constant dense<2147483647> : vector<512xi32>
    %reduce_min3A_136 = vector.multi_reduction <minsi>, %select_n3A, %reduce_min3A_135 [1] : vector<512x1600xi32> to vector<512xi32>
    %broadcast_in_dim3A_137 = vector.shape_cast %reduce_min3A_136 : vector<512xi32> to vector<512x1xi32>
    %swap3A = arith.constant 0 : index
    %swap3A_138 = arith.constant 0 : index
    %swap3A_139 = arith.constant 0 : index
    %swap3A_140 = vector.load %arg5[%swap3A, %swap3A_138, %swap3A_139] : memref<1x512x1xi32, #tpu.memory_space<vmem>>, vector<1x512x1xi32>
    %swap3A_141 = vector.shape_cast %swap3A_140 : vector<1x512x1xi32> to vector<512x1xi32>
    %swap3A_142 = vector.shape_cast %broadcast_in_dim3A_137 : vector<512x1xi32> to vector<1x512x1xi32>
    tpu.vector_store %arg5[%swap3A, %swap3A_138, %swap3A_139], %swap3A_142 {strides = array<i32>} : memref<1x512x1xi32, #tpu.memory_space<vmem>>, vector<1x512x1xi32>,
    %mul3A_143 = arith.constant 512 : i32
    %mul3A_144 = arith.muli %arg1, %mul3A_143 : i32
    %iota3A_145 = tpu.iota {dimensions = array<i32: 0>} : vector<512x1600xi32>
    %add3A_146 = vector.broadcast %mul3A_144 : i32 to vector<512x1600xi32>
    %add3A_147 = arith.addi %add3A_146, %iota3A_145 : vector<512x1600xi32>
    %lt3A = arith.constant 900 : i32
    %lt3A_148 = vector.broadcast %lt3A : i32 to vector<512x1600xi32>
    %lt3A_149 = arith.cmpi slt, %add3A_147, %lt3A_148 : vector<512x1600xi32>
    %jit3A_150 = arith.constant 0x7F800000 : f32
    %broadcast_in_dim3A_151 = vector.broadcast %jit3A_150 : f32 to vector<512x1600xf32>
    %select_n3A_152 = arith.select %lt3A_149, %sub3A_131, %broadcast_in_dim3A_151 : vector<512x1600xi1>, vector<512x1600xf32>
    %reduce_min3A_153 = arith.constant dense<0x7F800000> : vector<1600xf32>
    %reduce_min3A_154 = vector.multi_reduction <minimumf>, %select_n3A_152, %reduce_min3A_153 [0] : vector<512x1600xf32> to vector<1600xf32>
    %broadcast_in_dim3A_155 = vector.shape_cast %reduce_min3A_154 : vector<1600xf32> to vector<1x1600xf32>
    %eq3A_156 = vector.broadcast %broadcast_in_dim3A_155 : vector<1x1600xf32> to vector<512x1600xf32>
    %eq3A_157 = arith.cmpf oeq, %select_n3A_152, %eq3A_156 : vector<512x1600xf32>
    %jit3A_158 = arith.constant 1073741824 : i32
    %broadcast_in_dim3A_159 = vector.broadcast %jit3A_158 : i32 to vector<512x1600xi32>
    %select_n3A_160 = arith.select %eq3A_157, %add3A_147, %broadcast_in_dim3A_159 : vector<512x1600xi1>, vector<512x1600xi32>
    %reduce_min3A_161 = arith.constant dense<2147483647> : vector<1600xi32>
    %reduce_min3A_162 = vector.multi_reduction <minsi>, %select_n3A_160, %reduce_min3A_161 [0] : vector<512x1600xi32> to vector<1600xi32>
    %broadcast_in_dim3A_163 = vector.shape_cast %reduce_min3A_162 : vector<1600xi32> to vector<1x1600xi32>
    %eq3A_164 = arith.constant 0 : i32
    %eq3A_165 = arith.cmpi eq, %arg1, %eq3A_164 : i32
    %convert_element_type3A = arith.extui %eq3A_165 : i1 to i32
    %cond3A = arith.constant 0 : i32
    %cond3A_166 = arith.cmpi ne, %convert_element_type3A, %cond3A : i32
    scf.if %cond3A_166 {
      %swap3A_176 = arith.constant 0 : index
      %swap3A_177 = arith.constant 0 : index
      %swap3A_178 = vector.load %arg6[%swap3A_176, %swap3A_177] : memref<1x1600xf32, #tpu.memory_space<vmem>>, vector<1x1600xf32>
      tpu.vector_store %arg6[%swap3A_176, %swap3A_177], %broadcast_in_dim3A_155 {strides = array<i32>} : memref<1x1600xf32, #tpu.memory_space<vmem>>, vector<1x1600xf32>,
      %swap3A_179 = arith.constant 0 : index
      %swap3A_180 = arith.constant 0 : index
      %swap3A_181 = vector.load %arg7[%swap3A_179, %swap3A_180] : memref<1x1600xi32, #tpu.memory_space<vmem>>, vector<1x1600xi32>
      tpu.vector_store %arg7[%swap3A_179, %swap3A_180], %broadcast_in_dim3A_163 {strides = array<i32>} : memref<1x1600xi32, #tpu.memory_space<vmem>>, vector<1x1600xi32>,
    } else {
    }
    %gt3A = arith.constant 0 : i32
    %gt3A_167 = arith.cmpi sgt, %arg1, %gt3A : i32
    %convert_element_type3A_168 = arith.extui %gt3A_167 : i1 to i32
    %cond3A_169 = arith.constant 0 : i32
    %cond3A_170 = arith.cmpi ne, %convert_element_type3A_168, %cond3A_169 : i32
    scf.if %cond3A_170 {
      %get3A_176 = arith.constant 0 : index
      %get3A_177 = arith.constant 0 : index
      %get3A_178 = vector.load %arg6[%get3A_176, %get3A_177] : memref<1x1600xf32, #tpu.memory_space<vmem>>, vector<1x1600xf32>
      %lt3A_179 = arith.cmpf olt, %broadcast_in_dim3A_155, %get3A_178 : vector<1x1600xf32>
      %get3A_180 = arith.constant 0 : index
      %get3A_181 = arith.constant 0 : index
      %get3A_182 = vector.load %arg6[%get3A_180, %get3A_181] : memref<1x1600xf32, #tpu.memory_space<vmem>>, vector<1x1600xf32>
      %select_n3A_183 = arith.select %lt3A_179, %broadcast_in_dim3A_155, %get3A_182 : vector<1x1600xi1>, vector<1x1600xf32>
      %swap3A_184 = arith.constant 0 : index
      %swap3A_185 = arith.constant 0 : index
      %swap3A_186 = vector.load %arg6[%swap3A_184, %swap3A_185] : memref<1x1600xf32, #tpu.memory_space<vmem>>, vector<1x1600xf32>
      tpu.vector_store %arg6[%swap3A_184, %swap3A_185], %select_n3A_183 {strides = array<i32>} : memref<1x1600xf32, #tpu.memory_space<vmem>>, vector<1x1600xf32>,
      %get3A_187 = arith.constant 0 : index
      %get3A_188 = arith.constant 0 : index
      %get3A_189 = vector.load %arg7[%get3A_187, %get3A_188] : memref<1x1600xi32, #tpu.memory_space<vmem>>, vector<1x1600xi32>
      %select_n3A_190 = arith.select %lt3A_179, %broadcast_in_dim3A_163, %get3A_189 : vector<1x1600xi1>, vector<1x1600xi32>
      %swap3A_191 = arith.constant 0 : index
      %swap3A_192 = arith.constant 0 : index
      %swap3A_193 = vector.load %arg7[%swap3A_191, %swap3A_192] : memref<1x1600xi32, #tpu.memory_space<vmem>>, vector<1x1600xi32>
      tpu.vector_store %arg7[%swap3A_191, %swap3A_192], %select_n3A_190 {strides = array<i32>} : memref<1x1600xi32, #tpu.memory_space<vmem>>, vector<1x1600xi32>,
    } else {
    }
    %eq3A_171 = arith.constant 1 : i32
    %eq3A_172 = arith.cmpi eq, %arg1, %eq3A_171 : i32
    %convert_element_type3A_173 = arith.extui %eq3A_172 : i1 to i32
    %cond3A_174 = arith.constant 0 : i32
    %cond3A_175 = arith.cmpi ne, %convert_element_type3A_173, %cond3A_174 : i32
    scf.if %cond3A_175 {
      %get3A_176 = arith.constant 0 : index
      %get3A_177 = arith.constant 0 : index
      %get3A_178 = vector.load %arg7[%get3A_176, %get3A_177] : memref<1x1600xi32, #tpu.memory_space<vmem>>, vector<1x1600xi32>
      %swap3A_179 = arith.constant 0 : index
      %swap3A_180 = arith.constant 0 : index
      %swap3A_181 = arith.constant 0 : index
      %swap3A_182 = vector.load %arg4[%swap3A_179, %swap3A_180, %swap3A_181] : memref<1x1x1600xi32, #tpu.memory_space<vmem>>, vector<1x1x1600xi32>
      %swap3A_183 = vector.shape_cast %swap3A_182 : vector<1x1x1600xi32> to vector<1x1600xi32>
      %swap3A_184 = vector.shape_cast %get3A_178 : vector<1x1600xi32> to vector<1x1x1600xi32>
      tpu.vector_store %arg4[%swap3A_179, %swap3A_180, %swap3A_181], %swap3A_184 {strides = array<i32>} : memref<1x1x1600xi32, #tpu.memory_space<vmem>>, vector<1x1x1600xi32>,
    } else {
    }
    return
  }
  func.func @transform_0(%arg0: i32, %arg1: i32) -> (i32, i32, i32) {
    %c0_i32 = arith.constant 0 : i32
    %c0_i32_0 = arith.constant 0 : i32
    return %arg0, %arg1, %c0_i32 : i32, i32, i32
  }
  func.func @transform_1(%arg0: i32, %arg1: i32) -> (i32, i32) {
    %c0_i32 = arith.constant 0 : i32
    %c0_i32_0 = arith.constant 0 : i32
    %c0_i32_1 = arith.constant 0 : i32
    return %c0_i32, %c0_i32_0 : i32, i32
  }
  func.func @transform_2(%arg0: i32, %arg1: i32) -> (i32, i32, i32) {
    %c0_i32 = arith.constant 0 : i32
    %c0_i32_0 = arith.constant 0 : i32
    %c0_i32_1 = arith.constant 0 : i32
    return %arg0, %c0_i32, %c0_i32_0 : i32, i32, i32
  }
  func.func @transform_3(%arg0: i32, %arg1: i32) -> (i32, i32, i32) {
    %c0_i32 = arith.constant 0 : i32
    %c0_i32_0 = arith.constant 0 : i32
    return %arg0, %arg1, %c0_i32 : i32, i32, i32
  }
}

</mosaic_0001>

<sc_bundles>
// kernel: gather_offload_async_start
scs
__scs_entry_jumppad:
0x0: {  	(pc) =	sbr.rel $0x88, $3  }
0x1: {  	(tag) =	ssettag $0x0;
	lr =	simm.s32 $0x1  }
0x2: {  	[smem:$0x3F9F] =	sst lr;
	_ =	strace $0xD0000000  }
0x3: {  	_ = 	snop  }
0x4: {  	_ = 	snop  }
0x5: {  	_ = 	snop  }
0x6: {  	_ = 	snop  }
0x7: {  	_ = 	snop  }
__scs_overlays_trampoline_lowered:
0x8: {  	[smem:$0x3FAE] =	sst s0  }
0x9: {  	[smem:$0x3FAF] =	sst s1  }
0xa: {  	[smem:$0x3FB0] =	sst s2  }
0xb: {  	[smem:$0x3FB1] =	sst s3  }
0xc: {  	[smem:$0x3FB2] =	sst s4  }
0xd: {  	[smem:$0x3FB3] =	sst s5  }
0xe: {  	[smem:$0x3FB4] =	sst s6  }
0xf: {  	[smem:$0x3FB5] =	sst s7  }
0x10: {  	[smem:$0x3FB6] =	sst s8  }
0x11: {  	[smem:$0x3FB7] =	sst s9;
	s0 =	simm.s32 @!p0 $0x0  }
0x12: {  	s1 =	sld [smem:$0x3F9D];
	s0 =	simm.s32 @p0 $0x1  }
0x13: {  	[smem:$0x3FB8] =	sst s0;
	s0 =	simm.s32 @!p1 $0x0  }
0x14: {  	s2 =	sld [smem:$0x3F9C];
	s0 =	simm.s32 @p1 $0x1  }
0x15: {  	[smem:$0x3FB9] =	sst s0;
	s0 =	simm.s32 @!p2 $0x0  }
0x16: {  	s3 =	sld [smem:$0x3FDB];
	s0 =	simm.s32 @p2 $0x1  }
0x17: {  	s4 =	simm.s32 $0x1BF5;
	[smem:$0x3FBB] =	sst s0  }
0x18: {  	s0 =	sld [smem:$0x3F9E];
	_ =	swait.ge [sflag:s4], $0x0  }
0x19: {  	s7 =	sld [smem:$0x3F9F]  }
0x1a: {  	s8 =	sadd.s32 $0xFFFFE003, lr  }
0x1b: {  	s9 =	sadd.s32 $0xFFFFFEF7, lr;
	s5 =	simm.s32 $0xFFFFFFFF;
	p2 =	slt.u32 s8, $0xFFFFF086  }
0x1c: {  	p1 =	slt.u32 s9, $0xF7A;
	s5 =	simm.s32 @!p2 $0x0  }
0x1d: {  	s5 =	simm.s32 @p1 $0x1;
	p0 =	seq.s32 s7, s2  }
0x1e: {  	s7 =	smul.u32 @!p0 $0xF7A, s2;
	p2 =	seq.s32 @!p0 s5, $0x0  }
0x1f: {  	s9 =	smul.u32 $0xF7A, s1;
	s8 =	simm.s32 @!p0 $0x1BF5;
	p2 =	por !p2, p0  }
0x20: {  	[sflag:s8] =	ssyncset.s32 @!p0 $0xFFFFF086;
	s6 =	sadd.s32 @!p0 s3, s7;
	s7 =	simm.s32 @!p0 $0x108  }
0x21: {  	s3 =	sadd.s32 s3, s9;
	s6 =	sadd.s32 @!p0 $0x88, s6;
	s7 =	simm.s32 @p2 $0x1082  }
0x22: {  	[simem:s7], [sflag:s8] =	dma.local @!p0 [hbm:s6], $0xF7A  }
0x23: {  	s9 =	sor.u32 $0xD0000000, s2;
	s6 =	simm.s32 $0x108;
	_ =	swait.ge @!p0 [sflag:s8], $0x0  }
0x24: {  	s3 =	sadd.s32 $0x88, s3;
	s6 =	simm.s32 @!p1 $0x1082;
	[sflag:s4] =	ssyncset.s32 $0xFFFFF086  }
0x25: {  	[simem:s6], [sflag:s4] =	dma.local [hbm:s3], $0xF7A  }
0x26: {  	[smem:$0x3F9F] =	sst s1;
	(tag) =	ssettag s2;
	_ =	strace s9  }
0x27: {  	s1 =	sld [smem:$0x3FAF]  }
0x28: {  	s2 =	sld [smem:$0x3FB0]  }
0x29: {  	s4 =	sld [smem:$0x3FB2]  }
0x2a: {  	p0 =	seq.s32 s5, $0x0;
	s5 =	sld [smem:$0x3FB3]  }
0x2b: {  	s6 =	sld [smem:$0x3FB4]  }
0x2c: {  	s7 =	sld [smem:$0x3FB5]  }
0x2d: {  	s3 =	simm.s32 $0x108;
	s8 =	sld [smem:$0x3FB6]  }
0x2e: {  	s3 =	simm.s32 @!p0 $0x1082;
	s9 =	sld [smem:$0x3FB7]  }
0x2f: {  	lr =	sadd.s32 s0, s3;
	s0 =	sld [smem:$0x3FAE]  }
0x30: {  	s3 =	sld [smem:$0x3FB1]  }
0x31: {  	[smem:$0x3FBA] =	sst s10  }
0x32: {  	s10 =	sld [smem:$0x3FB8];
	_ =	sdelay $0x3  }
0x33: {  	p0 =	seq.s32 s10, $0x1;
	s10 =	sld [smem:$0x3FBA];
	_ =	sdelay $0x3  }
0x34: {  	[smem:$0x3FBA] =	sst s10  }
0x35: {  	s10 =	sld [smem:$0x3FB9];
	_ =	sdelay $0x3  }
0x36: {  	p1 =	seq.s32 s10, $0x1;
	s10 =	sld [smem:$0x3FBA];
	_ =	sdelay $0x3  }
0x37: {  	[smem:$0x3FBA] =	sst s10  }
0x38: {  	s10 =	sld [smem:$0x3FBB]  }
0x39: {  	_ = 	snop;
	(pc) =	sbr.ind lr, $3  }
0x3a: {  	_ = 	snop  }
0x3b: {  	_ = 	snop  }
0x3c: {  	p2 =	seq.s32 s10, $0x1;
	s10 =	sld [smem:$0x3FBA]  }
0x3d: {  	_ =	shalt  }
0x3e: {  	_ =	shalt  }
0x3f: {  	_ =	shalt  }
0x40: {  	_ =	shalt  }
0x41: {  	_ =	shalt  }
0x42: {  	_ =	shalt  }
0x43: {  	_ =	shalt  }
0x44: {  	_ =	shalt  }
0x45: {  	_ =	shalt  }
0x46: {  	_ =	shalt  }
0x47: {  	_ =	shalt  }
0x48: {  	_ =	shalt  }
0x49: {  	_ =	shalt  }
0x4a: {  	_ =	shalt  }
0x4b: {  	_ =	shalt  }
0x4c: {  	_ =	shalt  }
0x4d: {  	_ =	shalt  }
0x4e: {  	_ =	shalt  }
0x4f: {  	_ =	shalt  }
0x50: {  	_ =	shalt  }
0x51: {  	_ =	shalt  }
0x52: {  	_ =	shalt  }
0x53: {  	_ =	shalt  }
0x54: {  	_ =	shalt  }
0x55: {  	_ =	shalt  }
0x56: {  	_ =	shalt  }
0x57: {  	_ =	shalt  }
0x58: {  	_ =	shalt  }
0x59: {  	_ =	shalt  }
0x5a: {  	_ =	shalt  }
0x5b: {  	_ =	shalt  }
0x5c: {  	_ =	shalt  }
0x5d: {  	_ =	shalt  }
0x5e: {  	_ =	shalt  }
0x5f: {  	_ =	shalt  }
0x60: {  	_ =	shalt  }
0x61: {  	_ =	shalt  }
0x62: {  	_ =	shalt  }
0x63: {  	_ =	shalt  }
0x64: {  	_ =	shalt  }
0x65: {  	_ =	shalt  }
0x66: {  	_ =	shalt  }
0x67: {  	_ =	shalt  }
0x68: {  	_ =	shalt  }
0x69: {  	_ =	shalt  }
0x6a: {  	_ =	shalt  }
0x6b: {  	_ =	shalt  }
0x6c: {  	_ =	shalt  }
0x6d: {  	_ =	shalt  }
0x6e: {  	_ =	shalt  }
0x6f: {  	_ =	shalt  }
0x70: {  	_ =	shalt  }
0x71: {  	_ =	shalt  }
0x72: {  	_ =	shalt  }
0x73: {  	_ =	shalt  }
0x74: {  	_ =	shalt  }
0x75: {  	_ =	shalt  }
0x76: {  	_ =	shalt  }
0x77: {  	_ =	shalt  }
0x78: {  	_ =	shalt  }
0x79: {  	_ =	shalt  }
0x7a: {  	_ =	shalt  }
0x7b: {  	_ =	shalt  }
0x7c: {  	_ =	shalt  }
0x7d: {  	_ =	shalt  }
0x7e: {  	_ =	shalt  }
0x7f: {  	_ =	shalt  }
0x80: {  	_ =	shalt  }
0x81: {  	_ =	shalt  }
0x82: {  	_ =	shalt  }
0x83: {  	_ =	shalt  }
0x84: {  	_ =	shalt  }
0x85: {  	_ =	shalt  }
0x86: {  	_ =	shalt  }
0x87: {  	_ =	shalt  }
.Lfunc_end0:
.L_simem_size_0:
called_computation_lowered:
.L_overlay_start_0:
0x88: {  	s2 =	sld [smem:$0x3FD9]  }
0x89: {  	s3 =	sld [smem:$0x3FFE];
	_ =	sdelay $0x1  }
0x8a: {  	s1 =	srdreg.scid  }
0x8b: {  	s0 =	sand.u32 $0x1, s1  }
0x8c: {  	s14 =	sshll.u32 s0, $0xA;
	s2 =	sadd.s32 s3, s2  }
0x8d: {  	s2 =	sadd.s32 s2, s14  }
0x8e: {  	[smem:$0x3FC6] =	sst s2  }
0x8f: {  	_ = 	snop  }
0x90: {  	s2 =	sld [smem:$0x3FD0];
	_ =	sdelay $0x2  }
0x91: {  	s15 =	simm.s32 $0xA;
	s4 =	simm.s32 $0x10  }
0x92: {  	[smem:s4], [sflag:s15] =	dma.local [hbm:s2], $0x1  }
0x93: {  	_ =	swait.eq [sflag:s15], $0x1  }
0x94: {  	[sflag:s15] =	ssyncset.done $0x0  }
0x95: {  	[sflag:s15] =	ssyncadd.s32 $0xFFFFFFFF  }
0x96: {  	s16 =	sld [smem:$0x10];
	(tm) =	ssettm $0x1  }
0x97: {  	s17 =	sld [smem:$0x3FFB];
	_ =	sdelay $0x3  }
0x98: {  	_ =	strace s17  }
0x99: {  	s3 =	sld [smem:$0x3FFC];
	_ =	sdelay $0x3  }
0x9a: {  	_ =	strace s3  }
0x9b: {  	s3 =	sld [smem:$0x3FFD];
	_ =	sdelay $0x3  }
0x9c: {  	_ =	strace s3  }
0x9d: {  	_ =	strace $0x8FFFFFFF  }
0x9e: {  	s18 =	sld [smem:$0x3FDB];
	_ =	sdelay $0x1  }
0x9f: {  	s19 =	simm.s32 $_scs_section_size  }
0xa0: {  	s5 =	simm.s32 $_size__tile_overlayer_lowered;
	s6 =	simm.s32 $_tile_overlayer_lowered  }
0xa1: {  	s22 =	simm.s32 $0x1BFF;
	s21 =	sshll.u32 s6, $0x1;
	s3 =	sadd.s32 s19, s18  }
0xa2: {  	s7 =	simm.s32 $0x0;
	s20 =	sshll.u32 s5, $0x1;
	s5 =	sadd.s32 s21, s3  }
0xa3: {  	[timem:s7], [sflag:s22] =	dma.local [hbm:s5], s20  }
0xa4: {  	_ =	swait.ge [sflag:s22], s20  }
0xa5: {  	s4 =	ssub.s32 $0x0, s20;
	[sflag:s22] =	ssyncset.done $0x0  }
0xa6: {  	[sflag:s22] =	ssyncadd.s32 s4;
	_ =	sdelay $0x1  }
0xa7: {  	s23 =	simm.s32 $0x1B8B  }
0xa8: {  	_ =	swait.ge [sflag:s23], $0x1  }
0xa9: {  	[sflag:s23] =	ssyncset.done $0x0  }
0xaa: {  	s25 =	simm.s32 $0x1B8E;
	s24 =	sld [smem:$0x3FFE];
	[sflag:s23] =	ssyncadd.s32 $0xFFFFFFFF  }
0xab: {  	s26 =	simm.s32 $execute0_lowered;
	[smem:$0x3FD2] =	sst s25  }
0xac: {  	s5 =	sshll.u32 s26, $0x1;
	_ =	strace $0x80000049;
	[dreg:$0x1] =	wrdreg $0xFFFFFFFF  }
0xad: {  	s28 =	simm.s32 $_size_execute0_lowered;
	s3 =	sadd.s32 s3, s5;
	[dreg:$0x0] =	wrdreg $0x0  }
0xae: {  	s5 =	sshll.u32 s28, $0x1;
	[dreg:$0x2] =	wrdreg s3  }
0xaf: {  	[dreg:$0x3] =	wrdreg s5  }
0xb0: {  	[dreg:$0x4] =	wrdreg $0xC0  }
0xb1: {  	_ =	task [dreg:s7], $0x5FFFF  }
0xb2: {  	[dreg:$0x1] =	wrdreg $0xFFFFFFFF  }
0xb3: {  	[dreg:$0x0] =	wrdreg $0x60  }
0xb4: {  	[dreg:$0x2] =	wrdreg s24  }
0xb5: {  	[dreg:$0x3] =	wrdreg s16  }
0xb6: {  	[dreg:$0x4] =	wrdreg $0x9  }
0xb7: {  	_ =	task.clear_ibuf [dreg:s7], $0x5FFFF;
	_ =	strace $0x90000049  }
0xb8: {  	s29 =	simm.s32 $0x9;
	_ =	strace $0x8000004B  }
0xb9: {  	_ =	swait.ge [sflag:s29], $0x1  }
0xba: {  	[sflag:s29] =	ssyncadd.s32 $0xFFFFFFFF  }
0xbb: {  	_ =	strace $0x9000004B  }
0xbc: {  	_ =	sfence  }
0xbd: {  	s30 =	sld [smem:$0x0];
	_ =	sdelay $0x2  }
0xbe: {  	s31 =	sshll.u32 s1, $0xD;
	s1 =	sshrl.u32 s1, $0x2  }
0xbf: {  	s3 =	sand.u32 $0x4000, s31;
	s1 =	sadd.s32 s1, s30  }
0xc0: {  	s0 =	sor.u32 s3, s0;
	s1 =	sshll.u32 s1, $0x11  }
0xc1: {  	s0 =	sor.u32 s1, s0  }
0xc2: {  	s0 =	sadd.s32 $0x8F2B, s0  }
0xc3: {  	[sflag:s0] =	ssyncadd.remote.s32 $0x1  }
0xc4: {  	_ =	sfence.sel $0xFFFF  }
0xc5: {  	[dreg:$0x0] =	wrdreg $0xFFFFFFFF;
	(pc) =	sbr.abs _section_cstart, $3  }
0xc6: {  	[dreg:$0x1] =	wrdreg $0xFFFFFFFF  }
0xc7: {  	_ =	task.clear_ibuf [dreg:s7], $0x2FFFF;
	_ =	strace $0x9FFFFFFF  }
0xc8: {  	(tm) =	ssettm $0x7FFFFFFF  }
0xc9: {  	_ =	shalt  }
tec
execute0_lowered:
.L_overlay_start_1:
0x0: {  	(tag) =	ssettag $0x1  }
0x1: {  	s2 =	rddreg [dreg:$0x0]  }
0x2: {  	s0 =	stileid.u32;
	s1 =	srdreg.scid  }
0x3: {  	s3 =	rddreg [dreg:$0x1];
	s8 =	simm.s32 $0x1;
	s9 =	simm.s32 $0x3  }
0x4: {  	s10 =	simm.s32 $0x0;
	s4 =	sand.u32 $0x1, s1;
	s5 =	sshll.u32 s0, $0x1  }
0x5: {  	s13 =	simm.s32 $0x0;
	s12 =	simm.s32 $0x0;
	s6 =	sor.u32 s5, s4  }
0x6: {  	s1 =	rddreg [dreg:$0x2];
	_ =	strace $0x8000004A;
	s4 =	smul.u32 $0xA0, s6  }
0x7: {  	s5 =	simm.s32 $0x1;
	p0 =	slt.u32 s6, $0x9;
	s6 =	simm.s32 $0x1400  }
.Ltmp0:
0x8: {  	s6 =	simm.s32 @!p0 $0x0;
	s7 =	ssub.s32 $0x1900, s4;
	(pc) =	sbr.rel .LBB2_1-.Ltmp0, $4  }
0x9: {  	s8 =	simm.s32 @!p0 $0x0;
	p0 =	sne.s32 s7, s6;
	s7 =	simm.s32 $0x1  }
0xa: {  	[sflag:s5] =	ssyncpa.u1 $0x0;
	s6 =	simm.s32 $0x2;
	s7 =	simm.s32 @!p0 $0x0  }
0xb: {  	s11 =	smov.u32 s4;
	[sflag:s6] =	ssyncpa.u1 $0x0;
	s7 =	sadd.s32 s8, s7  }
0xc: {  	vm0 =	vmmov $0xffff;
	s8 =	sadd.s32 $0x1C00, s2;
	[sflag:s9] =	ssyncpa.u1 $0x0;
	s9 =	sadd.s32 $0x1, s7  }
.LBB2_4:
0xd: {  	v6 =	vand.u32 $0x7F, v3;
	v4 =	vsel vm1, $0xFFFFCC00, v4  }
0xe: {  	v5 =	vmul.u32 $0x3400, v5;
	vm1 =	vmmov vm2;
	v56 =	vshll.u32 v3, $0x3  }
0xf: {  	v7 =	vand.u32 $0x3, v1;
	v2 =	vshll.u32 v2, $0x7;
	v57 =	vshrl.u32 v1, $0xD  }
0x10: {  	v58 =	vshrl.u32 v1, $0x2;
	v4 =	vor.u32 v4, v6;
	v3 =	vand.u32 $0xFFFFFC00, v56  }
0x11: {  	v2 =	vand.u32 $0x380, v2;
	v4 =	vadd.s32 v5, v4;
	v5 =	vand.u32 $0x7, v57  }
0x12: {  	v1 =	vand.u32 $0x7FF, v58;
	v59 =	vmul.u32 $0x3400, v7;
	v5 =	vsel vm1, $0xFFFFFFFF, v5  }
0x13: {  	v1 =	vsel vm1, $0xFFFFFFFF, v1;
	v3 =	vadd.s32 v3, v4;
	v60 =	vshrl.u32 v5, $0x3  }
0x14: {  	v61 =	vand.u32 $0x7F, v1;
	v6 =	vsel vm1, $0xFFFFCC00, v59;
	v4 =	vmul.u32 $0x3400, v60  }
0x15: {  	v1 =	vshll.u32 v1, $0x3;
	v2 =	vor.u32 v2, v3;
	v62 =	vor.u32 v6, v61  }
0x16: {  	v1 =	vand.u32 $0xFFFFFC00, v1;
	v5 =	vshll.u32 v5, $0x7;
	v3 =	vadd.s32 v4, v62  }
0x17: {  	v63 =	vand.u32 $0x380, v5;
	v1 =	vadd.s32 v1, v3  }
0x18: {  	(ifvalue) =	ssetifvalue $0x7FFFFFFF;
	s15 =	sadd.s32 $0x10, s15;
	v1 =	vor.u32 v63, v1  }
0x19: {  	[tilespmem:s15], [sflag:$0x1] =	stream.indirect_vreg.gather [hbm4b:s8+s10], $0x1, v0, vm0, $0x4038;
	[tilespmem:$0x280] =	vst v63  }
0x1a: {  	(ifvalue) =	ssetifvalue $0x7FFFFFFF;
	s15 =	sadd.s32 $0x10, s15  }
0x1b: {  	[tilespmem:s15], [sflag:$0x1] =	stream.indirect_vreg.gather [hbm4b:s8+s10], $0x1, v2, vm0, $0x4038;
	[tilespmem:$0x280] =	vst v63  }
0x1c: {  	(ifvalue) =	ssetifvalue $0x7FFFFFFF;
	s15 =	sadd.s32 $0x10, s15  }
0x1d: {  	[tilespmem:s15], [sflag:$0x1] =	stream.indirect_vreg.gather [hbm4b:s8+s10], $0x1, v1, vm0, $0x4038;
	[tilespmem:$0x280] =	vst v63  }
0x1e: {  	_ =	swait.ge [sflag:s5], $0xA0  }
0x1f: {  	s30 =	sshrl.u32 s13, $0x3;
	[sflag:s5] =	ssyncset.done $0x0  }
0x20: {  	s31 =	sand.u32 $0x7, s13;
	s15 =	sadd.s32 s2, s30;
	[sflag:s5] =	ssyncadd.s32 $0xFFFFFF60  }
0x21: {  	[hbm4b:s15+s31] =	stream.linear.scatter [tilespmem:s14], [sflag:$0x3], $0xA0, $0x38;
	[tilespmem:$0x280] =	vst v63  }
.LBB2_5:
0x22: {  	s15 =	sadd.s32 $0x1400, s11  }
0x23: {  	p1 =	sgt.s32 s15, $0x18FF  }
0x24: {  	s15 =	smov.u32 @p1 s4;
	p1 =	sne.s32 s12, s9  }
.Ltmp1:
0x25: {  	p0 =	slt.u32 s12, $0x2;
	(pc) =	sbr.rel @!p1 .LBB2_6-.Ltmp1, $4  }
0x26: {  	s14 =	simm.s32 @!p0 $0x3  }
0x27: {  	_ =	swait.ge @!p0 [sflag:s14], $0xA0  }
0x28: {  	s16 =	sadd.s32 $0x1, s12;
	s13 =	smov.u32 s11;
	[sflag:s14] =	ssyncset.done @!p0 $0x0  }
0x29: {  	s12 =	smov.u32 s16;
	s11 =	smov.u32 s15;
	[sflag:s14] =	ssyncadd.s32 @!p0 $0xFFFFFF60  }
.LBB2_1:
0x2a: {  	p0 =	sge.u32 s12, s7  }
0x2b: {  	s14 =	sxor.u32 @!p0 $0x1, s12  }
0x2c: {  	s14 =	smul.u32 @!p0 $0x280, s14  }
0x2d: {  	s31 =	sadd.s32 $0xFFFFFFFF, s12;
	s15 =	sshrl.u32 @!p0 s11, $0x3  }
0x2e: {  	s16 =	sand.u32 @!p0 $0x7, s11;
	s15 =	sadd.s32 @!p0 s3, s15;
	s14 =	sshra.s32 @!p0 s14, $0x2  }
0x2f: {  	[tilespmem:s14], [sflag:$0x2] =	stream.linear.gather @!p0 [hbm4b:s15+s16], $0xA0, $0x38;
	[tilespmem:$0x280] =	vst v63  }
0x30: {  	p0 =	sge.u32 s31, s7  }
.Ltmp2:
0x31: {  	_ = 	snop;
	(pc) =	sbr.rel @p0 .LBB2_5-.Ltmp2, $1  }
0x32: {  	_ =	sdelay $0x3  }
0x33: {  	s14 =	sand.u32 $0x1, s12  }
0x34: {  	_ =	swait.ge [sflag:s6], $0xA0;
	p0 =	seq.s32 s14, $0x1;
	s14 =	simm.s32 $0xA0  }
0x35: {  	[sflag:s6] =	ssyncset.done $0x0;
	s14 =	simm.s32 @!p0 $0x0  }
0x36: {  	[sflag:s6] =	ssyncadd.s32 $0xFFFFFF60;
	(ifvalue) =	ssetifvalue $0x7FFFFFFF;
	v0 =	vld.msk [tilespmem:s14+$0x0 ss:$0x1], $0xffff;
	_ =	sdelay $0x1  }
0x37: {  	s15 =	sadd.s32 $0x10, s14  }
0x38: {  	v1 =	vld.msk [tilespmem:s15+$0x0 ss:$0x1], $0xffff;
	s15 =	sadd.s32 $0x10, s15  }
0x39: {  	v6 =	vld.msk [tilespmem:s15+$0x0 ss:$0x1], $0xffff  }
0x3a: {  	vm1 =	veq.s32 v0, $0x80000000;
	v2 =	vand.u32 $0x3, v0  }
0x3b: {  	v3 =	vshrl.u32 v0, $0xD;
	v0 =	vshrl.u32 v0, $0x2;
	vm1 =	vmmov vm1  }
0x3c: {  	v3 =	vand.u32 $0x7, v3;
	v0 =	vand.u32 $0x7FF, v0;
	v2 =	vmul.u32 $0x3400, v2  }
0x3d: {  	vm2 =	veq.s32 v1, $0x80000000;
	v7 =	vand.u32 $0x3, v1;
	v3 =	vsel vm1, $0xFFFFFFFF, v3  }
0x3e: {  	v0 =	vsel vm1, $0xFFFFFFFF, v0;
	v8 =	vand.u32 $0x3, v6;
	v4 =	vshrl.u32 v3, $0x3  }
0x3f: {  	v5 =	vand.u32 $0x7F, v0;
	v2 =	vsel vm1, $0xFFFFCC00, v2;
	vm1 =	vmmov vm2  }
0x40: {  	v0 =	vshll.u32 v0, $0x3;
	v3 =	vshll.u32 v3, $0x7;
	v4 =	vmul.u32 $0x3400, v4  }
0x41: {  	v2 =	vor.u32 v2, v5;
	v0 =	vand.u32 $0xFFFFFC00, v0;
	v3 =	vand.u32 $0x380, v3  }
0x42: {  	v2 =	vadd.s32 v4, v2;
	v4 =	vshrl.u32 v1, $0xD;
	v1 =	vshrl.u32 v1, $0x2  }
0x43: {  	v0 =	vadd.s32 v0, v2;
	v2 =	vand.u32 $0x7, v4;
	v1 =	vand.u32 $0x7FF, v1  }
0x44: {  	v0 =	vor.u32 v3, v0;
	v2 =	vsel vm1, $0xFFFFFFFF, v2;
	v3 =	vmul.u32 $0x3400, v7  }
0x45: {  	vm2 =	veq.s32 v6, $0x80000000;
	v4 =	vsel vm1, $0xFFFFFFFF, v1;
	v1 =	vshrl.u32 v2, $0x3  }
0x46: {  	s15 =	sadd.s32 $0x10, s15;
	v5 =	vand.u32 $0x7F, v4;
	v3 =	vsel vm1, $0xFFFFCC00, v3;
	v7 =	vmul.u32 $0x3400, v1  }
0x47: {  	v4 =	vshll.u32 v4, $0x3;
	v2 =	vshll.u32 v2, $0x7;
	v1 =	vld.msk [tilespmem:s15+$0x0 ss:$0x1], $0xffff;
	v3 =	vor.u32 v3, v5  }
0x48: {  	vm1 =	vmmov vm2;
	v4 =	vand.u32 $0xFFFFFC00, v4;
	v3 =	vadd.s32 v7, v3  }
0x49: {  	s14 =	sor.u32 $0x140, s14;
	(ifvalue) =	ssetifvalue $0x7FFFFFFF;
	v2 =	vand.u32 $0x380, v2;
	v5 =	vshrl.u32 v6, $0xD;
	v3 =	vadd.s32 v4, v3  }
0x4a: {  	v5 =	vand.u32 $0x7, v5;
	[tilespmem:s14], [sflag:$0x1] =	stream.indirect_vreg.gather [hbm4b:s8+s10], $0x1, v0, vm0, $0x4038;
	v4 =	vshrl.u32 v6, $0x2;
	v0 =	vor.u32 v2, v3;
	[tilespmem:$0x280] =	vst v63  }
0x4b: {  	v3 =	vand.u32 $0x7FF, v4;
	v2 =	vsel vm1, $0xFFFFFFFF, v5;
	v4 =	vmul.u32 $0x3400, v8  }
0x4c: {  	s16 =	simm.s32 $0x30;
	s17 =	sadd.s32 $0x10, s15;
	s15 =	smov.u32 s14;
	vm2 =	veq.s32 v1, $0x80000000;
	v3 =	vsel vm1, $0xFFFFFFFF, v3;
	v5 =	vshrl.u32 v2, $0x3  }
.LBB2_3:
0x4d: {  	v7 =	vand.u32 $0x7F, v3  }
0x4e: {  	v6 =	vld.msk [tilespmem:s17+$0x0 ss:$0x1], $0xffff;
	v4 =	vsel vm1, $0xFFFFCC00, v4;
	v5 =	vmul.u32 $0x3400, v5;
	vm1 =	vmmov vm2;
	s16 =	sadd.s32 $0x10, s16  }
0x4f: {  	v8 =	vand.u32 $0x3, v1;
	v3 =	vshll.u32 v3, $0x3;
	s15 =	sadd.s32 $0x10, s15;
	v4 =	vor.u32 v4, v7;
	(ifvalue) =	ssetifvalue $0x7FFFFFFF;
	p0 =	slt.u32 s16, $0x90  }
0x50: {  	[tilespmem:s15], [sflag:$0x1] =	stream.indirect_vreg.gather [hbm4b:s8+s10], $0x1, v0, vm0, $0x4038;
	[tilespmem:$0x280] =	vst v63  }
.Ltmp3:
0x51: {  	v2 =	vshll.u32 v2, $0x7;
	v3 =	vand.u32 $0xFFFFFC00, v3;
	v4 =	vadd.s32 v5, v4;
	(pc) =	sbr.rel @p0 .LBB2_3-.Ltmp3, $4  }
0x52: {  	v2 =	vand.u32 $0x380, v2;
	v0 =	vshrl.u32 v1, $0xD;
	v3 =	vadd.s32 v3, v4  }
0x53: {  	v9 =	vshrl.u32 v1, $0x2;
	v4 =	vand.u32 $0x7, v0;
	v0 =	vor.u32 v2, v3  }
0x54: {  	v7 =	vand.u32 $0x7FF, v9;
	v2 =	vsel vm1, $0xFFFFFFFF, v4;
	v4 =	vmul.u32 $0x3400, v8  }
0x55: {  	s17 =	sadd.s32 $0x10, s17;
	v3 =	vsel vm1, $0xFFFFFFFF, v7;
	vm2 =	veq.s32 v6, $0x80000000;
	v5 =	vshrl.u32 v2, $0x3;
	v1 =	vmovc v6  }
.Ltmp4:
0x56: {  	_ = 	snop;
	(pc) =	sbr.rel .LBB2_4-.Ltmp4, $1  }
0x57: {  	_ =	sdelay $0x3  }
.LBB2_6:
0x58: {  	_ =	sfence.sel $0x180000  }
0x59: {  	s2 =	simm.s32 $0x2;
	[bflag:$0x0] =	sbarrier.arrive $0xFFFF  }
0x5a: {  	s30 =	simm.s32 $0x3;
	[sflag:s2] =	ssyncpa.u1 $0x1  }
0x5b: {  	s31 =	simm.s32 $0x1;
	[sflag:s30] =	ssyncpa.u1 $0x1  }
0x5c: {  	[sflag:s31] =	ssyncpa.u1 $0x1  }
0x5d: {  	p0 =	sne.s32 s0, $0x0;
	_ =	strace $0x9000004A  }
0x5e: {  	s0 =	sadd.s32 @!p0 $0x100000, s1;
	[bflag:$0x2] =	sbarrier.arrive $0xFFFF  }
0x5f: {  	[sflag:s0] =	ssyncadd.tile.s32 @!p0 $0x1;
	_ =	shalt  }
.Lfunc_end2:
_tile_overlayer_lowered:
.L_overlay_start_2:
0x60: {  	(tag) =	ssettag $0x2  }
0x61: {  	s0 =	rddreg [dreg:$0x0];
	s2 =	stileid.u32  }
0x62: {  	s1 =	rddreg [dreg:$0x1];
	p0 =	sne.s32 s2, $0x0  }
0x63: {  	s3 =	rddreg [dreg:$0x2];
	[bflag:$0x3] =	sbarrier.arrive $0xFFFF;
	s2 =	simm.s32 @!p0 $0x1C01  }
0x64: {  	[timem:s3], [sflag:s2] =	dma.local @!p0 [hbm:s0], s1  }
0x65: {  	s0 =	simm.s32 @!p0 $0x1  }
0x66: {  	_ =	swait.ge @!p0 [sflag:s0], s1  }
0x67: {  	s1 =	ssub.s32 @!p0 $0x0, s1;
	[sflag:s0] =	ssyncset.done @!p0 $0x0  }
0x68: {  	[sflag:s0] =	ssyncadd.s32 @!p0 s1  }
0x69: {  	[bflag:$0x3] =	sbarrier.arrive $0xFFFF  }
0x6a: {  	_ =	shalt  }

// kernel: kernel.4.cloned.1.call-start
scs
__scs_entry_jumppad:
0x0: {  	(pc) =	sbr.rel $0x88, $3  }
0x1: {  	(tag) =	ssettag $0x0;
	lr =	simm.s32 $0x1  }
0x2: {  	[smem:$0x3F9F] =	sst lr;
	_ =	strace $0xD0000000  }
0x3: {  	_ = 	snop  }
0x4: {  	_ = 	snop  }
0x5: {  	_ = 	snop  }
0x6: {  	_ = 	snop  }
0x7: {  	_ = 	snop  }
__scs_overlays_trampoline_lowered:
0x8: {  	[smem:$0x3FAE] =	sst s0  }
0x9: {  	[smem:$0x3FAF] =	sst s1  }
0xa: {  	[smem:$0x3FB0] =	sst s2  }
0xb: {  	[smem:$0x3FB1] =	sst s3  }
0xc: {  	[smem:$0x3FB2] =	sst s4  }
0xd: {  	[smem:$0x3FB3] =	sst s5  }
0xe: {  	[smem:$0x3FB4] =	sst s6  }
0xf: {  	[smem:$0x3FB5] =	sst s7  }
0x10: {  	[smem:$0x3FB6] =	sst s8  }
0x11: {  	[smem:$0x3FB7] =	sst s9;
	s0 =	simm.s32 @!p0 $0x0  }
0x12: {  	s1 =	sld [smem:$0x3F9D];
	s0 =	simm.s32 @p0 $0x1  }
0x13: {  	[smem:$0x3FB8] =	sst s0;
	s0 =	simm.s32 @!p1 $0x0  }
0x14: {  	s2 =	sld [smem:$0x3F9C];
	s0 =	simm.s32 @p1 $0x1  }
0x15: {  	[smem:$0x3FB9] =	sst s0;
	s0 =	simm.s32 @!p2 $0x0  }
0x16: {  	s3 =	sld [smem:$0x3FDB];
	s0 =	simm.s32 @p2 $0x1  }
0x17: {  	s4 =	simm.s32 $0x1BF5;
	[smem:$0x3FBB] =	sst s0  }
0x18: {  	s0 =	sld [smem:$0x3F9E];
	_ =	swait.ge [sflag:s4], $0x0  }
0x19: {  	s7 =	sld [smem:$0x3F9F]  }
0x1a: {  	s8 =	sadd.s32 $0xFFFFE003, lr  }
0x1b: {  	s9 =	sadd.s32 $0xFFFFFEF7, lr;
	s5 =	simm.s32 $0xFFFFFFFF;
	p2 =	slt.u32 s8, $0xFFFFF086  }
0x1c: {  	p1 =	slt.u32 s9, $0xF7A;
	s5 =	simm.s32 @!p2 $0x0  }
0x1d: {  	s5 =	simm.s32 @p1 $0x1;
	p0 =	seq.s32 s7, s2  }
0x1e: {  	s7 =	smul.u32 @!p0 $0xF7A, s2;
	p2 =	seq.s32 @!p0 s5, $0x0  }
0x1f: {  	s9 =	smul.u32 $0xF7A, s1;
	s8 =	simm.s32 @!p0 $0x1BF5;
	p2 =	por !p2, p0  }
0x20: {  	[sflag:s8] =	ssyncset.s32 @!p0 $0xFFFFF086;
	s6 =	sadd.s32 @!p0 s3, s7;
	s7 =	simm.s32 @!p0 $0x108  }
0x21: {  	s3 =	sadd.s32 s3, s9;
	s6 =	sadd.s32 @!p0 $0x88, s6;
	s7 =	simm.s32 @p2 $0x1082  }
0x22: {  	[simem:s7], [sflag:s8] =	dma.local @!p0 [hbm:s6], $0xF7A  }
0x23: {  	s9 =	sor.u32 $0xD0000000, s2;
	s6 =	simm.s32 $0x108;
	_ =	swait.ge @!p0 [sflag:s8], $0x0  }
0x24: {  	s3 =	sadd.s32 $0x88, s3;
	s6 =	simm.s32 @!p1 $0x1082;
	[sflag:s4] =	ssyncset.s32 $0xFFFFF086  }
0x25: {  	[simem:s6], [sflag:s4] =	dma.local [hbm:s3], $0xF7A  }
0x26: {  	[smem:$0x3F9F] =	sst s1;
	(tag) =	ssettag s2;
	_ =	strace s9  }
0x27: {  	s1 =	sld [smem:$0x3FAF]  }
0x28: {  	s2 =	sld [smem:$0x3FB0]  }
0x29: {  	s4 =	sld [smem:$0x3FB2]  }
0x2a: {  	p0 =	seq.s32 s5, $0x0;
	s5 =	sld [smem:$0x3FB3]  }
0x2b: {  	s6 =	sld [smem:$0x3FB4]  }
0x2c: {  	s7 =	sld [smem:$0x3FB5]  }
0x2d: {  	s3 =	simm.s32 $0x108;
	s8 =	sld [smem:$0x3FB6]  }
0x2e: {  	s3 =	simm.s32 @!p0 $0x1082;
	s9 =	sld [smem:$0x3FB7]  }
0x2f: {  	lr =	sadd.s32 s0, s3;
	s0 =	sld [smem:$0x3FAE]  }
0x30: {  	s3 =	sld [smem:$0x3FB1]  }
0x31: {  	[smem:$0x3FBA] =	sst s10  }
0x32: {  	s10 =	sld [smem:$0x3FB8];
	_ =	sdelay $0x3  }
0x33: {  	p0 =	seq.s32 s10, $0x1;
	s10 =	sld [smem:$0x3FBA];
	_ =	sdelay $0x3  }
0x34: {  	[smem:$0x3FBA] =	sst s10  }
0x35: {  	s10 =	sld [smem:$0x3FB9];
	_ =	sdelay $0x3  }
0x36: {  	p1 =	seq.s32 s10, $0x1;
	s10 =	sld [smem:$0x3FBA];
	_ =	sdelay $0x3  }
0x37: {  	[smem:$0x3FBA] =	sst s10  }
0x38: {  	s10 =	sld [smem:$0x3FBB]  }
0x39: {  	_ = 	snop;
	(pc) =	sbr.ind lr, $3  }
0x3a: {  	_ = 	snop  }
0x3b: {  	_ = 	snop  }
0x3c: {  	p2 =	seq.s32 s10, $0x1;
	s10 =	sld [smem:$0x3FBA]  }
0x3d: {  	_ =	shalt  }
0x3e: {  	_ =	shalt  }
0x3f: {  	_ =	shalt  }
0x40: {  	_ =	shalt  }
0x41: {  	_ =	shalt  }
0x42: {  	_ =	shalt  }
0x43: {  	_ =	shalt  }
0x44: {  	_ =	shalt  }
0x45: {  	_ =	shalt  }
0x46: {  	_ =	shalt  }
0x47: {  	_ =	shalt  }
0x48: {  	_ =	shalt  }
0x49: {  	_ =	shalt  }
0x4a: {  	_ =	shalt  }
0x4b: {  	_ =	shalt  }
0x4c: {  	_ =	shalt  }
0x4d: {  	_ =	shalt  }
0x4e: {  	_ =	shalt  }
0x4f: {  	_ =	shalt  }
0x50: {  	_ =	shalt  }
0x51: {  	_ =	shalt  }
0x52: {  	_ =	shalt  }
0x53: {  	_ =	shalt  }
0x54: {  	_ =	shalt  }
0x55: {  	_ =	shalt  }
0x56: {  	_ =	shalt  }
0x57: {  	_ =	shalt  }
0x58: {  	_ =	shalt  }
0x59: {  	_ =	shalt  }
0x5a: {  	_ =	shalt  }
0x5b: {  	_ =	shalt  }
0x5c: {  	_ =	shalt  }
0x5d: {  	_ =	shalt  }
0x5e: {  	_ =	shalt  }
0x5f: {  	_ =	shalt  }
0x60: {  	_ =	shalt  }
0x61: {  	_ =	shalt  }
0x62: {  	_ =	shalt  }
0x63: {  	_ =	shalt  }
0x64: {  	_ =	shalt  }
0x65: {  	_ =	shalt  }
0x66: {  	_ =	shalt  }
0x67: {  	_ =	shalt  }
0x68: {  	_ =	shalt  }
0x69: {  	_ =	shalt  }
0x6a: {  	_ =	shalt  }
0x6b: {  	_ =	shalt  }
0x6c: {  	_ =	shalt  }
0x6d: {  	_ =	shalt  }
0x6e: {  	_ =	shalt  }
0x6f: {  	_ =	shalt  }
0x70: {  	_ =	shalt  }
0x71: {  	_ =	shalt  }
0x72: {  	_ =	shalt  }
0x73: {  	_ =	shalt  }
0x74: {  	_ =	shalt  }
0x75: {  	_ =	shalt  }
0x76: {  	_ =	shalt  }
0x77: {  	_ =	shalt  }
0x78: {  	_ =	shalt  }
0x79: {  	_ =	shalt  }
0x7a: {  	_ =	shalt  }
0x7b: {  	_ =	shalt  }
0x7c: {  	_ =	shalt  }
0x7d: {  	_ =	shalt  }
0x7e: {  	_ =	shalt  }
0x7f: {  	_ =	shalt  }
0x80: {  	_ =	shalt  }
0x81: {  	_ =	shalt  }
0x82: {  	_ =	shalt  }
0x83: {  	_ =	shalt  }
0x84: {  	_ =	shalt  }
0x85: {  	_ =	shalt  }
0x86: {  	_ =	shalt  }
0x87: {  	_ =	shalt  }
.Lfunc_end0:
.L_simem_size_0:
called_computation.1_lowered:
.L_overlay_start_0:
0x88: {  	s2 =	sld [smem:$0x3FD9]  }
0x89: {  	s3 =	sld [smem:$0x3FFE];
	_ =	sdelay $0x1  }
0x8a: {  	s1 =	srdreg.scid  }
0x8b: {  	s0 =	sand.u32 $0x1, s1  }
0x8c: {  	s14 =	sshll.u32 s0, $0xA;
	s2 =	sadd.s32 s3, s2  }
0x8d: {  	s2 =	sadd.s32 s2, s14  }
0x8e: {  	[smem:$0x3FC6] =	sst s2  }
0x8f: {  	_ = 	snop  }
0x90: {  	s2 =	sld [smem:$0x3FD0];
	_ =	sdelay $0x2  }
0x91: {  	s15 =	simm.s32 $0xA;
	s4 =	simm.s32 $0x10  }
0x92: {  	[smem:s4], [sflag:s15] =	dma.local [hbm:s2], $0x1  }
0x93: {  	_ =	swait.eq [sflag:s15], $0x1  }
0x94: {  	[sflag:s15] =	ssyncset.done $0x0  }
0x95: {  	s16 =	sld [smem:$0x10];
	[sflag:s15] =	ssyncadd.s32 $0xFFFFFFFF  }
0x96: {  	s17 =	sld [smem:$0x11];
	(tm) =	ssettm $0x1  }
0x97: {  	s18 =	sld [smem:$0x3FFB];
	_ =	sdelay $0x3  }
0x98: {  	_ =	strace s18  }
0x99: {  	s4 =	sld [smem:$0x3FFC];
	_ =	sdelay $0x3  }
0x9a: {  	_ =	strace s4  }
0x9b: {  	s4 =	sld [smem:$0x3FFD];
	_ =	sdelay $0x3  }
0x9c: {  	_ =	strace s4  }
0x9d: {  	_ =	strace $0x8FFFFFFF  }
0x9e: {  	s19 =	sld [smem:$0x3FDB];
	_ =	sdelay $0x1  }
0x9f: {  	s5 =	simm.s32 $_scs_section_size  }
0xa0: {  	s6 =	simm.s32 $_size__tile_overlayer_lowered;
	s7 =	simm.s32 $_tile_overlayer_lowered  }
0xa1: {  	s22 =	simm.s32 $0x1BFF;
	s21 =	sshll.u32 s7, $0x1;
	s4 =	sadd.s32 s5, s19  }
0xa2: {  	s8 =	simm.s32 $0x0;
	s20 =	sshll.u32 s6, $0x1;
	s6 =	sadd.s32 s21, s4  }
0xa3: {  	[timem:s8], [sflag:s22] =	dma.local [hbm:s6], s20  }
0xa4: {  	_ =	swait.ge [sflag:s22], s20  }
0xa5: {  	s5 =	ssub.s32 $0x0, s20;
	[sflag:s22] =	ssyncset.done $0x0  }
0xa6: {  	[sflag:s22] =	ssyncadd.s32 s5;
	_ =	sdelay $0x1  }
0xa7: {  	s23 =	simm.s32 $0x1B8B  }
0xa8: {  	_ =	swait.ge [sflag:s23], $0x1  }
0xa9: {  	[sflag:s23] =	ssyncset.done $0x0  }
0xaa: {  	s25 =	simm.s32 $0x1B8E;
	s24 =	sld [smem:$0x3FFE];
	[sflag:s23] =	ssyncadd.s32 $0xFFFFFFFF  }
0xab: {  	s26 =	simm.s32 $execute0_lowered;
	[smem:$0x3FD2] =	sst s25  }
0xac: {  	s6 =	sshll.u32 s26, $0x1;
	_ =	strace $0x80000046;
	[dreg:$0x1] =	wrdreg $0xFFFFFFFF  }
0xad: {  	s28 =	simm.s32 $_size_execute0_lowered;
	s4 =	sadd.s32 s4, s6;
	[dreg:$0x0] =	wrdreg $0x0  }
0xae: {  	s6 =	sshll.u32 s28, $0x1;
	[dreg:$0x2] =	wrdreg s4  }
0xaf: {  	[dreg:$0x3] =	wrdreg s6  }
0xb0: {  	[dreg:$0x4] =	wrdreg $0xC0  }
0xb1: {  	_ =	task [dreg:s8], $0x5FFFF  }
0xb2: {  	[dreg:$0x1] =	wrdreg $0xFFFFFFFF  }
0xb3: {  	[dreg:$0x0] =	wrdreg $0x60  }
0xb4: {  	[dreg:$0x2] =	wrdreg s17  }
0xb5: {  	[dreg:$0x3] =	wrdreg s16  }
0xb6: {  	[dreg:$0x4] =	wrdreg s24  }
0xb7: {  	[dreg:$0x5] =	wrdreg $0x9  }
0xb8: {  	_ =	task.clear_ibuf [dreg:s8], $0x6FFFF;
	_ =	strace $0x90000046  }
0xb9: {  	s29 =	simm.s32 $0x9;
	_ =	strace $0x80000048  }
0xba: {  	_ =	swait.ge [sflag:s29], $0x1  }
0xbb: {  	[sflag:s29] =	ssyncadd.s32 $0xFFFFFFFF  }
0xbc: {  	_ =	strace $0x90000048  }
0xbd: {  	_ =	sfence  }
0xbe: {  	s30 =	sld [smem:$0x0];
	_ =	sdelay $0x2  }
0xbf: {  	s31 =	sshll.u32 s1, $0xD;
	s1 =	sshrl.u32 s1, $0x2  }
0xc0: {  	s3 =	sand.u32 $0x4000, s31;
	s1 =	sadd.s32 s1, s30  }
0xc1: {  	s0 =	sor.u32 s3, s0;
	s1 =	sshll.u32 s1, $0x11  }
0xc2: {  	s0 =	sor.u32 s1, s0  }
0xc3: {  	s0 =	sadd.s32 $0x8F2B, s0  }
0xc4: {  	[sflag:s0] =	ssyncadd.remote.s32 $0x1  }
0xc5: {  	_ =	sfence.sel $0xFFFF  }
0xc6: {  	[dreg:$0x0] =	wrdreg $0xFFFFFFFF;
	(pc) =	sbr.abs _section_cstart, $3  }
0xc7: {  	[dreg:$0x1] =	wrdreg $0xFFFFFFFF  }
0xc8: {  	_ =	task.clear_ibuf [dreg:s8], $0x2FFFF;
	_ =	strace $0x9FFFFFFF  }
0xc9: {  	(tm) =	ssettm $0x7FFFFFFF  }
tec
execute0_lowered:
.L_overlay_start_1:
0x0: {  	(tag) =	ssettag $0x1  }
0x1: {  	s6 =	rddreg [dreg:$0x0]  }
0x2: {  	s0 =	srdreg.scid;
	s2 =	rddreg [dreg:$0x1]  }
0x3: {  	s8 =	rddreg [dreg:$0x2];
	s3 =	simm.s32 $0x0;
	s12 =	simm.s32 $0x1  }
0x4: {  	s15 =	simm.s32 $0x80;
	s16 =	simm.s32 $0x400;
	s17 =	simm.s32 $0x5380  }
0x5: {  	s18 =	simm.s32 $0x5A00;
	s19 =	simm.s32 $0x0;
	s4 =	sand.u32 $0x1, s0  }
0x6: {  	s0 =	stileid.u32;
	[smem:$0x7FF] =	sst s3;
	s1 =	sshll.u32 s4, $0x4  }
0x7: {  	s9 =	sshll.u32 s0, $0x7;
	s11 =	sand.u32 $0x7, s0;
	s31 =	ssub.s32 $0x2, s4  }
0x8: {  	s5 =	sor.u32 s0, s1;
	s1 =	rddreg [dreg:$0x3];
	s9 =	sand.u32 $0x380, s9  }
0x9: {  	p1 =	sne.s32 s11, $0x0;
	_ =	strace $0x80000047;
	s7 =	sshrl.u32 s5, $0x3  }
0xa: {  	s13 =	sshrl.u32 s31, $0x1;
	p0 =	seq.s32 s5, $0x0;
	s10 =	smul.u32 $0x3400, s7  }
0xb: {  	s4 =	smul.u32 $0x70, s11;
	s13 =	ssub.s32 s31, s13;
	p0 =	por !p1, !p0  }
0xc: {  	s5 =	simm.s32 $0x1;
	p0 =	por !p0, !p0;
	s10 =	sor.u32 s9, s10  }
0xd: {  	s12 =	simm.s32 @!p0 $0x0;
	p0 =	seq.s32 s11, $0x7;
	s11 =	simm.s32 $0x4  }
0xe: {  	s10 =	sshrl.u32 s10, $0x3;
	s12 =	ssub.s32 s7, s12;
	s11 =	simm.s32 @!p0 $0x0  }
0xf: {  	s7 =	sshll.u32 s7, $0xA;
	s12 =	smul.u32 $0xE10, s12;
	s14 =	sshrl.u32 s11, $0x2  }
.Ltmp0:
0x10: {  	s11 =	sadd.s32 $0x6C, s11;
	s9 =	sor.u32 s9, s7;
	(pc) =	sbr.rel .LBB2_1-.Ltmp0, $4  }
0x11: {  	v0 =	vlaneseq.u32;
	s10 =	sadd.s32 s10, s8;
	s7 =	sand.u32 $0x70, s11;
	s9 =	sshrl.u32 s9, $0x3  }
0x12: {  	v8 =	vmul.u32 $0x4, v0;
	s11 =	smax.u32 s13, $0x1;
	s13 =	simm.s32 $0xE80;
	s12 =	sshrl.u32 s12, $0x3  }
0x13: {  	s8 =	sadd.s32 s8, s9;
	s9 =	sadd.s32 $0x200, s10;
	s10 =	sadd.s32 $0x1C00, s10  }
0x14: {  	v9 =	vimm.f32 $+Inf;
	[tilespmem:$0x1FFF0] =	vst v8;
	s6 =	sadd.s32 s6, s12;
	s12 =	sadd.s32 $0x1B, s14;
	s14 =	simm.s32 $0x6080  }
.LBB2_11:
0x15: {  	[tilespmem:s7+$0x6080] =	vst v0  }
0x16: {  	[hbm4b:s8+s3] =	stream.linear.scatter [tilespmem:s14], [sflag:$0x1], $0x80, $0x38;
	[tilespmem:$0x6100] =	vst v63  }
0x17: {  	_ =	swait.ge [sflag:s5], $0x80  }
0x18: {  	[sflag:s5] =	ssyncset.done $0x0  }
0x19: {  	[sflag:s5] =	ssyncadd.s32 $0xFFFFFF80  }
0x1a: {  	[hbm4b:s9+s15] =	stream.strided.scatter [tilespmem:s17], [sflag:$0x1], $0x680, s16, s15, $0x38;
	[tilespmem:$0x6100] =	vst v63  }
0x1b: {  	s19 =	sadd.s32 $0x1, s19;
	_ =	swait.ge [sflag:s5], $0x680  }
0x1c: {  	p0 =	sne.s32 s19, s11;
	[sflag:s5] =	ssyncset.done $0x0  }
.Ltmp1:
0x1d: {  	[sflag:s5] =	ssyncadd.s32 $0xFFFFF980;
	(pc) =	sbr.rel @!p0 .LBB2_12-.Ltmp1, $4  }
0x1e: {  	[hbm4b:s10+s15] =	stream.strided.scatter [tilespmem:s18], [sflag:$0x1], $0x680, s16, s15, $0x38;
	[tilespmem:$0x6100] =	vst v63  }
0x1f: {  	_ =	swait.ge [sflag:s5], $0x680  }
0x20: {  	[sflag:s5] =	ssyncset.done $0x0  }
0x21: {  	v9 =	vimm.f32 $+Inf;
	v8 =	vld [tilespmem:$0x1FFF0];
	[sflag:s5] =	ssyncadd.s32 $0xFFFFF980  }
.LBB2_1:
0x22: {  	_ =	sdelay $0x1  }
0x23: {  	[tilespmem:s13], [sflag:$0x1] =	stream.linear.gather [hbm4b:s2+s3], $0x1900, $0x38;
	v0 =	vmov s3;
	[tilespmem:$0x6100] =	vst v63  }
0x24: {  	_ =	swait.ge [sflag:s5], $0x1900;
	v0 =	vshll.u32 v0, $0x2  }
0x25: {  	[sflag:s5] =	ssyncset.done $0x0;
	v0 =	vor.u32 v8, v0  }
0x26: {  	[sflag:s5] =	ssyncadd.s32 $0xFFFFE700;
	v1 =	vor.u32 $0x2, v0  }
0x27: {  	[tilespmem:s3], [sflag:$0x1] =	stream.linear.gather [hbm4b:s6+s3], $0xE10, $0x38;
	v2 =	vor.u32 $0x3, v0;
	[tilespmem:$0x6100] =	vst v63  }
0x28: {  	_ =	swait.ge [sflag:s5], $0xE10  }
0x29: {  	v3 =	vor.u32 $0x1, v0;
	[sflag:s5] =	ssyncset.done $0x0  }
0x2a: {  	[sflag:s5] =	ssyncadd.s32 $0xFFFFF1F0  }
0x2b: {  	v1 =	vld.idx.msk [tilespmem:v1+s13+$0x0], $0xffff  }
0x2c: {  	v2 =	vld.idx.msk [tilespmem:v2+s13+$0x0], $0xffff  }
0x2d: {  	v0 =	vld.idx.msk [tilespmem:v0+s13+$0x0], $0xffff  }
0x2e: {  	v3 =	vld.idx.msk [tilespmem:v3+s13+$0x0], $0xffff;
	_ =	sdelay $0x1  }
0x2f: {  	v1 =	vmul.f32 $5.000000000e-01, v1  }
0x30: {  	s23 =	simm.s32 $0x2780;
	v2 =	vmul.f32 $5.000000000e-01, v2  }
0x31: {  	s20 =	simm.s32 $0x10;
	[tilespmem:s23+$0x0] =	vst v0;
	v4 =	vsub.f32 v0, v1;
	v5 =	vadd.f32 v1, v0  }
0x32: {  	s26 =	sand.u32 $0x7F0, s3;
	[tilespmem:s23+$0x640] =	vst v3;
	v0 =	vmov s20;
	v1 =	vsub.f32 v3, v2;
	v6 =	vadd.f32 v2, v3  }
0x33: {  	v0 =	vshll.u32 v0, $0x2;
	[tilespmem:s26+$0x3400] =	vst v4  }
0x34: {  	v0 =	vor.u32 v8, v0;
	v4 =	vsub.f32 v5, v4;
	v7 =	vsub.f32 v6, v1;
	[tilespmem:s23+$0x12C0] =	vst v1  }
0x35: {  	s28 =	simm.s32 $0x20;
	s22 =	simm.s32 $0x2790;
	s21 =	simm.s32 $0x5A00;
	v1 =	vor.u32 $0x2, v0;
	[tilespmem:s26+$0x4080] =	vst v5  }
0x36: {  	s24 =	simm.s32 $0x5380;
	s25 =	simm.s32 $0x5A00;
	v3 =	vor.u32 $0x3, v0;
	v2 =	vor.u32 $0x1, v0;
	v4 =	vmul.f32 v7, v4;
	[tilespmem:s23+$0x1F40] =	vst v6;
	s23 =	simm.s32 $0x5380  }
.LBB2_2:
0x37: {  	s21 =	sadd.s32 $0x10, s21  }
0x38: {  	s23 =	sadd.s32 $0x10, s23;
	s29 =	smov.u32 s28;
	s30 =	sadd.s32 $0x10, s28  }
0x39: {  	p0 =	sne.s32 s28, $0x630;
	v10 =	vimm.s32 $0x0;
	[tilespmem:s26+$0x4D00] =	vst v4  }
0x3a: {  	[tilespmem:s24+$0x0] =	vst v9;
	s24 =	smov.u32 s23  }
0x3b: {  	[tilespmem:s25+$0x0] =	vst v10;
	s25 =	smov.u32 s21  }
0x3c: {  	v1 =	vld.idx.msk [tilespmem:v1+s13+$0x0], $0xffff  }
0x3d: {  	v3 =	vld.idx.msk [tilespmem:v3+s13+$0x0], $0xffff  }
0x3e: {  	v0 =	vld.idx.msk [tilespmem:v0+s13+$0x0], $0xffff  }
0x3f: {  	v2 =	vld.idx.msk [tilespmem:v2+s13+$0x0], $0xffff;
	_ =	sdelay $0x2  }
0x40: {  	v1 =	vmul.f32 $5.000000000e-01, v1  }
0x41: {  	v3 =	vmul.f32 $5.000000000e-01, v3  }
0x42: {  	v4 =	vmov s29;
	v5 =	vsub.f32 v0, v1;
	v6 =	vadd.f32 v1, v0;
	[tilespmem:s22+$0x0] =	vst v0  }
.Ltmp2:
0x43: {  	s26 =	sand.u32 $0x7F0, s20;
	s20 =	smov.u32 s29;
	v0 =	vshll.u32 v4, $0x2;
	v4 =	vsub.f32 v2, v3;
	v7 =	vadd.f32 v3, v2;
	[tilespmem:s22+$0x640] =	vst v2;
	(pc) =	sbr.rel @p0 .LBB2_2-.Ltmp2, $4  }
0x44: {  	v0 =	vor.u32 v8, v0;
	[tilespmem:s26+$0x3400] =	vst v5;
	v5 =	vsub.f32 v6, v5  }
0x45: {  	v1 =	vor.u32 $0x2, v0;
	v3 =	vor.u32 $0x3, v0;
	[tilespmem:s22+$0x12C0] =	vst v4;
	v4 =	vsub.f32 v7, v4  }
0x46: {  	v2 =	vor.u32 $0x1, v0;
	[tilespmem:s26+$0x4080] =	vst v6  }
0x47: {  	s28 =	smov.u32 s30;
	[tilespmem:s22+$0x1F40] =	vst v7;
	v4 =	vmul.f32 v4, v5;
	s22 =	sadd.s32 $0x10, s22  }
0x48: {  	_ = 	snop  }
0x49: {  	[tilespmem:s26+$0x4D00] =	vst v4  }
0x4a: {  	[tilespmem:s24+$0x0] =	vst v9  }
0x4b: {  	[tilespmem:s25+$0x0] =	vst v10  }
0x4c: {  	v1 =	vld.idx.msk [tilespmem:v1+s13+$0x0], $0xffff  }
0x4d: {  	v3 =	vld.idx.msk [tilespmem:v3+s13+$0x0], $0xffff  }
0x4e: {  	v0 =	vld.idx.msk [tilespmem:v0+s13+$0x0], $0xffff  }
0x4f: {  	v2 =	vld.idx.msk [tilespmem:v2+s13+$0x0], $0xffff;
	_ =	sdelay $0x1  }
0x50: {  	v1 =	vmul.f32 $5.000000000e-01, v1  }
0x51: {  	v3 =	vmul.f32 $5.000000000e-01, v3  }
0x52: {  	v62 =	vsub.f32 v0, v1;
	v1 =	vadd.f32 v1, v0  }
0x53: {  	[tilespmem:s22+$0x0] =	vst v0;
	v0 =	vsub.f32 v2, v3;
	v3 =	vadd.f32 v3, v2  }
0x54: {  	s20 =	sand.u32 $0x7F0, s20;
	[tilespmem:s22+$0x640] =	vst v2  }
0x55: {  	[tilespmem:s20+$0x3400] =	vst v62;
	v2 =	vsub.f32 v1, v62;
	v63 =	vsub.f32 v3, v0  }
0x56: {  	[tilespmem:s22+$0x12C0] =	vst v0  }
0x57: {  	[tilespmem:s20+$0x4080] =	vst v1;
	v0 =	vmul.f32 v63, v2  }
0x58: {  	[tilespmem:s22+$0x1F40] =	vst v3  }
0x59: {  	s31 =	sadd.s32 $0x10, s23;
	[tilespmem:s20+$0x4D00] =	vst v0  }
0x5a: {  	s21 =	sadd.s32 $0x10, s21;
	[tilespmem:s31+$0x0] =	vst v9  }
0x5b: {  	s20 =	simm.s32 $0x0;
	v0 =	vimm.s32 $0x0;
	[tilespmem:s21+$0x0] =	vst v10;
	s21 =	simm.s32 $0x0  }
.LBB2_4:
0x5c: {  	s22 =	sshll.u32 s21, $0x2  }
0x5d: {  	s23 =	sadd.s32 s4, s22  }
0x5e: {  	s24 =	sshll.u32 s23, $0x2  }
0x5f: {  	[tilespmem:$0x1FFD0] =	vst v0;
	v0 =	vmov s24  }
0x60: {  	v1 =	vor.u32 $0x1, v0  }
0x61: {  	s31 =	simm.s32 $0x2780;
	v2 =	vor.u32 $0x2, v0  }
0x62: {  	s30 =	sand.u32 $0x7F0, s20;
	v38 =	vld [tilespmem:s31+$0x12C0];
	s25 =	sor.u32 $0x4, s24;
	v3 =	vor.u32 $0x3, v0  }
0x63: {  	v46 =	vld [tilespmem:s30+$0x3400];
	v4 =	vmov s25  }
0x64: {  	v5 =	vor.u32 $0x3, v4;
	v13 =	vld.idx.msk [tilespmem:v0+s20+$0x0], $0xffff  }
0x65: {  	v0 =	vor.u32 $0x1, v4;
	v10 =	vld.idx.msk [tilespmem:v1+s20+$0x0], $0xffff  }
0x66: {  	s29 =	sor.u32 $0x8, s24;
	v1 =	vor.u32 $0x2, v4;
	v2 =	vld.idx.msk [tilespmem:v2+s20+$0x0], $0xffff  }
0x67: {  	v6 =	vmov s29;
	v3 =	vld.idx.msk [tilespmem:v3+s20+$0x0], $0xffff  }
0x68: {  	v18 =	vld.idx.msk [tilespmem:v4+s20+$0x0], $0xffff;
	v4 =	vor.u32 $0x1, v6  }
0x69: {  	s24 =	sor.u32 $0xC, s24;
	v7 =	vor.u32 $0x3, v6;
	v5 =	vld.idx.msk [tilespmem:v5+s20+$0x0], $0xffff  }
0x6a: {  	v8 =	vmov s24;
	v20 =	vld.idx.msk [tilespmem:v0+s20+$0x0], $0xffff;
	v0 =	vor.u32 $0x2, v6  }
0x6b: {  	v9 =	vor.u32 $0x2, v8;
	v1 =	vld.idx.msk [tilespmem:v1+s20+$0x0], $0xffff  }
0x6c: {  	v11 =	vld.idx.msk [tilespmem:v6+s20+$0x0], $0xffff;
	v6 =	vor.u32 $0x3, v8;
	v2 =	vmul.f32 $5.000000000e-01, v2  }
0x6d: {  	v17 =	vmov s23;
	v19 =	vld.idx.msk [tilespmem:v4+s20+$0x0], $0xffff;
	v3 =	vmul.f32 $5.000000000e-01, v3  }
0x6e: {  	v4 =	vor.u32 $0x1, v8;
	v12 =	vsub.f32 v13, v2;
	v16 =	vadd.f32 v2, v13;
	v2 =	vld.idx.msk [tilespmem:v7+s20+$0x0], $0xffff  }
0x6f: {  	v5 =	vmul.f32 $5.000000000e-01, v5;
	v22 =	vsub.f32 v10, v3;
	v23 =	vadd.f32 v3, v10;
	v0 =	vld.idx.msk [tilespmem:v0+s20+$0x0], $0xffff  }
0x70: {  	v15 =	vmovc v13;
	v7 =	vld.idx.msk [tilespmem:v9+s20+$0x0], $0xffff;
	v13 =	vimm.f32 $+Inf;
	v3 =	vsub.f32 v16, v12;
	v1 =	vmul.f32 $5.000000000e-01, v1  }
0x71: {  	v6 =	vld.idx.msk [tilespmem:v6+s20+$0x0], $0xffff;
	v26 =	vsub.f32 v20, v5;
	v27 =	vadd.f32 v5, v20;
	v40 =	vmax.f32 v22, v38  }
0x72: {  	v36 =	vld.idx.msk [tilespmem:v8+s20+$0x0], $0xffff;
	v41 =	vmin.f32 v22, v38;
	v24 =	vsub.f32 v18, v1;
	v25 =	vadd.f32 v1, v18  }
0x73: {  	v58 =	vld [tilespmem:s30+$0x4080];
	v59 =	vmax.f32 v12, v46;
	v5 =	vsub.f32 v27, v26;
	v2 =	vmul.f32 $5.000000000e-01, v2  }
0x74: {  	v21 =	vld.idx.msk [tilespmem:v4+s20+$0x0], $0xffff;
	v1 =	vsub.f32 v23, v22;
	v0 =	vmul.f32 $5.000000000e-01, v0;
	v4 =	vsub.f32 v25, v24  }
0x75: {  	v7 =	vmul.f32 $5.000000000e-01, v7;
	v29 =	vsub.f32 v19, v2;
	v31 =	vadd.f32 v2, v19  }
0x76: {  	v6 =	vmul.f32 $5.000000000e-01, v6;
	v28 =	vsub.f32 v11, v0;
	v30 =	vadd.f32 v0, v11  }
0x77: {  	v32 =	vsub.f32 v36, v7;
	v34 =	vadd.f32 v7, v36;
	v57 =	vmax.f32 v24, v46  }
0x78: {  	v60 =	vmin.f32 v25, v58;
	v2 =	vsub.f32 v31, v29;
	v0 =	vsub.f32 v30, v28  }
0x79: {  	v37 =	vld [tilespmem:s30+$0x4D00];
	v8 =	vmovc v11;
	v33 =	vsub.f32 v21, v6;
	v35 =	vadd.f32 v6, v21;
	v11 =	vmul.f32 v1, v3  }
0x7a: {  	v9 =	vmovc v10;
	v6 =	vsub.f32 v34, v32;
	v10 =	vmul.f32 v5, v4;
	v1 =	vmul.f32 v2, v0;
	v0 =	vld [tilespmem:s31+$0x1F40]  }
0x7b: {  	v5 =	vor.u32 $0x3, v17;
	v3 =	vmin.f32 v26, v38;
	v7 =	vsub.f32 v35, v33  }
0x7c: {  	v4 =	vmax.f32 v29, v38;
	v53 =	vmin.f32 v34, v58;
	v39 =	vmax.f32 v33, v38  }
0x7d: {  	v63 =	vmax.f32 v28, v46;
	v14 =	vmul.f32 v7, v6;
	v7 =	vor.u32 $0x1, v17  }
0x7e: {  	v6 =	vor.u32 $0x2, v17;
	v2 =	vmin.f32 v33, v38;
	v45 =	vadd.f32 v37, v1  }
0x7f: {  	[tilespmem:$0x1FFE0] =	vst v1;
	v1 =	vmin.f32 v29, v38;
	v38 =	vmax.f32 v26, v38;
	v42 =	vmax.f32 v31, v0  }
0x80: {  	v43 =	vmin.f32 v35, v0;
	v44 =	vmax.f32 v35, v0;
	v47 =	vmax.f32 v27, v0  }
0x81: {  	v48 =	vmin.f32 v31, v0;
	v56 =	vsub.f32 v44, v2;
	v55 =	vsub.f32 v42, v1  }
0x82: {  	v51 =	vmin.f32 v23, v0;
	v1 =	vsub.f32 v43, v39;
	v54 =	vsub.f32 v47, v3  }
0x83: {  	v2 =	vmin.f32 v27, v0;
	v3 =	vsub.f32 v48, v4;
	v4 =	vsub.f32 v51, v40  }
0x84: {  	v0 =	vmax.f32 v23, v0;
	v39 =	vmax.f32 v32, v46;
	v40 =	vmax.f32 v34, v58  }
0x85: {  	p1 =	por $0x1, $0x1;
	v47 =	vmin.f32 v30, v58;
	v2 =	vsub.f32 v2, v38;
	v52 =	vsub.f32 v0, v41  }
.Ltmp3:
0x86: {  	v38 =	vmin.f32 v24, v46;
	v41 =	vmax.f32 v25, v58;
	v0 =	vmax.f32 v16, v58;
	(pc) =	sbr.rel @!p1 .LBB2_5-.Ltmp3, $4  }
0x87: {  	v53 =	vsub.f32 v53, v39;
	v51 =	vmax.f32 v3, $0.0e+00;
	v49 =	vmax.f32 v1, $0.0e+00  }
0x88: {  	v50 =	vmax.f32 v4, $0.0e+00;
	v1 =	vmin.f32 v28, v46;
	v3 =	vmax.f32 v30, v58  }
0x89: {  	p0 =	por $0x0, $0x0;
	v62 =	vld [tilespmem:s31+$0x640];
	v48 =	vmax.f32 v2, $0.0e+00;
	v2 =	vmin.f32 v32, v46;
	v1 =	vsub.f32 v3, v1  }
0x8a: {  	v61 =	vld [tilespmem:s31+$0x0];
	s23 =	simm.s32 $0x5A00;
	s24 =	simm.s32 $0x5380;
	s25 =	simm.s32 $0x10;
	v4 =	vmin.f32 v12, v46;
	v3 =	vsub.f32 v40, v2;
	v2 =	vsub.f32 v41, v38  }
0x8b: {  	v0 =	vsub.f32 v0, v4  }
0x8c: {  	v38 =	vmin.f32 v16, v58;
	v4 =	vsub.f32 v47, v63;
	v40 =	vsub.f32 v60, v57  }
0x8d: {  	v1 =	vmul.f32 v55, v1;
	v41 =	vmax.f32 v53, $0.0e+00;
	v39 =	vsub.f32 v38, v59  }
0x8e: {  	v3 =	vmul.f32 v56, v3;
	v58 =	vsub.f32 v21, v62;
	v43 =	vsub.f32 v9, v62  }
0x8f: {  	v2 =	vmul.f32 v54, v2;
	v44 =	vsub.f32 v20, v62;
	v42 =	vsub.f32 v15, v61  }
0x90: {  	v0 =	vmul.f32 v52, v0;
	v46 =	vsub.f32 v19, v62;
	v59 =	vsub.f32 v18, v61  }
0x91: {  	v60 =	vsub.f32 v8, v61;
	v43 =	vmul.f32 v43, v43;
	v42 =	vmul.f32 v42, v42  }
0x92: {  	v62 =	vsub.f32 v36, v61;
	v38 =	vmul.f32 v58, v58;
	v46 =	vmul.f32 v46, v46  }
0x93: {  	v44 =	vmul.f32 v44, v44;
	v63 =	vmul.f32 v59, v59;
	v42 =	vadd.f32 v43, v42  }
0x94: {  	v4 =	vmax.f32 v4, $0.0e+00;
	v56 =	vmul.f32 v60, v60;
	v57 =	vmul.f32 v62, v62  }
0x95: {  	v40 =	vmax.f32 v40, $0.0e+00;
	v43 =	vadd.f32 v44, v63;
	v42 =	vadd.f32 $9.999999960e-13, v42  }
0x96: {  	v58 =	vadd.f32 v46, v56;
	v59 =	vadd.f32 v38, v57;
	v38 =	vmul.f32 v49, v41  }
0x97: {  	v43 =	vadd.f32 $9.999999960e-13, v43;
	v60 =	vshra.s32 v42, $0x1;
	v47 =	vmul.f32 $5.000000000e-01, v42  }
0x98: {  	v44 =	vadd.f32 $9.999999960e-13, v58;
	v46 =	vadd.f32 $9.999999960e-13, v59;
	v41 =	vsub.s32 $0x5F3759DF, v60  }
0x99: {  	v62 =	vshra.s32 v43, $0x1;
	v53 =	vmul.f32 $5.000000000e-01, v43;
	v61 =	vmul.f32 v41, v47  }
0x9a: {  	v63 =	vshra.s32 v44, $0x1;
	v55 =	vmul.f32 $5.000000000e-01, v44;
	v52 =	vsub.s32 $0x5F3759DF, v62  }
0x9b: {  	v54 =	vsub.s32 $0x5F3759DF, v63;
	v60 =	vmul.f32 v52, v53;
	v49 =	vmul.f32 v41, v61  }
0x9c: {  	v59 =	vmul.f32 $5.000000000e-01, v46;
	v62 =	vshra.s32 v46, $0x1;
	v61 =	vmul.f32 v54, v55  }
0x9d: {  	v58 =	vsub.s32 $0x5F3759DF, v62;
	v56 =	vmul.f32 v52, v60;
	v49 =	vsub.f32 $1.500000000e+00, v49  }
0x9e: {  	v1 =	vadd.f32 $1.000000020e-16, v1;
	v60 =	vmul.f32 v58, v59;
	v57 =	vmul.f32 v54, v61  }
0x9f: {  	v4 =	vmul.f32 v51, v4;
	v41 =	vmul.f32 v41, v49;
	v49 =	vsub.f32 $1.500000000e+00, v56  }
0xa0: {  	v40 =	vmul.f32 v48, v40;
	v61 =	vmul.f32 v58, v60;
	v63 =	vsub.f32 $1.500000000e+00, v57  }
0xa1: {  	v39 =	vmax.f32 v39, $0.0e+00;
	v62 =	vmul.f32 v41, v47;
	v49 =	vmul.f32 v52, v49  }
0xa2: {  	v39 =	vmul.f32 v50, v39;
	v48 =	vmul.f32 v54, v63;
	v63 =	vsub.f32 $1.500000000e+00, v61  }
0xa3: {  	v3 =	vadd.f32 $1.000000020e-16, v3;
	v60 =	vmul.f32 v62, v41;
	v52 =	vmul.f32 v49, v53  }
0xa4: {  	v2 =	vadd.f32 $1.000000020e-16, v2;
	v61 =	vmul.f32 v48, v55;
	v50 =	vmul.f32 v58, v63  }
0xa5: {  	(erf) = vrcp.f32 v3;
	v51 =	vsub.f32 $1.500000000e+00, v60;
	v52 =	vmul.f32 v52, v49  }
0xa6: {  	v0 =	vadd.f32 $1.000000020e-16, v0;
	v57 =	vmul.f32 v61, v48;
	v58 =	vmul.f32 v50, v59  }
0xa7: {  	(erf) = vrcp.f32 v1;
	v41 =	vmul.f32 v51, v41;
	v62 =	vsub.f32 $1.500000000e+00, v52  }
0xa8: {  	(erf) = vrcp.f32 v2;
	v63 =	vsub.f32 $1.500000000e+00, v57;
	v60 =	vmul.f32 v58, v50  }
0xa9: {  	v45 =	vsub.f32 v45, v4;
	v47 =	vmul.f32 v41, v47;
	v49 =	vmul.f32 v62, v49  }
0xaa: {  	(erf) = vrcp.f32 v0;
	v48 =	vmul.f32 v63, v48;
	v61 =	vsub.f32 $1.500000000e+00, v60  }
0xab: {  	v45 =	vadd.f32 $1.000000020e-16, v45;
	v47 =	vmul.f32 v47, v41;
	v62 =	vmul.f32 v49, v53  }
0xac: {  	v54 =	vadd.f32 v37, v10;
	v63 =	vmul.f32 v48, v55;
	v50 =	vmul.f32 v61, v50  }
0xad: {  	v56 =	vadd.f32 v37, v11;
	v47 =	vsub.f32 $1.500000000e+00, v47;
	v57 =	vmul.f32 v62, v49  }
0xae: {  	v53 =	vsub.f32 v54, v40;
	v54 =	vmul.f32 v63, v48;
	v60 =	vmul.f32 v50, v59  }
0xaf: {  	(erf) = vrcp.f32 v45;
	v41 =	vmul.f32 v47, v41;
	v61 =	vsub.f32 $1.500000000e+00, v57  }
0xb0: {  	v58 =	vsub.f32 v56, v39;
	v62 =	vsub.f32 $1.500000000e+00, v54;
	v63 =	vmul.f32 v60, v50  }
0xb1: {  	v41 =	vmul.f32 v41, v42;
	v47 =	vmul.f32 v61, v49  }
0xb2: {  	v52 =	vadd.f32 $1.000000020e-16, v58;
	v48 =	vmul.f32 v62, v48;
	v55 =	vsub.f32 $1.500000000e+00, v63  }
0xb3: {  	v56 =	vadd.f32 v37, v14;
	v47 =	vmul.f32 v47, v43;
	(erf) = vrcp.f32 v41  }
0xb4: {  	v57 =	vadd.f32 $1.000000020e-16, v53;
	v49 =	vmul.f32 v55, v50;
	(erf) = vrcp.f32 v52  }
0xb5: {  	v48 =	vmul.f32 v48, v44;
	(erf) = vrcp.f32 v47  }
0xb6: {  	v37 =	vsub.f32 v56, v38;
	v49 =	vmul.f32 v49, v46;
	(erf) = vrcp.f32 v57  }
0xb7: {  	v58 =	vpop (erf);
	(erf) = vrcp.f32 v48  }
0xb8: {  	v37 =	vadd.f32 $1.000000020e-16, v37;
	v59 =	vpop (erf);
	(erf) = vrcp.f32 v49  }
0xb9: {  	v60 =	vpop (erf)  }
0xba: {  	v1 =	vsub.f32 v1, v45;
	v61 =	vpop (erf);
	(erf) = vrcp.f32 v37  }
0xbb: {  	v3 =	vsub.f32 v3, v37;
	v62 =	vpop (erf)  }
0xbc: {  	v0 =	vsub.f32 v0, v52;
	v1 =	vmul.f32 v1, v59;
	v4 =	vmul.f32 v62, v4;
	v63 =	vpop (erf)  }
0xbd: {  	v3 =	vmul.f32 v3, v58;
	v2 =	vsub.f32 v2, v57;
	v42 =	vmul.f32 v63, v42;
	v50 =	vpop (erf)  }
0xbe: {  	v0 =	vmul.f32 v0, v61;
	v39 =	vmul.f32 v50, v39;
	v51 =	vpop (erf)  }
0xbf: {  	v2 =	vmul.f32 v2, v60;
	v41 =	vadd.f32 v42, v41;
	v37 =	vmul.f32 v51, v43;
	v52 =	vpop (erf)  }
0xc0: {  	v1 =	vsub.f32 v4, v1;
	v0 =	vsub.f32 v39, v0;
	v53 =	vmul.f32 v52, v40;
	v4 =	vpop (erf)  }
0xc1: {  	v54 =	vmul.f32 $5.000000000e-01, v41;
	v37 =	vadd.f32 v37, v47;
	v4 =	vmul.f32 v4, v44;
	v55 =	vpop (erf)  }
0xc2: {  	v56 =	vld [tilespmem:s24+$0x0];
	v0 =	vadd.f32 v0, v0;
	v2 =	vsub.f32 v53, v2;
	v57 =	vmul.f32 v55, v46  }
0xc3: {  	v58 =	vpop (erf);
	v40 =	vmul.f32 $5.000000000e+00, v54;
	v37 =	vmul.f32 $5.000000000e-01, v37;
	v4 =	vadd.f32 v4, v48  }
0xc4: {  	v38 =	vmul.f32 v58, v38;
	v2 =	vadd.f32 v2, v2;
	v39 =	vadd.f32 v57, v49  }
0xc5: {  	v0 =	vsub.f32 v40, v0;
	v37 =	vmul.f32 $5.000000000e+00, v37;
	v4 =	vmul.f32 $5.000000000e-01, v4  }
0xc6: {  	v1 =	vadd.f32 v1, v1;
	v3 =	vsub.f32 v38, v3;
	v39 =	vmul.f32 $5.000000000e-01, v39  }
0xc7: {  	v59 =	vld [tilespmem:s23+$0x0];
	vm0 =	vlt.f32 v0, v56;
	v2 =	vsub.f32 v37, v2;
	v4 =	vmul.f32 $5.000000000e+00, v4  }
0xc8: {  	[tilespmem:$0x1FFC0] =	vst v15;
	v15 =	vmovc v10;
	v10 =	vlaneseq.u32;
	v3 =	vadd.f32 v3, v3;
	v60 =	vsel vm0, v0, v56  }
0xc9: {  	vm1 =	vlt.f32 v2, v60;
	v1 =	vsub.f32 v4, v1;
	v4 =	vmul.f32 $5.000000000e+00, v39  }
0xca: {  	v61 =	vor.u32 s20, v10;
	vm13 =	vlt.f32 v0, v13;
	v37 =	vsel vm1, v2, v60  }
0xcb: {  	vm15 =	vlt.f32 v2, v13;
	vm2 =	vlt.f32 v1, v37;
	v3 =	vsub.f32 v4, v3  }
0xcc: {  	v4 =	vsel vm0, v17, v59;
	vm14 =	vlt.f32 v1, v13;
	v37 =	vsel vm2, v1, v37  }
0xcd: {  	v4 =	vsel vm1, v7, v4;
	v41 =	vsel vm14, v1, v13;
	vm12 =	vlt.f32 v3, v37  }
0xce: {  	v1 =	vimm.s32 $0x0;
	v4 =	vsel vm2, v6, v4;
	v37 =	vsel vm12, v3, v37  }
0xcf: {  	vm3 =	vlt.f32 v3, v13;
	v44 =	vsel vm13, v61, v1;
	v4 =	vsel vm12, v5, v4;
	[tilespmem:s24+$0x0] =	vst v37  }
0xd0: {  	s26 =	sand.u32 $0x7F0, s25;
	v42 =	vsel vm15, v61, v1;
	v40 =	vsel vm14, v61, v1;
	v39 =	vsel vm3, v61, v1;
	v1 =	vld [tilespmem:$0x1FFE0];
	[tilespmem:s23+$0x0] =	vst v4  }
0xd1: {  	s29 =	simm.s32 $0x2790;
	v37 =	vld [tilespmem:s26+$0x4D00]  }
0xd2: {  	v4 =	vld [tilespmem:s29+$0x12C0];
	_ =	sdelay $0x2  }
0xd3: {  	v46 =	vsel vm13, v0, v13;
	v0 =	vld [tilespmem:s29+$0x1F40]  }
0xd4: {  	v43 =	vsel vm15, v2, v13;
	v38 =	vsel vm3, v3, v13;
	v59 =	vld [tilespmem:s26+$0x3400]  }
0xd5: {  	v58 =	vld [tilespmem:s26+$0x4080];
	v45 =	vadd.f32 v37, v1;
	v1 =	vmin.f32 v29, v4;
	v2 =	vmin.f32 v33, v4  }
0xd6: {  	v3 =	vmin.f32 v26, v4;
	v47 =	vmax.f32 v29, v4;
	v48 =	vmax.f32 v33, v4  }
0xd7: {  	v49 =	vmax.f32 v22, v4;
	v50 =	vmin.f32 v22, v4;
	v4 =	vmax.f32 v26, v4  }
0xd8: {  	v51 =	vmax.f32 v31, v0;
	v62 =	vmin.f32 v35, v0;
	v63 =	vmax.f32 v35, v0  }
0xd9: {  	v60 =	vmax.f32 v27, v0;
	v61 =	vmin.f32 v31, v0;
	v10 =	vmax.f32 v32, v59  }
0xda: {  	v57 =	vmax.f32 v24, v59;
	v53 =	vmin.f32 v34, v58;
	v56 =	vsub.f32 v63, v2  }
0xdb: {  	v2 =	vmin.f32 v27, v0;
	v55 =	vsub.f32 v51, v1;
	v1 =	vsub.f32 v62, v48  }
0xdc: {  	v62 =	vmin.f32 v23, v0;
	v54 =	vsub.f32 v60, v3;
	v3 =	vsub.f32 v61, v47  }
0xdd: {  	v0 =	vmax.f32 v23, v0;
	v60 =	vmax.f32 v34, v58;
	v61 =	vmax.f32 v25, v58  }
0xde: {  	v47 =	vmin.f32 v30, v58;
	v53 =	vsub.f32 v53, v10;
	v63 =	vsub.f32 v62, v49  }
0xdf: {  	p1 =	por $0x1, $0x1;
	v2 =	vsub.f32 v2, v4;
	v52 =	vsub.f32 v0, v50;
	v0 =	vmin.f32 v32, v59  }
.Ltmp4:
0xe0: {  	[tilespmem:$0x1FF80] =	vst v5;
	v4 =	vmin.f32 v12, v59;
	v51 =	vmax.f32 v3, $0.0e+00;
	v49 =	vmax.f32 v1, $0.0e+00;
	(pc) =	sbr.rel @!p1 .LBB2_7-.Ltmp4, $4  }
0xe1: {  	[tilespmem:$0x1FF90] =	vst v6;
	v1 =	vmin.f32 v28, v59;
	v3 =	vmax.f32 v30, v58;
	v50 =	vmax.f32 v63, $0.0e+00  }
0xe2: {  	[tilespmem:$0x1FFB0] =	vst v17;
	v17 =	vld [tilespmem:$0x1FFC0];
	v48 =	vmax.f32 v2, $0.0e+00;
	v2 =	vmin.f32 v24, v59;
	v63 =	vmax.f32 v28, v59  }
0xe3: {  	s30 =	simm.s32 $0x20;
	[tilespmem:$0x1FFA0] =	vst v7;
	v62 =	vld [tilespmem:s29+$0x640];
	v59 =	vmax.f32 v12, v59;
	v1 =	vsub.f32 v3, v1;
	v3 =	vsub.f32 v60, v0  }
0xe4: {  	p0 =	por $0x1, $0x1;
	s28 =	simm.s32 $0x5380;
	s26 =	simm.s32 $0x5A00;
	v10 =	vmovc v16;
	v0 =	vmax.f32 v16, v58;
	v60 =	vmin.f32 v25, v58;
	v2 =	vsub.f32 v61, v2;
	v61 =	vld [tilespmem:s29+$0x0]  }
.LBB2_8:
0xe5: {  	_ = 	snop  }
0xe6: {  	v58 =	vmin.f32 v10, v58;
	v0 =	vsub.f32 v0, v4;
	v4 =	vsub.f32 v47, v63  }
0xe7: {  	v57 =	vsub.f32 v60, v57;
	v58 =	vsub.f32 v58, v59  }
0xe8: {  	v3 =	vmul.f32 v56, v3;
	v1 =	vmul.f32 v55, v1;
	v53 =	vmax.f32 v53, $0.0e+00  }
0xe9: {  	v2 =	vmul.f32 v54, v2;
	v47 =	vsub.f32 v21, v62;
	v60 =	vsub.f32 v17, v61  }
0xea: {  	v4 =	vmax.f32 v4, $0.0e+00;
	v63 =	vsub.f32 v9, v62;
	v54 =	vsub.f32 v20, v62  }
0xeb: {  	v0 =	vmul.f32 v52, v0;
	v59 =	vsub.f32 v19, v62;
	v62 =	vsub.f32 v8, v61  }
0xec: {  	v55 =	vmul.f32 v60, v60;
	v56 =	vmul.f32 v63, v63;
	v60 =	vsub.f32 v18, v61  }
0xed: {  	v47 =	vmul.f32 v47, v47;
	v59 =	vmul.f32 v59, v59;
	v61 =	vsub.f32 v36, v61  }
0xee: {  	v55 =	vadd.f32 v56, v55;
	v56 =	vmul.f32 v60, v60;
	v60 =	vmul.f32 v54, v54  }
0xef: {  	v57 =	vmax.f32 v57, $0.0e+00;
	v62 =	vmul.f32 v62, v62;
	v61 =	vmul.f32 v61, v61  }
0xf0: {  	v4 =	vmul.f32 v51, v4;
	v54 =	vadd.f32 $9.999999960e-13, v55;
	v60 =	vadd.f32 v60, v56  }
0xf1: {  	v55 =	vadd.f32 v59, v62;
	v56 =	vadd.f32 v47, v61;
	v47 =	vmul.f32 v49, v53  }
0xf2: {  	v63 =	vshra.s32 v54, $0x1;
	v59 =	vmul.f32 $5.000000000e-01, v54;
	v53 =	vadd.f32 $9.999999960e-13, v60  }
0xf3: {  	v52 =	vadd.f32 $9.999999960e-13, v55;
	v49 =	vadd.f32 $9.999999960e-13, v56;
	v60 =	vsub.s32 $0x5F3759DF, v63  }
0xf4: {  	v55 =	vmul.f32 v60, v59;
	v56 =	vshra.s32 v53, $0x1;
	v61 =	vmul.f32 $5.000000000e-01, v53  }
0xf5: {  	v62 =	vshra.s32 v52, $0x1;
	v63 =	vmul.f32 $5.000000000e-01, v52;
	v56 =	vsub.s32 $0x5F3759DF, v56  }
0xf6: {  	v62 =	vsub.s32 $0x5F3759DF, v62;
	v55 =	vmul.f32 v60, v55;
	v5 =	vmul.f32 v56, v61  }
0xf7: {  	v16 =	vmovc v8;
	v13 =	vmovc v21;
	v7 =	vshra.s32 v49, $0x1;
	v8 =	vmul.f32 $5.000000000e-01, v49;
	v6 =	vmul.f32 v62, v63  }
0xf8: {  	v21 =	vmovc v19;
	v19 =	vmovc v36;
	v7 =	vsub.s32 $0x5F3759DF, v7;
	v55 =	vsub.f32 $1.500000000e+00, v55;
	v5 =	vmul.f32 v56, v5  }
0xf9: {  	v36 =	vmovc v20;
	v20 =	vmovc v18;
	v18 =	vmov v9;
	v9 =	vmul.f32 v7, v8;
	v6 =	vmul.f32 v62, v6  }
0xfa: {  	v48 =	vmul.f32 v48, v57;
	v55 =	vmul.f32 v60, v55;
	v5 =	vsub.f32 $1.500000000e+00, v5  }
0xfb: {  	v3 =	vadd.f32 $1.000000020e-16, v3;
	v9 =	vmul.f32 v7, v9;
	v6 =	vsub.f32 $1.500000000e+00, v6  }
0xfc: {  	v60 =	vmax.f32 v58, $0.0e+00;
	v51 =	vmul.f32 v55, v59;
	v5 =	vmul.f32 v56, v5  }
0xfd: {  	v9 =	vsub.f32 $1.500000000e+00, v9;
	v50 =	vmul.f32 v50, v60;
	v6 =	vmul.f32 v62, v6  }
0xfe: {  	v1 =	vadd.f32 $1.000000020e-16, v1;
	v51 =	vmul.f32 v51, v55;
	v56 =	vmul.f32 v5, v61  }
0xff: {  	v2 =	vadd.f32 $1.000000020e-16, v2;
	v7 =	vmul.f32 v7, v9;
	v60 =	vmul.f32 v6, v63  }
0x100: {  	(erf) = vrcp.f32 v3;
	v9 =	vsub.f32 $1.500000000e+00, v51;
	v51 =	vmul.f32 v56, v5  }
0x101: {  	v0 =	vadd.f32 $1.000000020e-16, v0;
	v56 =	vmul.f32 v60, v6;
	v60 =	vmul.f32 v7, v8  }
0x102: {  	(erf) = vrcp.f32 v1;
	v9 =	vmul.f32 v9, v55;
	v51 =	vsub.f32 $1.500000000e+00, v51  }
0x103: {  	(erf) = vrcp.f32 v2;
	v55 =	vsub.f32 $1.500000000e+00, v56;
	v62 =	vmul.f32 v60, v7  }
0x104: {  	v59 =	vmul.f32 v9, v59;
	v5 =	vmul.f32 v51, v5  }
0x105: {  	(erf) = vrcp.f32 v0;
	v6 =	vmul.f32 v55, v6;
	v51 =	vsub.f32 $1.500000000e+00, v62  }
0x106: {  	v57 =	vadd.f32 v37, v15;
	v60 =	vmul.f32 v59, v9;
	v62 =	vmul.f32 v5, v61  }
0x107: {  	v45 =	vsub.f32 v45, v4;
	v63 =	vmul.f32 v6, v63;
	v7 =	vmul.f32 v51, v7  }
0x108: {  	v58 =	vadd.f32 v37, v11;
	v60 =	vsub.f32 $1.500000000e+00, v60;
	v61 =	vmul.f32 v62, v5  }
0x109: {  	v45 =	vadd.f32 $1.000000020e-16, v45;
	v63 =	vmul.f32 v63, v6;
	v8 =	vmul.f32 v7, v8  }
0x10a: {  	v62 =	vsub.f32 v58, v50;
	v9 =	vmul.f32 v60, v9;
	v60 =	vsub.f32 $1.500000000e+00, v61  }
0x10b: {  	v51 =	vpop (erf);
	(erf) = vrcp.f32 v45;
	v58 =	vsub.f32 $1.500000000e+00, v63;
	v8 =	vmul.f32 v8, v7  }
0x10c: {  	v57 =	vsub.f32 v57, v48;
	v9 =	vmul.f32 v9, v54;
	v5 =	vmul.f32 v60, v5  }
0x10d: {  	v56 =	vadd.f32 $1.000000020e-16, v62;
	v6 =	vmul.f32 v58, v6;
	v8 =	vsub.f32 $1.500000000e+00, v8  }
0x10e: {  	v57 =	vadd.f32 $1.000000020e-16, v57;
	v5 =	vmul.f32 v5, v53;
	(erf) = vrcp.f32 v9  }
0x10f: {  	v61 =	vadd.f32 v37, v14;
	v62 =	vpop (erf);
	v7 =	vmul.f32 v8, v7;
	(erf) = vrcp.f32 v56  }
0x110: {  	v6 =	vmul.f32 v6, v52;
	(erf) = vrcp.f32 v5  }
0x111: {  	v8 =	vsub.f32 v61, v47;
	v7 =	vmul.f32 v7, v49;
	(erf) = vrcp.f32 v57  }
0x112: {  	v37 =	vpop (erf);
	(erf) = vrcp.f32 v6  }
0x113: {  	v60 =	vpop (erf);
	v63 =	vadd.f32 $1.000000020e-16, v8;
	(erf) = vrcp.f32 v7;
	_ =	sdelay $0x1  }
0x114: {  	v1 =	vsub.f32 v1, v45;
	v2 =	vsub.f32 v2, v57;
	(erf) = vrcp.f32 v63  }
0x115: {  	v0 =	vsub.f32 v0, v56;
	v8 =	vpop (erf)  }
0x116: {  	v1 =	vmul.f32 v1, v62;
	v2 =	vmul.f32 v2, v37;
	v61 =	vpop (erf)  }
0x117: {  	v0 =	vmul.f32 v0, v60;
	v3 =	vsub.f32 v3, v63;
	v45 =	vmul.f32 v61, v54;
	v62 =	vpop (erf)  }
0x118: {  	v56 =	vmul.f32 v8, v4;
	v50 =	vmul.f32 v62, v50;
	v8 =	vpop (erf)  }
0x119: {  	v3 =	vmul.f32 v3, v51;
	v9 =	vadd.f32 v45, v9;
	v57 =	vmul.f32 v8, v53;
	v58 =	vpop (erf)  }
0x11a: {  	v1 =	vsub.f32 v56, v1;
	v0 =	vsub.f32 v50, v0;
	v37 =	vmul.f32 v58, v48;
	v4 =	vpop (erf)  }
0x11b: {  	s28 =	sadd.s32 $0x10, s28;
	v9 =	vmul.f32 $5.000000000e-01, v9;
	v5 =	vadd.f32 v57, v5;
	v4 =	vmul.f32 v4, v52;
	v8 =	vpop (erf)  }
0x11c: {  	v59 =	vld [tilespmem:s28+$0x0];
	v0 =	vadd.f32 v0, v0;
	v2 =	vsub.f32 v37, v2;
	v8 =	vmul.f32 v8, v49  }
0x11d: {  	v9 =	vmul.f32 $5.000000000e+00, v9;
	v5 =	vmul.f32 $5.000000000e-01, v5;
	v4 =	vadd.f32 v4, v6;
	v6 =	vpop (erf)  }
0x11e: {  	v2 =	vadd.f32 v2, v2;
	v7 =	vadd.f32 v8, v7;
	v6 =	vmul.f32 v6, v47  }
0x11f: {  	v0 =	vsub.f32 v9, v0;
	v5 =	vmul.f32 $5.000000000e+00, v5;
	v4 =	vmul.f32 $5.000000000e-01, v4  }
0x120: {  	v1 =	vadd.f32 v1, v1;
	v7 =	vmul.f32 $5.000000000e-01, v7;
	v3 =	vsub.f32 v6, v3  }
0x121: {  	vm0 =	vlt.f32 v0, v59;
	v2 =	vsub.f32 v5, v2;
	v4 =	vmul.f32 $5.000000000e+00, v4  }
0x122: {  	vm1 =	vlt.f32 v0, v46;
	v5 =	vsel vm0, v0, v59;
	v3 =	vadd.f32 v3, v3  }
0x123: {  	s26 =	sadd.s32 $0x10, s26;
	vm2 =	vlt.f32 v2, v5;
	v1 =	vsub.f32 v4, v1;
	v4 =	vmul.f32 $5.000000000e+00, v7  }
0x124: {  	v6 =	vld [tilespmem:s26+$0x0];
	v46 =	vsel vm1, v0, v46;
	v0 =	vsel vm2, v2, v5  }
0x125: {  	vm4 =	vlt.f32 v1, v41;
	vm5 =	vlt.f32 v1, v0;
	v3 =	vsub.f32 v4, v3;
	v4 =	vld [tilespmem:$0x1FFB0]  }
0x126: {  	v41 =	vsel vm4, v1, v41;
	v0 =	vsel vm5, v1, v0;
	v1 =	vld [tilespmem:$0x1FFA0];
	_ =	sdelay $0x3  }
0x127: {  	v4 =	vsel vm0, v4, v6  }
0x128: {  	vm3 =	vlt.f32 v2, v43;
	v1 =	vsel vm2, v1, v4;
	v4 =	vld [tilespmem:$0x1FF90]  }
0x129: {  	v43 =	vsel vm3, v2, v43;
	v2 =	vld [tilespmem:$0x1FF80];
	_ =	sdelay $0x2  }
0x12a: {  	vm15 =	vlt.f32 v3, v0  }
0x12b: {  	v0 =	vsel vm15, v3, v0;
	v1 =	vsel vm5, v4, v1  }
0x12c: {  	[tilespmem:s28+$0x0] =	vst v0;
	v1 =	vsel vm15, v2, v1  }
0x12d: {  	s31 =	sand.u32 $0x7F0, s30;
	v2 =	vld [tilespmem:$0x1FFE0];
	[tilespmem:s26+$0x0] =	vst v1  }
0x12e: {  	s29 =	sadd.s32 $0x10, s29;
	v37 =	vld [tilespmem:s31+$0x4D00]  }
0x12f: {  	v0 =	vld [tilespmem:s29+$0x12C0]  }
0x130: {  	v63 =	vlaneseq.u32  }
0x131: {  	v54 =	vor.u32 s25, v63  }
0x132: {  	v44 =	vsel vm1, v54, v44;
	v42 =	vsel vm3, v54, v42;
	vm14 =	vlt.f32 v3, v38;
	v1 =	vld [tilespmem:s29+$0x1F40]  }
0x133: {  	v40 =	vsel vm4, v54, v40;
	v38 =	vsel vm14, v3, v38;
	v39 =	vsel vm14, v54, v39;
	v53 =	vld [tilespmem:s31+$0x3400]  }
0x134: {  	v58 =	vld [tilespmem:s31+$0x4080];
	v45 =	vadd.f32 v37, v2;
	v2 =	vmin.f32 v29, v0;
	v3 =	vmin.f32 v33, v0  }
0x135: {  	v4 =	vmin.f32 v26, v0;
	v5 =	vmax.f32 v29, v0;
	v6 =	vmax.f32 v33, v0  }
0x136: {  	v7 =	vmax.f32 v22, v0;
	v8 =	vmin.f32 v22, v0;
	v0 =	vmax.f32 v26, v0  }
0x137: {  	v9 =	vmax.f32 v31, v1;
	v60 =	vmin.f32 v35, v1;
	v61 =	vmax.f32 v35, v1  }
0x138: {  	v62 =	vmax.f32 v27, v1;
	v63 =	vmin.f32 v31, v1;
	v57 =	vmax.f32 v24, v53  }
0x139: {  	v59 =	vmax.f32 v12, v53;
	v47 =	vmin.f32 v30, v58;
	v56 =	vsub.f32 v61, v3  }
0x13a: {  	v3 =	vmin.f32 v27, v1;
	v55 =	vsub.f32 v9, v2;
	v2 =	vsub.f32 v60, v6  }
0x13b: {  	v6 =	vmin.f32 v23, v1;
	v54 =	vsub.f32 v62, v4;
	v4 =	vsub.f32 v63, v5  }
0x13c: {  	v1 =	vmax.f32 v23, v1;
	v63 =	vmax.f32 v28, v53;
	v9 =	vmin.f32 v34, v58  }
0x13d: {  	v60 =	vmin.f32 v25, v58;
	v5 =	vsub.f32 v6, v7;
	v0 =	vsub.f32 v3, v0  }
0x13e: {  	v52 =	vsub.f32 v1, v8;
	v1 =	vmin.f32 v28, v53;
	v6 =	vmax.f32 v32, v53  }
0x13f: {  	p1 =	sne.s32 s30, $0x630;
	v3 =	vmax.f32 v30, v58;
	v7 =	vmax.f32 v34, v58;
	v51 =	vmax.f32 v4, $0.0e+00  }
.Ltmp5:
0x140: {  	v49 =	vmax.f32 v2, $0.0e+00;
	v2 =	vmin.f32 v32, v53;
	v4 =	vmin.f32 v12, v53;
	(pc) =	sbr.rel @p1 .LBB2_8-.Ltmp5, $4  }
0x141: {  	v1 =	vsub.f32 v3, v1;
	v50 =	vmax.f32 v5, $0.0e+00;
	v48 =	vmax.f32 v0, $0.0e+00  }
0x142: {  	v8 =	vmovc v16;
	v5 =	vmin.f32 v24, v53;
	v53 =	vmax.f32 v25, v58;
	v3 =	vsub.f32 v7, v2  }
0x143: {  	v62 =	vld [tilespmem:s29+$0x640];
	v0 =	vmax.f32 v10, v58;
	v2 =	vsub.f32 v53, v5;
	v53 =	vsub.f32 v9, v6;
	v9 =	vmovc v18  }
0x144: {  	s25 =	smov.u32 s30;
	s30 =	sadd.s32 $0x10, s30;
	v61 =	vld [tilespmem:s29+$0x0];
	v18 =	vmovc v20;
	v20 =	vmovc v36;
	v36 =	vmov v19;
	v19 =	vmov v21;
	v21 =	vmov v13  }
0x145: {  	v31 =	vld [tilespmem:$0x1FFB0]  }
0x146: {  	v30 =	vld [tilespmem:$0x1FFA0]  }
0x147: {  	v29 =	vld [tilespmem:$0x1FF90]  }
0x148: {  	v13 =	vmovc v10;
	v10 =	vmov v11;
	v25 =	vmov v15;
	v32 =	vmov v14;
	v28 =	vld [tilespmem:$0x1FF80]  }
.LBB2_10:
0x149: {  	v5 =	vsub.f32 v17, v61;
	v6 =	vsub.f32 v9, v62;
	_ =	sdelay $0x1  }
0x14a: {  	v5 =	vmul.f32 v5, v5;
	v6 =	vmul.f32 v6, v6;
	_ =	sdelay $0x1  }
0x14b: {  	v5 =	vadd.f32 v6, v5;
	_ =	sdelay $0x1  }
0x14c: {  	v5 =	vadd.f32 $9.999999960e-13, v5;
	_ =	sdelay $0x1  }
0x14d: {  	v23 =	vshra.s32 v5, $0x1;
	v7 =	vmul.f32 $5.000000000e-01, v5  }
0x14e: {  	v6 =	vsub.s32 $0x5F3759DF, v23  }
0x14f: {  	v12 =	vmul.f32 v6, v7;
	_ =	sdelay $0x1  }
0x150: {  	v8 =	vsub.f32 v18, v61;
	v24 =	vsub.f32 v20, v62;
	v12 =	vmul.f32 v6, v12;
	_ =	sdelay $0x1  }
0x151: {  	v8 =	vmul.f32 v8, v8;
	v9 =	vmul.f32 v24, v24;
	v27 =	vsub.f32 $1.500000000e+00, v12  }
0x152: {  	v0 =	vsub.f32 v0, v4;
	v33 =	vmin.f32 v13, v58;
	v34 =	vsub.f32 v19, v62  }
0x153: {  	v11 =	vsub.f32 v16, v61;
	v26 =	vadd.f32 v9, v8;
	v6 =	vmul.f32 v6, v27  }
0x154: {  	v3 =	vmul.f32 v56, v3;
	v35 =	vsub.f32 v47, v63;
	v1 =	vmul.f32 v55, v1  }
0x155: {  	v55 =	vsub.f32 v21, v62;
	v4 =	vadd.f32 $9.999999960e-13, v26;
	v15 =	vmul.f32 v6, v7  }
0x156: {  	v2 =	vmul.f32 v54, v2;
	v58 =	vsub.f32 v36, v61;
	v11 =	vmul.f32 v11, v11  }
0x157: {  	v47 =	vshra.s32 v4, $0x1;
	v14 =	vmul.f32 $5.000000000e-01, v4;
	v15 =	vmul.f32 v15, v6  }
0x158: {  	v17 =	vmul.f32 v55, v55;
	v16 =	vmul.f32 v58, v58;
	v13 =	vsub.s32 $0x5F3759DF, v47  }
0x159: {  	v56 =	vmul.f32 v13, v14;
	v12 =	vmul.f32 v34, v34;
	v15 =	vsub.f32 $1.500000000e+00, v15  }
0x15a: {  	v0 =	vmul.f32 v52, v0;
	v1 =	vadd.f32 $1.000000020e-16, v1;
	v8 =	vmax.f32 v35, $0.0e+00  }
0x15b: {  	v61 =	vmul.f32 v13, v56;
	v11 =	vadd.f32 v12, v11;
	v6 =	vmul.f32 v15, v6  }
0x15c: {  	v2 =	vadd.f32 $1.000000020e-16, v2;
	v9 =	vsub.f32 v33, v59;
	v8 =	vmul.f32 v51, v8  }
0x15d: {  	v12 =	vadd.f32 $9.999999960e-13, v11;
	v11 =	vsub.f32 $1.500000000e+00, v61;
	v7 =	vmul.f32 v6, v7  }
0x15e: {  	v35 =	vadd.f32 v37, v10;
	v9 =	vmax.f32 v9, $0.0e+00;
	v36 =	vsub.f32 v45, v8  }
0x15f: {  	v13 =	vmul.f32 v13, v11;
	v11 =	vadd.f32 $1.000000020e-16, v3;
	v7 =	vmul.f32 v7, v6  }
0x160: {  	v0 =	vadd.f32 $1.000000020e-16, v0;
	v9 =	vmul.f32 v50, v9;
	v45 =	vadd.f32 $1.000000020e-16, v36  }
0x161: {  	v34 =	vmul.f32 v13, v14;
	(erf) = vrcp.f32 v11;
	v7 =	vsub.f32 $1.500000000e+00, v7  }
0x162: {  	v62 =	vshra.s32 v12, $0x1;
	v63 =	vmul.f32 $5.000000000e-01, v12;
	(erf) = vrcp.f32 v1  }
0x163: {  	v19 =	vsub.s32 $0x5F3759DF, v62;
	v3 =	vmul.f32 v34, v13;
	v6 =	vmul.f32 v7, v6  }
0x164: {  	v18 =	vsub.f32 v35, v9;
	v33 =	vmul.f32 v19, v63;
	(erf) = vrcp.f32 v2  }
0x165: {  	(erf) = vrcp.f32 v0;
	v3 =	vsub.f32 $1.500000000e+00, v3;
	v6 =	vmul.f32 v6, v5  }
0x166: {  	v51 =	vsub.f32 v60, v57;
	v15 =	vmul.f32 v19, v33;
	(erf) = vrcp.f32 v45  }
0x167: {  	v50 =	vadd.f32 $1.000000020e-16, v18;
	v3 =	vmul.f32 v3, v13;
	(erf) = vrcp.f32 v6  }
0x168: {  	v47 =	vadd.f32 v17, v16;
	v15 =	vsub.f32 $1.500000000e+00, v15  }
0x169: {  	v14 =	vmul.f32 v3, v14;
	(erf) = vrcp.f32 v50  }
0x16a: {  	v17 =	vmax.f32 v51, $0.0e+00;
	v13 =	vadd.f32 $9.999999960e-13, v47;
	v15 =	vmul.f32 v19, v15  }
0x16b: {  	v17 =	vmul.f32 v48, v17;
	v54 =	vpop (erf);
	v14 =	vmul.f32 v14, v3  }
0x16c: {  	v52 =	vshra.s32 v13, $0x1;
	v55 =	vmul.f32 v15, v63;
	v23 =	vmul.f32 $5.000000000e-01, v13;
	v22 =	vpop (erf)  }
0x16d: {  	v56 =	vadd.f32 v37, v25;
	v18 =	vsub.s32 $0x5F3759DF, v52;
	v24 =	vpop (erf);
	v14 =	vsub.f32 $1.500000000e+00, v14  }
0x16e: {  	v21 =	vmul.f32 v55, v15;
	v58 =	vmul.f32 v18, v23;
	v57 =	vpop (erf)  }
0x16f: {  	v10 =	vsub.f32 v56, v17;
	v26 =	vpop (erf);
	v3 =	vmul.f32 v14, v3  }
0x170: {  	v0 =	vsub.f32 v0, v50;
	v21 =	vsub.f32 $1.500000000e+00, v21;
	v25 =	vmul.f32 v18, v58;
	v27 =	vpop (erf)  }
0x171: {  	v3 =	vmul.f32 v3, v4;
	v5 =	vmul.f32 v27, v5  }
0x172: {  	v10 =	vadd.f32 $1.000000020e-16, v10;
	v0 =	vmul.f32 v0, v57;
	v15 =	vmul.f32 v21, v15;
	v59 =	vpop (erf)  }
0x173: {  	(erf) = vrcp.f32 v3;
	v9 =	vmul.f32 v59, v9;
	v5 =	vadd.f32 v5, v6  }
0x174: {  	v60 =	vsub.f32 $1.500000000e+00, v25;
	v61 =	vmul.f32 v15, v63  }
0x175: {  	(erf) = vrcp.f32 v10;
	v0 =	vsub.f32 v9, v0;
	v5 =	vmul.f32 $5.000000000e-01, v5  }
0x176: {  	v62 =	vmul.f32 v61, v15  }
0x177: {  	v6 =	vmul.f32 v18, v60;
	v0 =	vadd.f32 v0, v0;
	v5 =	vmul.f32 $5.000000000e+00, v5  }
0x178: {  	v9 =	vsub.f32 $1.500000000e+00, v62  }
0x179: {  	v63 =	vmul.f32 v6, v23;
	v0 =	vsub.f32 v5, v0  }
0x17a: {  	v9 =	vmul.f32 v9, v15  }
0x17b: {  	v16 =	vmul.f32 v63, v6;
	vm0 =	vlt.f32 v0, v46  }
0x17c: {  	v2 =	vsub.f32 v2, v10;
	v18 =	vpop (erf);
	v9 =	vmul.f32 v9, v12;
	v20 =	vsel vm0, v0, v46  }
0x17d: {  	v4 =	vmul.f32 v18, v4;
	v5 =	vsub.f32 $1.500000000e+00, v16;
	(xrf0) =	vmin.scan.msk.f32 $0xffff, v20  }
0x17e: {  	v2 =	vmul.f32 v2, v24;
	v21 =	vpop (erf);
	(erf) = vrcp.f32 v9  }
0x17f: {  	v3 =	vadd.f32 v4, v3;
	v5 =	vmul.f32 v5, v6;
	v6 =	vmul.f32 v21, v17;
	_ =	sdelay $0x1  }
0x180: {  	v3 =	vmul.f32 $5.000000000e-01, v3;
	v23 =	vmul.f32 v5, v23;
	v2 =	vsub.f32 v6, v2  }
0x181: {  	v34 =	vadd.f32 v37, v32;
	v27 =	vlaneseq.u32  }
0x182: {  	v3 =	vmul.f32 $5.000000000e+00, v3;
	v4 =	vmul.f32 v23, v5;
	v2 =	vadd.f32 v2, v2;
	v25, _, _ =	vpop (xrf0)  }
0x183: {  	v24 =	vmax.f32 v53, $0.0e+00;
	v33 =	vor.u32 s25, v27;
	v10 =	vbroadcast v25, $0xF  }
0x184: {  	v4 =	vsub.f32 $1.500000000e+00, v4;
	v2 =	vsub.f32 v3, v2;
	v3 =	vsel vm0, v33, v44  }
0x185: {  	v6 =	vmul.f32 v49, v24;
	v3 =	vxor.u32 $0x80000000, v3;
	vm4 =	veq.f32 v20, v10  }
0x186: {  	v4 =	vmul.f32 v4, v5;
	vm1 =	vlt.f32 v2, v43;
	v3 =	vnsel vm4, $0xC0000000, v3  }
0x187: {  	v1 =	vsub.f32 v1, v45;
	v35 =	vsub.f32 v34, v6;
	v36 =	vpop (erf);
	v37 =	vsel vm1, v2, v43;
	(xrf0) =	vmin.scan.msk.u32 $0xffff, v3  }
0x188: {  	v4 =	vmul.f32 v4, v13;
	v3 =	vmul.f32 v36, v12;
	(xrf0) =	vmin.scan.msk.f32 $0xffff, v37  }
0x189: {  	v1 =	vmul.f32 v1, v22;
	v5 =	vadd.f32 $1.000000020e-16, v35  }
0x18a: {  	v43 =	vmul.f32 v26, v8;
	(erf) = vrcp.f32 v4;
	v3 =	vadd.f32 v3, v9;
	_ =	sdelay $0x1  }
0x18b: {  	v1 =	vsub.f32 v43, v1;
	(erf) = vrcp.f32 v5;
	v3 =	vmul.f32 $5.000000000e-01, v3  }
0x18c: {  	v44, _, _ =	vpop (xrf0)  }
0x18d: {  	v1 =	vadd.f32 v1, v1;
	v3 =	vmul.f32 $5.000000000e+00, v3;
	v45, _, _ =	vpop (xrf0)  }
0x18e: {  	v8 =	vbroadcast v45, $0xF  }
0x18f: {  	v1 =	vsub.f32 v3, v1;
	v3 =	vsel vm1, v33, v42  }
0x190: {  	v3 =	vxor.u32 $0x80000000, v3;
	vm5 =	veq.f32 v37, v8  }
0x191: {  	vm6 =	vlt.f32 v1, v41;
	v3 =	vnsel vm5, $0xC0000000, v3  }
0x192: {  	v46 =	vpop (erf);
	v47 =	vsel vm6, v1, v41;
	(xrf0) =	vmin.scan.msk.u32 $0xffff, v3  }
0x193: {  	v48 =	vmul.f32 v46, v13;
	v3 =	vsub.f32 v11, v5;
	(xrf0) =	vmin.scan.msk.f32 $0xffff, v47  }
0x194: {  	v49 =	vpop (erf)  }
0x195: {  	v50 =	vmul.f32 v49, v6;
	v4 =	vadd.f32 v48, v4;
	v3 =	vmul.f32 v3, v54;
	_ =	sdelay $0x1  }
0x196: {  	v4 =	vmul.f32 $5.000000000e-01, v4;
	v3 =	vsub.f32 v50, v3  }
0x197: {  	v51, _, _ =	vpop (xrf0)  }
0x198: {  	v4 =	vmul.f32 $5.000000000e+00, v4;
	v3 =	vadd.f32 v3, v3;
	v52, _, _ =	vpop (xrf0)  }
0x199: {  	v6 =	vbroadcast v52, $0xF  }
0x19a: {  	v53 =	vsel vm6, v33, v40;
	v3 =	vsub.f32 v4, v3  }
0x19b: {  	v4 =	vxor.u32 $0x80000000, v53;
	vm7 =	veq.f32 v47, v6  }
0x19c: {  	vm8 =	vlt.f32 v3, v38;
	v4 =	vnsel vm7, $0xC0000000, v4  }
0x19d: {  	v54 =	vsel vm8, v3, v38;
	(xrf0) =	vmin.scan.msk.u32 $0xffff, v4  }
0x19e: {  	(xrf0) =	vmin.scan.msk.f32 $0xffff, v54;
	_ =	sdelay $0x4  }
0x19f: {  	v4, _, _ =	vpop (xrf0)  }
0x1a0: {  	v55, _, _ =	vpop (xrf0)  }
0x1a1: {  	v8 =	vbroadcast v55, $0xF  }
0x1a2: {  	v56 =	vsel vm8, v33, v39  }
0x1a3: {  	v57 =	vxor.u32 $0x80000000, v56;
	vm9 =	veq.f32 v54, v8  }
0x1a4: {  	v6 =	vnsel vm9, $0xC0000000, v57  }
0x1a5: {  	(xrf0) =	vmin.scan.msk.u32 $0xffff, v6;
	_ =	sdelay $0x2  }
0x1a6: {  	(v2sf) =	vpush v44, $0xF  }
0x1a7: {  	(v2sf) =	vpush v51, $0xF;
	_ =	sdelay $0x1  }
0x1a8: {  	(v2sf) =	vpush v4, $0xF;
	v58, _, _ =	vpop (xrf0)  }
0x1a9: {  	s25 =	sadd.s32 @p0 $0x10, s28;
	(v2sf) =	vpush v58, $0xF  }
0x1aa: {  	s24 =	smov.u32 @p0 s25  }
0x1ab: {  	v59 =	vld [tilespmem:s24+$0x0];
	_ =	sdelay $0x1  }
0x1ac: {  	s25 =	sadd.s32 @p0 $0x10, s26  }
0x1ad: {  	s23 =	smov.u32 @p0 s25  }
0x1ae: {  	v60 =	vld [tilespmem:s23+$0x0]  }
0x1af: {  	vm10 =	vlt.f32 v0, v59  }
0x1b0: {  	v0 =	vsel vm10, v0, v59  }
0x1b1: {  	s25 =	sand.u32 $0xC, s22;
	v62 =	vld [tilespmem:$0x1FFD0];
	vm11 =	vlt.f32 v2, v0  }
0x1b2: {  	v0 =	vsel vm11, v2, v0;
	v2 =	vmov s25  }
0x1b3: {  	s30 =	sor.u32 $0x1, s25;
	vm3 =	veq.s32 v2, v27;
	v2 =	vsel vm10, v31, v60;
	vm2 =	vlt.f32 v1, v0;
	s29 =	spop (v2sf)  }
0x1b4: {  	p1 =	sne.s32 s21, s12;
	v61 =	vmov s30;
	v0 =	vsel vm2, v1, v0;
	v1 =	vsel vm11, v30, v2;
	s31 =	spop (v2sf)  }
0x1b5: {  	vm12 =	veq.s32 v61, v27;
	v1 =	vsel vm2, v29, v1;
	vm13 =	vlt.f32 v3, v0;
	s26 =	sxor.u32 $0x80000000, s29;
	s29 =	sor.u32 $0x2, s25;
	s28 =	sxor.u32 $0x80000000, s31  }
.Ltmp6:
0x1b6: {  	v0 =	vsel vm13, v3, v0;
	v5 =	vsel vm3, s26, v62;
	v63 =	vmov s29;
	s31 =	sor.u32 $0x3, s25;
	s30 =	spop (v2sf);
	(pc) =	sbr.rel @p1 .LBB2_4-.Ltmp6, $4  }
.Ltmp7:
0x1b7: {  	vm14 =	veq.s32 v63, v27;
	v2 =	vsel vm12, s28, v5;
	v3 =	vmov s31;
	s28 =	sxor.u32 $0x80000000, s30;
	s29 =	spop (v2sf);
	(pc) =	sbr.rel @!p1 .LBB2_11-.Ltmp7, $4  }
0x1b8: {  	v1 =	vsel vm13, v28, v1;
	[tilespmem:s24+$0x0] =	vst v0;
	vm15 =	veq.s32 v3, v27;
	v0 =	vsel vm14, s28, v2;
	s30 =	sxor.u32 $0x80000000, s29  }
0x1b9: {  	p0 =	sne.s32 s25, $0xC;
	[tilespmem:s23+$0x0] =	vst v1;
	s31 =	sadd.s32 $0x1, s21;
	v0 =	vsel vm15, s30, v0  }
0x1ba: {  	s21 =	smov.u32 s31;
	[tilespmem:s22+$0x6074] =	vst @!p0 v0  }
0x1bb: {  	_ = 	snop  }
.LBB2_5:
.Ltmp8:
0x1bc: {  	(pc) =	sbr.rel .LBB2_10-.Ltmp8, $4  }
0x1bd: {  	v13 =	vmov v16;
	v25 =	vmov v10;
	v10 =	vmov v11  }
0x1be: {  	v16 =	vmovc v8;
	v32 =	vmovc v14;
	v31 =	vmov v17;
	v43 =	vimm.f32 $+Inf;
	v41 =	vimm.f32 $+Inf  }
0x1bf: {  	v30 =	vmovc v7;
	v29 =	vmovc v6;
	v38 =	vimm.f32 $+Inf;
	v44 =	vimm.s32 $0x0;
	v42 =	vimm.s32 $0x0  }
0x1c0: {  	v28 =	vmovc v5;
	s25 =	simm.s32 $0x0;
	s28 =	simm.s32 $0x5380;
	s26 =	simm.s32 $0x5A00;
	v40 =	vimm.s32 $0x0;
	v39 =	vimm.s32 $0x0;
	v17 =	vmovc v15;
	v46 =	vimm.f32 $+Inf  }
.LBB2_7:
.Ltmp9:
0x1c1: {  	(pc) =	sbr.rel .LBB2_10-.Ltmp9, $4  }
0x1c2: {  	v31 =	vld [tilespmem:$0x1FFB0]  }
0x1c3: {  	v30 =	vld [tilespmem:$0x1FFA0]  }
0x1c4: {  	v29 =	vld [tilespmem:$0x1FF90]  }
0x1c5: {  	v13 =	vmovc v10;
	v10 =	vmovc v11;
	v16 =	vmov v8;
	v25 =	vmov v15;
	v32 =	vmov v14;
	v28 =	vld [tilespmem:$0x1FF80];
	s28 =	simm.s32 $0x5380;
	s26 =	simm.s32 $0x5A00  }
.LBB2_12:
0x1c6: {  	_ =	sfence.sel $0x180000  }
0x1c7: {  	[bflag:$0x0] =	sbarrier.arrive $0xFFFF  }
0x1c8: {  	p0 =	sne.s32 s0, $0x0;
	_ =	strace $0x90000047  }
0x1c9: {  	s0 =	sadd.s32 @!p0 $0x100000, s1;
	[bflag:$0x2] =	sbarrier.arrive $0xFFFF  }
0x1ca: {  	[sflag:s0] =	ssyncadd.tile.s32 @!p0 $0x1;
	_ =	shalt  }
.Lfunc_end2:
_tile_overlayer_lowered:
.L_overlay_start_2:
0x1cb: {  	(tag) =	ssettag $0x2  }
0x1cc: {  	s0 =	rddreg [dreg:$0x0];
	s2 =	stileid.u32  }
0x1cd: {  	s1 =	rddreg [dreg:$0x1];
	p0 =	sne.s32 s2, $0x0  }
0x1ce: {  	s3 =	rddreg [dreg:$0x2];
	[bflag:$0x3] =	sbarrier.arrive $0xFFFF;
	s2 =	simm.s32 @!p0 $0x1C01  }
0x1cf: {  	[timem:s3], [sflag:s2] =	dma.local @!p0 [hbm:s0], s1  }
0x1d0: {  	s0 =	simm.s32 @!p0 $0x1  }
0x1d1: {  	_ =	swait.ge @!p0 [sflag:s0], s1  }
0x1d2: {  	s1 =	ssub.s32 @!p0 $0x0, s1;
	[sflag:s0] =	ssyncset.done @!p0 $0x0  }
0x1d3: {  	[sflag:s0] =	ssyncadd.s32 @!p0 s1  }
0x1d4: {  	[bflag:$0x3] =	sbarrier.arrive $0xFFFF  }
0x1d5: {  	_ =	shalt  }

</sc_bundles>
